<compile_context>
chip_gen: v7x
topology: tpu7x:2x2x1
jax: 0.10.2.dev20260603
libtpu: 0.0.44.dev20260713+nightly
codegen_flags: <defaults>
</compile_context>

<pallas_src>
import functools

import jax
import jax.numpy as jnp
from jax import lax
from jax.experimental import pallas as pl
from jax.experimental.pallas import tpu as pltpu
from jax.experimental.pallas import tpu_sc as plsc

N = 10000
E = 320000
F = 128
H = 64
G = 64
NW = 32
CH = 128
NCH = 80
EPW = NCH * CH
EPAD = NW * EPW
PADROWS = 1024
AN = N + PADROWS
NBUF = 5
RPT = 625
BR = 2000
GRID = N // BR


def _sc_deg(dst3d):
    mesh = plsc.VectorSubcoreMesh(core_axis_name="c", subcore_axis_name="s")

    @functools.partial(
        pl.kernel, mesh=mesh,
        compiler_params=pltpu.CompilerParams(use_tc_tiling_on_sc=False),
        out_type=jax.ShapeDtypeStruct((2 * N, 16), jnp.float32),
        scratch_types=[
            pltpu.VMEM((NCH, CH), jnp.int32),
            pltpu.VMEM((CH, 16), jnp.float32),
            pltpu.VMEM((RPT, 16), jnp.float32),
            pltpu.VMEM_SHARED((AN, 16), jnp.float32),
        ],
    )
    def k(dst_hbm, out_hbm, idx_v, ones_v, z_v, acc):
        c = lax.axis_index("c")
        s = lax.axis_index("s")
        wid = s * 2 + c

        def fill_ones(i, carry):
            ones_v[i, :] = jnp.ones((16,), jnp.float32)
            return carry
        lax.fori_loop(0, CH, fill_ones, 0)

        pltpu.sync_copy(dst_hbm.at[wid], idx_v)

        @pl.when(s < N // RPT)
        def _init():
            def fill_zero(i, carry):
                z_v[i, :] = jnp.zeros((16,), jnp.float32)
                return carry
            lax.fori_loop(0, RPT, fill_zero, 0)
            pltpu.sync_copy(z_v, acc.at[pl.ds(s * RPT, RPT)])

        plsc.subcore_barrier()

        def body(j, carry):
            pltpu.sync_copy(ones_v, acc.at[idx_v.at[j]], add=True)
            return carry
        lax.fori_loop(0, NCH, body, 0)

        plsc.subcore_barrier()

        @pl.when(s < N // RPT)
        def _writeback():
            pltpu.sync_copy(acc.at[pl.ds(s * RPT, RPT)],
                            out_hbm.at[pl.ds(c * N + s * RPT, RPT)])

    return k(dst3d)


def _sc_agg(y, src3d, dst3d):
    mesh = plsc.VectorSubcoreMesh(core_axis_name="c", subcore_axis_name="s")

    @functools.partial(
        pl.kernel, mesh=mesh,
        compiler_params=pltpu.CompilerParams(use_tc_tiling_on_sc=False),
        out_type=jax.ShapeDtypeStruct((N, 2 * H), jnp.float32),
        scratch_types=[
            pltpu.VMEM((NCH, CH), jnp.int32),
            pltpu.VMEM((NCH, CH), jnp.int32),
            [pltpu.VMEM((CH, H), jnp.float32) for _ in range(NBUF)],
            pltpu.VMEM_SHARED((AN, H), jnp.float32),
            pltpu.SemaphoreType.DMA,
            pltpu.SemaphoreType.DMA,
        ],
    )
    def k(y_hbm, src_hbm, dst_hbm, out_hbm, src_v, dst_v, bufs, acc,
          gsem, ssem):
        c = lax.axis_index("c")
        s = lax.axis_index("s")
        wid = s * 2 + c
        pltpu.sync_copy(src_hbm.at[wid], src_v)
        pltpu.sync_copy(dst_hbm.at[wid], dst_v)

        @pl.when(s < N // RPT)
        def _init():
            pltpu.sync_copy(y_hbm.at[pl.ds(s * RPT, RPT)],
                            acc.at[pl.ds(s * RPT, RPT)])

        plsc.subcore_barrier()

        for b in range(NBUF):
            pltpu.async_copy(y_hbm.at[src_v.at[b]], bufs[b], gsem)

        def body(i, carry):
            j0 = i * NBUF
            for b in range(NBUF):
                pltpu.make_async_copy(
                    y_hbm.at[src_v.at[j0 + b]], bufs[b], gsem).wait()
                pltpu.async_copy(bufs[b], acc.at[dst_v.at[j0 + b]], ssem,
                                 add=True)
            for b in range(NBUF):
                @pl.when(j0 + b + NBUF < NCH)
                def _refill(b=b):
                    pltpu.make_async_copy(
                        bufs[b], acc.at[dst_v.at[j0 + b]], ssem).wait()
                    pltpu.async_copy(
                        y_hbm.at[src_v.at[j0 + b + NBUF]], bufs[b], gsem)
            return carry
        lax.fori_loop(0, NCH // NBUF, body, 0)

        for b in range(NBUF):
            pltpu.make_async_copy(
                bufs[b], acc.at[dst_v.at[NCH - NBUF + b]], ssem).wait()

        plsc.subcore_barrier()

        @pl.when(s < N // RPT)
        def _writeback():
            pltpu.sync_copy(acc.at[pl.ds(s * RPT, RPT)],
                            out_hbm.at[pl.ds(s * RPT, RPT), pl.ds(c * H, H)])

    return k(y, src3d, dst3d)


def _conv_mat(wrow, lin, lout):
    ii = lax.broadcasted_iota(jnp.int32, (lin, lout), 0)
    jj = lax.broadcasted_iota(jnp.int32, (lin, lout), 1)
    t = ii - 2 * jj
    acc = jnp.zeros((lin, lout), jnp.float32)
    for tap in range(10):
        acc = acc + jnp.where(t == tap, wrow[:, tap:tap + 1], 0.0)
    return acc


def _tc_pre(x, dp, conv_w, conv_b, g1w):
    def body(x_ref, dp0_ref, dp1_ref, cw_ref, cb_ref, g1w_ref,
             y_ref, dinv_ref, w_scr, c1_scr):
        i = pl.program_id(0)

        @pl.when(i == 0)
        def _build():
            wrow = cw_ref[...]
            c1m = _conv_mat(wrow, F, 60)
            c2m = _conv_mat(wrow, 60, 26)
            c3m = _conv_mat(wrow, 26, 9)
            m = jnp.dot(jnp.dot(c1m, c2m, preferred_element_type=jnp.float32),
                        c3m, preferred_element_type=jnp.float32)
            w_scr[...] = jnp.dot(m, g1w_ref[...],
                                 preferred_element_type=jnp.float32)
            ssum = jnp.sum(wrow, keepdims=True)
            beta = cb_ref[...] * (ssum * ssum + ssum + 1.0)
            c1_scr[...] = beta * jnp.sum(g1w_ref[...], axis=0, keepdims=True)

        deg = dp0_ref[:, 0:1] + dp1_ref[:, 0:1] + 1.0
        dinv = lax.rsqrt(deg)
        dinv_ref[...] = dinv
        t0 = (jnp.dot(x_ref[...], w_scr[...],
                      preferred_element_type=jnp.float32) + c1_scr[...])
        y_ref[...] = dinv * t0

    return pl.pallas_call(
        body,
        grid=(GRID,),
        in_specs=[
            pl.BlockSpec((BR, F), lambda i: (i, 0)),
            pl.BlockSpec((BR, 16), lambda i: (i, 0)),
            pl.BlockSpec((BR, 16), lambda i: (i + GRID, 0)),
            pl.BlockSpec((1, 10), lambda i: (0, 0)),
            pl.BlockSpec((1, 1), lambda i: (0, 0)),
            pl.BlockSpec((9, H), lambda i: (0, 0)),
        ],
        out_specs=[
            pl.BlockSpec((BR, H), lambda i: (i, 0)),
            pl.BlockSpec((BR, 1), lambda i: (i, 0)),
        ],
        out_shape=[
            jax.ShapeDtypeStruct((N, H), jnp.float32),
            jax.ShapeDtypeStruct((N, 1), jnp.float32),
        ],
        scratch_shapes=[
            pltpu.VMEM((F, H), jnp.float32),
            pltpu.VMEM((1, H), jnp.float32),
        ],
    )(x, dp, dp, conv_w, conv_b, g1w)


def _tc_mid(p, y_prev, dinv, bias, w):
    def body(p_ref, yp_ref, dinv_ref, b_ref, w_ref, y_ref):
        dinv = dinv_ref[...]
        sagg = p_ref[:, :H] + p_ref[:, H:] - yp_ref[...]
        h = jnp.maximum(dinv * sagg + b_ref[...], 0.0)
        y_ref[...] = dinv * jnp.dot(h, w_ref[...],
                                    preferred_element_type=jnp.float32)

    return pl.pallas_call(
        body,
        grid=(GRID,),
        in_specs=[
            pl.BlockSpec((BR, 2 * H), lambda i: (i, 0)),
            pl.BlockSpec((BR, H), lambda i: (i, 0)),
            pl.BlockSpec((BR, 1), lambda i: (i, 0)),
            pl.BlockSpec((1, H), lambda i: (0, 0)),
            pl.BlockSpec((H, H), lambda i: (0, 0)),
        ],
        out_specs=pl.BlockSpec((BR, H), lambda i: (i, 0)),
        out_shape=jax.ShapeDtypeStruct((N, H), jnp.float32),
    )(p, y_prev, dinv, bias, w)


def _tc_post(p, y3, dinv, g3b, batch2d, l1w, l1b, l2w, l2b):
    def body(p_ref, y3_ref, dinv_ref, b_ref, bat_ref,
             l1w_ref, l1b_ref, l2w_ref, l2b_ref, out_ref,
             pooled_scr, cnt_scr):
        i = pl.program_id(0)
        h = (dinv_ref[...] * (p_ref[:, :H] + p_ref[:, H:] - y3_ref[...])
             + b_ref[...])
        gids = lax.broadcasted_iota(jnp.int32, (1, G), 1)
        onehot = (bat_ref[...] == gids).astype(jnp.float32)
        dn = (((0,), (0,)), ((), ()))
        pooled_inc = lax.dot_general(onehot, h, dn,
                                     preferred_element_type=jnp.float32)
        cnt_inc = lax.dot_general(onehot, jnp.ones((BR, 1), jnp.float32), dn,
                                  preferred_element_type=jnp.float32)

        @pl.when(i == 0)
        def _init():
            pooled_scr[...] = pooled_inc
            cnt_scr[...] = cnt_inc

        @pl.when(i > 0)
        def _acc():
            pooled_scr[...] = pooled_scr[...] + pooled_inc
            cnt_scr[...] = cnt_scr[...] + cnt_inc

        @pl.when(i == GRID - 1)
        def _final():
            pooled = pooled_scr[...] / jnp.maximum(cnt_scr[...], 1.0)
            dn1 = (((1,), (1,)), ((), ()))
            z = jnp.maximum(
                lax.dot_general(pooled, l1w_ref[...], dn1,
                                preferred_element_type=jnp.float32)
                + l1b_ref[...], 0.0)
            o = (jnp.sum(z * l2w_ref[...], axis=1, keepdims=True)
                 + l2b_ref[0, 0])
            out_ref[...] = jax.nn.sigmoid(o)

    return pl.pallas_call(
        body,
        grid=(GRID,),
        in_specs=[
            pl.BlockSpec((BR, 2 * H), lambda i: (i, 0)),
            pl.BlockSpec((BR, H), lambda i: (i, 0)),
            pl.BlockSpec((BR, 1), lambda i: (i, 0)),
            pl.BlockSpec((1, H), lambda i: (0, 0)),
            pl.BlockSpec((BR, 1), lambda i: (i, 0)),
            pl.BlockSpec((32, H), lambda i: (0, 0)),
            pl.BlockSpec((1, 32), lambda i: (0, 0)),
            pl.BlockSpec((1, 32), lambda i: (0, 0)),
            pl.BlockSpec((1, 1), lambda i: (0, 0)),
        ],
        out_specs=pl.BlockSpec((G, 1), lambda i: (0, 0)),
        out_shape=jax.ShapeDtypeStruct((G, 1), jnp.float32),
        scratch_shapes=[
            pltpu.VMEM((G, G), jnp.float32),
            pltpu.VMEM((G, 1), jnp.float32),
        ],
    )(p, y3, dinv, g3b, batch2d, l1w, l1b, l2w, l2b)


def kernel(x, edge_index, batch, conv_w, conv_b, g1w, g1b, g2w, g2b,
           g3w, g3b, l1w, l1b, l2w, l2b):
    pad = EPAD - E
    src3d = jnp.concatenate(
        [edge_index[0],
         jnp.arange(pad, dtype=jnp.int32) % N]).reshape(NW, NCH, CH)
    dst3d = jnp.concatenate(
        [edge_index[1],
         N + (jnp.arange(pad, dtype=jnp.int32) % PADROWS)]
    ).reshape(NW, NCH, CH)
    cw = conv_w.reshape(1, 10)
    cb = conv_b.reshape(1, 1)

    dp = _sc_deg(dst3d)
    y1, dinv = _tc_pre(x, dp, cw, cb, g1w)
    p1 = _sc_agg(y1, src3d, dst3d)
    y2 = _tc_mid(p1, y1, dinv, g1b.reshape(1, H), g2w)
    p2 = _sc_agg(y2, src3d, dst3d)
    y3 = _tc_mid(p2, y2, dinv, g2b.reshape(1, H), g3w)
    p3 = _sc_agg(y3, src3d, dst3d)
    out = _tc_post(p3, y3, dinv, g3b.reshape(1, H),
                   batch.reshape(N, 1), l1w, l1b.reshape(1, 32),
                   l2w, l2b.reshape(1, 1))
    return out

# --- scband reference (transcript-rebuilt; emitter-appended) ---
"""Pipeline reference for scband-gcn-tc-61229053772177 (READ-ONLY COPY).

The authoritative reference and input builder live on the scoring server;
editing this copy changes nothing except your own understanding.
"""

import jax, jax.numpy as jnp
import numpy as np

N = 10000
E = 320000
F = 128
HID = 64
OUT = 32
G = 64


def setup_inputs(seed: int = 0) -> dict:
    key = jax.random.key(seed)
    ks = jax.random.split(key, 16)
    x = jax.random.normal(ks[0], (N, F), dtype=jnp.float32)
    edge_index = jax.random.randint(ks[1], (2, E), 0, N, dtype=jnp.int32)
    batch = jnp.sort(jax.random.randint(ks[2], (N,), 0, G, dtype=jnp.int32))
    # Conv2d(1, 1, (1, 10), stride=(1, 2)) params (shared across the 3 applications)
    conv_w = jax.random.normal(ks[3], (1, 1, 1, 10), dtype=jnp.float32) * 0.3
    conv_b = jax.random.normal(ks[4], (1,), dtype=jnp.float32) * 0.1
    # GCNConv params: in 9 -> 64 -> 64 -> 64 (torch GCNConv lin weight used as x @ W)
    g1w = jax.random.normal(ks[5], (9, HID), dtype=jnp.float32) * (1.0 / np.sqrt(9))
    g1b = jnp.zeros((HID,), dtype=jnp.float32)
    g2w = jax.random.normal(ks[6], (HID, HID), dtype=jnp.float32) * (1.0 / np.sqrt(HID))
    g2b = jnp.zeros((HID,), dtype=jnp.float32)
    g3w = jax.random.normal(ks[7], (HID, HID), dtype=jnp.float32) * (1.0 / np.sqrt(HID))
    g3b = jnp.zeros((HID,), dtype=jnp.float32)
    # Linear(64, 32) and Linear(32, 1), torch layout [out, in]
    l1w = jax.random.normal(ks[8], (OUT, HID), dtype=jnp.float32) * (1.0 / np.sqrt(HID))
    l1b = jnp.zeros((OUT,), dtype=jnp.float32)
    l2w = jax.random.normal(ks[9], (1, OUT), dtype=jnp.float32) * (1.0 / np.sqrt(OUT))
    l2b = jnp.zeros((1,), dtype=jnp.float32)
    return {"x": x, "edge_index": edge_index, "batch": batch,
            "conv_w": conv_w, "conv_b": conv_b,
            "g1w": g1w, "g1b": g1b, "g2w": g2w, "g2b": g2b, "g3w": g3w, "g3b": g3b,
            "l1w": l1w, "l1b": l1b, "l2w": l2w, "l2b": l2b}


def _conv2d_1x10_s2(h, w, b):
    # h: [1,1,N,W]; Conv2d(1,1,(1,10),stride=(1,2)), VALID padding
    out = jax.lax.conv_general_dilated(h, w, window_strides=(1, 2), padding='VALID',
                                       dimension_numbers=('NCHW', 'OIHW', 'NCHW'))
    return out + b[None, :, None, None]


def _gcn_conv(x, edge_index, W, b):
    # PyG GCNConv: add self-loops, symmetric normalization, scatter-add aggregation at dst
    n = x.shape[0]
    xw = x @ W
    loop = jnp.arange(n, dtype=edge_index.dtype)
    src = jnp.concatenate([edge_index[0], loop])
    dst = jnp.concatenate([edge_index[1], loop])
    deg = jax.ops.segment_sum(jnp.ones_like(src, dtype=xw.dtype), dst, num_segments=n)
    dinv = jnp.where(deg > 0, jax.lax.rsqrt(deg), 0.0)
    norm = dinv[src] * dinv[dst]
    msgs = norm[:, None] * jnp.take(xw, src, axis=0)
    out = jax.ops.segment_sum(msgs, dst, num_segments=n)
    return out + b


def reference(x, edge_index, batch, conv_w, conv_b, g1w, g1b, g2w, g2b, g3w, g3b, l1w, l1b, l2w, l2b):
    h = x[None, None, :, :]  # unsqueeze -> treated as [C=1,H=N,W=F] by Conv2d; batch dim added for lax
    h = _conv2d_1x10_s2(h, conv_w, conv_b)  # W: 128 -> 60
    h = _conv2d_1x10_s2(h, conv_w, conv_b)  # 60 -> 26
    h = _conv2d_1x10_s2(h, conv_w, conv_b)  # 26 -> 9
    h = h[0, 0]  # [N, 9]
    h = _gcn_conv(h, edge_index, g1w, g1b)
    h = jax.nn.relu(h)
    h = _gcn_conv(h, edge_index, g2w, g2b)
    h = jax.nn.relu(h)
    h = _gcn_conv(h, edge_index, g3w, g3b)
    # global_mean_pool over batch assignment
    sums = jax.ops.segment_sum(h, batch, num_segments=G)
    counts = jax.ops.segment_sum(jnp.ones((h.shape[0],), h.dtype), batch, num_segments=G)
    pooled = sums / jnp.maximum(counts, 1.0)[:, None]
    z = jax.nn.relu(pooled @ l1w.T + l1b)
    out = jax.nn.sigmoid(z @ l2w.T + l2b)
    return out

if __name__ == "__main__":
    import jax
    _d = setup_inputs()
    print(jax.jit(kernel)(*tuple(_d.values())))

</pallas_src>

<mosaic_0001>
#map = affine_map<(d0, d1) -> (0, 0, 0)>
#map1 = affine_map<(d0, d1) -> (0, 0)>
module attributes {stable_mosaic.version = 14 : i64} {
  func.func @k(%arg0: i32, %arg1: i32, %arg2: memref<32x80x128xi32, #tpu.memory_space<hbm>>, %arg3: memref<20000x16xf32, #tpu.memory_space<hbm>>, %arg4: memref<80x128xi32, #tpu.memory_space<vmem>>, %arg5: memref<128x16xf32, #tpu.memory_space<vmem>>, %arg6: memref<625x16xf32, #tpu.memory_space<vmem>>, %arg7: memref<11024x16xf32, #tpu.memory_space<vmem_shared>>) attributes {dimension_semantics = [#tpu.dimension_semantics<core_parallel>, #tpu.dimension_semantics<subcore_parallel>], iteration_bounds = array<i64: 2, 16>, scalar_prefetch = 0 : i64, scratch_operands = 4 : i64, tpu.core_type = #tpu.core_type<sc_vector_subcore>, window_params = [{transform_indices = #map}, {transform_indices = #map1}]} {
    %mul3A = arith.constant 2 : i32
    %mul3A_0 = arith.muli %arg1, %mul3A : i32
    %add3A = arith.addi %mul3A_0, %arg0 : i32
    %scan3A = arith.constant 0 : i32
    %scan3A_1 = arith.constant 0 : i32
    %scan3A_2 = arith.constant 128 : i32
    %scan3A_3 = arith.addi %scan3A_1, %scan3A_2 : i32
    %scan3A_4 = arith.constant 1 : i32
    scf.for %scan3A_20 = %scan3A_1 to %scan3A_3 step %scan3A_4  : i32 {
      %broadcast_in_dim3A = arith.constant 1.000000e+00 : f32
      %broadcast_in_dim3A_21 = vector.broadcast %broadcast_in_dim3A : f32 to vector<16xf32>
      %swap3A = arith.index_cast %scan3A_20 : i32 to index
      %swap3A_22 = arith.constant 0 : index
      %swap3A_23 = tpu.vector_load %arg5[%swap3A, %swap3A_22] {strides = array<i32>} : memref<128x16xf32, #tpu.memory_space<vmem>>, vector<1x16xf32>,
      %swap3A_24 = vector.shape_cast %swap3A_23 : vector<1x16xf32> to vector<16xf32>
      %swap3A_25 = vector.shape_cast %broadcast_in_dim3A_21 : vector<16xf32> to vector<1x16xf32>
      tpu.vector_store %arg5[%swap3A, %swap3A_22], %swap3A_25 {strides = array<i32>} : memref<128x16xf32, #tpu.memory_space<vmem>>, vector<1x16xf32>,
    }
    %scan3A_5 = arith.constant 128 : i32
    "tpu.region"() ({
      %run_scoped3A = tpu.sem_alloc : memref<!tpu.dma_semaphore, #tpu.memory_space<semaphore_mem>>
      %dma_start3A = arith.constant 0 : i32
      %dma_start3A_20 = arith.constant 0 : i32
      %dma_start3A_21 = tpu.memref_slice %arg2[%add3A, %dma_start3A, %dma_start3A_20] : memref<32x80x128xi32, #tpu.memory_space<hbm>> -> memref<1x80x128xi32, #tpu.memory_space<hbm>>
      %dma_start3A_22 = tpu.memref_squeeze %dma_start3A_21 : memref<1x80x128xi32, #tpu.memory_space<hbm>> -> memref<80x128xi32, #tpu.memory_space<hbm>>
      %dma_start3A_23 = arith.constant 0 : i32
      %dma_start3A_24 = arith.constant 0 : i32
      %dma_start3A_25 = tpu.memref_slice %arg2[%add3A, %dma_start3A_23, %dma_start3A_24] : memref<32x80x128xi32, #tpu.memory_space<hbm>> -> memref<1x80x128xi32, #tpu.memory_space<hbm>>
      %dma_start3A_26 = tpu.memref_squeeze %dma_start3A_25 : memref<1x80x128xi32, #tpu.memory_space<hbm>> -> memref<80x128xi32, #tpu.memory_space<hbm>>
      tpu.enqueue_dma source(%dma_start3A_26 : memref<80x128xi32, #tpu.memory_space<hbm>>) target(%arg4 : memref<80x128xi32, #tpu.memory_space<vmem>>) target_semaphore(%run_scoped3A : memref<!tpu.dma_semaphore, #tpu.memory_space<semaphore_mem>>)
      %dma_wait3A = arith.constant 0 : i32
      %dma_wait3A_27 = arith.constant 0 : i32
      %dma_wait3A_28 = tpu.memref_slice %arg2[%add3A, %dma_wait3A, %dma_wait3A_27] : memref<32x80x128xi32, #tpu.memory_space<hbm>> -> memref<1x80x128xi32, #tpu.memory_space<hbm>>
      %dma_wait3A_29 = tpu.memref_squeeze %dma_wait3A_28 : memref<1x80x128xi32, #tpu.memory_space<hbm>> -> memref<80x128xi32, #tpu.memory_space<hbm>>
      %dma_wait3A_30 = arith.constant 0 : i32
      %dma_wait3A_31 = arith.constant 0 : i32
      %dma_wait3A_32 = tpu.memref_slice %arg2[%add3A, %dma_wait3A_30, %dma_wait3A_31] : memref<32x80x128xi32, #tpu.memory_space<hbm>> -> memref<1x80x128xi32, #tpu.memory_space<hbm>>
      %dma_wait3A_33 = tpu.memref_squeeze %dma_wait3A_32 : memref<1x80x128xi32, #tpu.memory_space<hbm>> -> memref<80x128xi32, #tpu.memory_space<hbm>>
      tpu.wait_dma2 semaphore(%run_scoped3A : memref<!tpu.dma_semaphore, #tpu.memory_space<semaphore_mem>>) src(%dma_wait3A_33 : memref<80x128xi32, #tpu.memory_space<hbm>>) dst(%arg4 : memref<80x128xi32, #tpu.memory_space<vmem>>)
      tpu.yield
    }) : () -> ()
    %lt3A = arith.constant 16 : i32
    %lt3A_6 = arith.cmpi slt, %arg1, %lt3A : i32
    %convert_element_type3A = arith.extui %lt3A_6 : i1 to i32
    %cond3A = arith.constant 0 : i32
    %cond3A_7 = arith.cmpi ne, %convert_element_type3A, %cond3A : i32
    scf.if %cond3A_7 {
      %scan3A_20 = arith.constant 0 : i32
      %scan3A_21 = arith.constant 0 : i32
      %scan3A_22 = arith.constant 625 : i32
      %scan3A_23 = arith.addi %scan3A_21, %scan3A_22 : i32
      %scan3A_24 = arith.constant 1 : i32
      scf.for %scan3A_28 = %scan3A_21 to %scan3A_23 step %scan3A_24  : i32 {
        %broadcast_in_dim3A = arith.constant 0.000000e+00 : f32
        %broadcast_in_dim3A_29 = vector.broadcast %broadcast_in_dim3A : f32 to vector<16xf32>
        %swap3A = arith.index_cast %scan3A_28 : i32 to index
        %swap3A_30 = arith.constant 0 : index
        %swap3A_31 = tpu.vector_load %arg6[%swap3A, %swap3A_30] {strides = array<i32>} : memref<625x16xf32, #tpu.memory_space<vmem>>, vector<1x16xf32>,
        %swap3A_32 = vector.shape_cast %swap3A_31 : vector<1x16xf32> to vector<16xf32>
        %swap3A_33 = vector.shape_cast %broadcast_in_dim3A_29 : vector<16xf32> to vector<1x16xf32>
        tpu.vector_store %arg6[%swap3A, %swap3A_30], %swap3A_33 {strides = array<i32>} : memref<625x16xf32, #tpu.memory_space<vmem>>, vector<1x16xf32>,
      }
      %scan3A_25 = arith.constant 625 : i32
      %mul3A_26 = arith.constant 625 : i32
      %mul3A_27 = arith.muli %arg1, %mul3A_26 : i32
      "tpu.region"() ({
        %run_scoped3A = tpu.sem_alloc : memref<!tpu.dma_semaphore, #tpu.memory_space<semaphore_mem>>
        %dma_start3A = arith.constant 0 : i32
        %dma_start3A_28 = tpu.memref_slice %arg7[%mul3A_27, %dma_start3A] : memref<11024x16xf32, #tpu.memory_space<vmem_shared>> -> memref<625x16xf32, #tpu.memory_space<vmem_shared>>
        %dma_start3A_29 = arith.constant 0 : i32
        %dma_start3A_30 = tpu.memref_slice %arg7[%mul3A_27, %dma_start3A_29] : memref<11024x16xf32, #tpu.memory_space<vmem_shared>> -> memref<625x16xf32, #tpu.memory_space<vmem_shared>>
        tpu.enqueue_dma source(%arg6 : memref<625x16xf32, #tpu.memory_space<vmem>>) target(%dma_start3A_30 : memref<625x16xf32, #tpu.memory_space<vmem_shared>>) target_semaphore(%run_scoped3A : memref<!tpu.dma_semaphore, #tpu.memory_space<semaphore_mem>>)
        %dma_wait3A = arith.constant 0 : i32
        %dma_wait3A_31 = tpu.memref_slice %arg7[%mul3A_27, %dma_wait3A] : memref<11024x16xf32, #tpu.memory_space<vmem_shared>> -> memref<625x16xf32, #tpu.memory_space<vmem_shared>>
        %dma_wait3A_32 = arith.constant 0 : i32
        %dma_wait3A_33 = tpu.memref_slice %arg7[%mul3A_27, %dma_wait3A_32] : memref<11024x16xf32, #tpu.memory_space<vmem_shared>> -> memref<625x16xf32, #tpu.memory_space<vmem_shared>>
        tpu.wait_dma2 semaphore(%run_scoped3A : memref<!tpu.dma_semaphore, #tpu.memory_space<semaphore_mem>>) src(%arg6 : memref<625x16xf32, #tpu.memory_space<vmem>>) dst(%dma_wait3A_33 : memref<625x16xf32, #tpu.memory_space<vmem_shared>>)
        tpu.yield
      }) : () -> ()
    } else {
    }
    %barrier3A = arith.constant 0 : index
    tpu.barrier barrier_id(%barrier3A)
    %scan3A_8 = arith.constant 0 : i32
    %scan3A_9 = arith.constant 0 : i32
    %scan3A_10 = arith.constant 80 : i32
    %scan3A_11 = arith.addi %scan3A_9, %scan3A_10 : i32
    %scan3A_12 = arith.constant 1 : i32
    scf.for %scan3A_20 = %scan3A_9 to %scan3A_11 step %scan3A_12  : i32 {
      "tpu.region"() ({
        %run_scoped3A = tpu.sem_alloc : memref<!tpu.dma_semaphore, #tpu.memory_space<semaphore_mem>>
        %dma_start3A = arith.constant 0 : i32
        %dma_start3A_21 = tpu.memref_slice %arg4[%scan3A_20, %dma_start3A] : memref<80x128xi32, #tpu.memory_space<vmem>> -> memref<1x128xi32, #tpu.memory_space<vmem>>
        %dma_start3A_22 = tpu.memref_squeeze %dma_start3A_21 : memref<1x128xi32, #tpu.memory_space<vmem>> -> memref<128xi32, #tpu.memory_space<vmem>>
        %dma_start3A_23 = arith.constant 0 : i32
        %dma_start3A_24 = arith.constant 0 : i32
        %dma_start3A_25 = tpu.memref_slice %arg7[%dma_start3A_23, %dma_start3A_24] : memref<11024x16xf32, #tpu.memory_space<vmem_shared>> -> memref<11024x16xf32, #tpu.memory_space<vmem_shared>>
        tpu.enqueue_indirect_dma source(%arg5 : memref<128x16xf32, #tpu.memory_space<vmem>>) target(%dma_start3A_25 : memref<11024x16xf32, #tpu.memory_space<vmem_shared>>) offsets(%dma_start3A_22 : memref<128xi32, #tpu.memory_space<vmem>>) semaphore(%run_scoped3A : memref<!tpu.dma_semaphore, #tpu.memory_space<semaphore_mem>>) {add = true}
        %dma_wait3A = arith.constant 0 : i32
        %dma_wait3A_26 = tpu.memref_slice %arg4[%scan3A_20, %dma_wait3A] : memref<80x128xi32, #tpu.memory_space<vmem>> -> memref<1x128xi32, #tpu.memory_space<vmem>>
        %dma_wait3A_27 = tpu.memref_squeeze %dma_wait3A_26 : memref<1x128xi32, #tpu.memory_space<vmem>> -> memref<128xi32, #tpu.memory_space<vmem>>
        %dma_wait3A_28 = arith.constant 0 : i32
        %dma_wait3A_29 = arith.constant 0 : i32
        %dma_wait3A_30 = tpu.memref_slice %arg7[%dma_wait3A_28, %dma_wait3A_29] : memref<11024x16xf32, #tpu.memory_space<vmem_shared>> -> memref<11024x16xf32, #tpu.memory_space<vmem_shared>>
        tpu.wait_indirect_dma semaphore(%run_scoped3A : memref<!tpu.dma_semaphore, #tpu.memory_space<semaphore_mem>>) src(%arg5 : memref<128x16xf32, #tpu.memory_space<vmem>>) dst(%dma_wait3A_30 : memref<11024x16xf32, #tpu.memory_space<vmem_shared>>)
        tpu.yield
      }) : () -> ()
    }
    %scan3A_13 = arith.constant 80 : i32
    %barrier3A_14 = arith.constant 0 : index
    tpu.barrier barrier_id(%barrier3A_14)
    %lt3A_15 = arith.constant 16 : i32
    %lt3A_16 = arith.cmpi slt, %arg1, %lt3A_15 : i32
    %convert_element_type3A_17 = arith.extui %lt3A_16 : i1 to i32
    %cond3A_18 = arith.constant 0 : i32
    %cond3A_19 = arith.cmpi ne, %convert_element_type3A_17, %cond3A_18 : i32
    scf.if %cond3A_19 {
      %mul3A_20 = arith.constant 625 : i32
      %mul3A_21 = arith.muli %arg1, %mul3A_20 : i32
      %mul3A_22 = arith.constant 10000 : i32
      %mul3A_23 = arith.muli %arg0, %mul3A_22 : i32
      %mul3A_24 = arith.constant 625 : i32
      %mul3A_25 = arith.muli %arg1, %mul3A_24 : i32
      %add3A_26 = arith.addi %mul3A_23, %mul3A_25 : i32
      "tpu.region"() ({
        %run_scoped3A = tpu.sem_alloc : memref<!tpu.dma_semaphore, #tpu.memory_space<semaphore_mem>>
        %dma_start3A = arith.constant 0 : i32
        %dma_start3A_27 = tpu.memref_slice %arg3[%add3A_26, %dma_start3A] : memref<20000x16xf32, #tpu.memory_space<hbm>> -> memref<625x16xf32, #tpu.memory_space<hbm>>
        %dma_start3A_28 = arith.constant 0 : i32
        %dma_start3A_29 = tpu.memref_slice %arg7[%mul3A_21, %dma_start3A_28] : memref<11024x16xf32, #tpu.memory_space<vmem_shared>> -> memref<625x16xf32, #tpu.memory_space<vmem_shared>>
        tpu.enqueue_dma source(%dma_start3A_29 : memref<625x16xf32, #tpu.memory_space<vmem_shared>>) target(%dma_start3A_27 : memref<625x16xf32, #tpu.memory_space<hbm>>) target_semaphore(%run_scoped3A : memref<!tpu.dma_semaphore, #tpu.memory_space<semaphore_mem>>)
        %dma_wait3A = arith.constant 0 : i32
        %dma_wait3A_30 = tpu.memref_slice %arg3[%add3A_26, %dma_wait3A] : memref<20000x16xf32, #tpu.memory_space<hbm>> -> memref<625x16xf32, #tpu.memory_space<hbm>>
        %dma_wait3A_31 = arith.constant 0 : i32
        %dma_wait3A_32 = tpu.memref_slice %arg7[%mul3A_21, %dma_wait3A_31] : memref<11024x16xf32, #tpu.memory_space<vmem_shared>> -> memref<625x16xf32, #tpu.memory_space<vmem_shared>>
        tpu.wait_dma2 semaphore(%run_scoped3A : memref<!tpu.dma_semaphore, #tpu.memory_space<semaphore_mem>>) src(%dma_wait3A_32 : memref<625x16xf32, #tpu.memory_space<vmem_shared>>) dst(%dma_wait3A_30 : memref<625x16xf32, #tpu.memory_space<hbm>>)
        tpu.yield
      }) : () -> ()
    } else {
    }
    return
  }
}

#map = affine_map<(d0, d1) -> (0, 0)>
#map1 = affine_map<(d0, d1) -> (0, 0, 0)>
module attributes {stable_mosaic.version = 14 : i64} {
  func.func @k(%arg0: i32, %arg1: i32, %arg2: memref<10000x64xf32, #tpu.memory_space<hbm>>, %arg3: memref<32x80x128xi32, #tpu.memory_space<hbm>>, %arg4: memref<32x80x128xi32, #tpu.memory_space<hbm>>, %arg5: memref<10000x128xf32, #tpu.memory_space<hbm>>, %arg6: memref<80x128xi32, #tpu.memory_space<vmem>>, %arg7: memref<80x128xi32, #tpu.memory_space<vmem>>, %arg8: memref<128x64xf32, #tpu.memory_space<vmem>>, %arg9: memref<128x64xf32, #tpu.memory_space<vmem>>, %arg10: memref<128x64xf32, #tpu.memory_space<vmem>>, %arg11: memref<128x64xf32, #tpu.memory_space<vmem>>, %arg12: memref<128x64xf32, #tpu.memory_space<vmem>>, %arg13: memref<11024x64xf32, #tpu.memory_space<vmem_shared>>, %arg14: memref<!tpu.dma_semaphore, #tpu.memory_space<semaphore_mem>>, %arg15: memref<!tpu.dma_semaphore, #tpu.memory_space<semaphore_mem>>) attributes {dimension_semantics = [#tpu.dimension_semantics<core_parallel>, #tpu.dimension_semantics<subcore_parallel>], iteration_bounds = array<i64: 2, 16>, scalar_prefetch = 0 : i64, scratch_operands = 10 : i64, tpu.core_type = #tpu.core_type<sc_vector_subcore>, window_params = [{transform_indices = #map}, {transform_indices = #map1}, {transform_indices = #map1}, {transform_indices = #map}]} {
    %mul3A = arith.constant 2 : i32
    %mul3A_0 = arith.muli %arg1, %mul3A : i32
    %add3A = arith.addi %mul3A_0, %arg0 : i32
    "tpu.region"() ({
      %run_scoped3A = tpu.sem_alloc : memref<!tpu.dma_semaphore, #tpu.memory_space<semaphore_mem>>
      %dma_start3A_82 = arith.constant 0 : i32
      %dma_start3A_83 = arith.constant 0 : i32
      %dma_start3A_84 = tpu.memref_slice %arg3[%add3A, %dma_start3A_82, %dma_start3A_83] : memref<32x80x128xi32, #tpu.memory_space<hbm>> -> memref<1x80x128xi32, #tpu.memory_space<hbm>>
      %dma_start3A_85 = tpu.memref_squeeze %dma_start3A_84 : memref<1x80x128xi32, #tpu.memory_space<hbm>> -> memref<80x128xi32, #tpu.memory_space<hbm>>
      %dma_start3A_86 = arith.constant 0 : i32
      %dma_start3A_87 = arith.constant 0 : i32
      %dma_start3A_88 = tpu.memref_slice %arg3[%add3A, %dma_start3A_86, %dma_start3A_87] : memref<32x80x128xi32, #tpu.memory_space<hbm>> -> memref<1x80x128xi32, #tpu.memory_space<hbm>>
      %dma_start3A_89 = tpu.memref_squeeze %dma_start3A_88 : memref<1x80x128xi32, #tpu.memory_space<hbm>> -> memref<80x128xi32, #tpu.memory_space<hbm>>
      tpu.enqueue_dma source(%dma_start3A_89 : memref<80x128xi32, #tpu.memory_space<hbm>>) target(%arg6 : memref<80x128xi32, #tpu.memory_space<vmem>>) target_semaphore(%run_scoped3A : memref<!tpu.dma_semaphore, #tpu.memory_space<semaphore_mem>>)
      %dma_wait3A_90 = arith.constant 0 : i32
      %dma_wait3A_91 = arith.constant 0 : i32
      %dma_wait3A_92 = tpu.memref_slice %arg3[%add3A, %dma_wait3A_90, %dma_wait3A_91] : memref<32x80x128xi32, #tpu.memory_space<hbm>> -> memref<1x80x128xi32, #tpu.memory_space<hbm>>
      %dma_wait3A_93 = tpu.memref_squeeze %dma_wait3A_92 : memref<1x80x128xi32, #tpu.memory_space<hbm>> -> memref<80x128xi32, #tpu.memory_space<hbm>>
      %dma_wait3A_94 = arith.constant 0 : i32
      %dma_wait3A_95 = arith.constant 0 : i32
      %dma_wait3A_96 = tpu.memref_slice %arg3[%add3A, %dma_wait3A_94, %dma_wait3A_95] : memref<32x80x128xi32, #tpu.memory_space<hbm>> -> memref<1x80x128xi32, #tpu.memory_space<hbm>>
      %dma_wait3A_97 = tpu.memref_squeeze %dma_wait3A_96 : memref<1x80x128xi32, #tpu.memory_space<hbm>> -> memref<80x128xi32, #tpu.memory_space<hbm>>
      tpu.wait_dma2 semaphore(%run_scoped3A : memref<!tpu.dma_semaphore, #tpu.memory_space<semaphore_mem>>) src(%dma_wait3A_97 : memref<80x128xi32, #tpu.memory_space<hbm>>) dst(%arg6 : memref<80x128xi32, #tpu.memory_space<vmem>>)
      tpu.yield
    }) : () -> ()
    "tpu.region"() ({
      %run_scoped3A = tpu.sem_alloc : memref<!tpu.dma_semaphore, #tpu.memory_space<semaphore_mem>>
      %dma_start3A_82 = arith.constant 0 : i32
      %dma_start3A_83 = arith.constant 0 : i32
      %dma_start3A_84 = tpu.memref_slice %arg4[%add3A, %dma_start3A_82, %dma_start3A_83] : memref<32x80x128xi32, #tpu.memory_space<hbm>> -> memref<1x80x128xi32, #tpu.memory_space<hbm>>
      %dma_start3A_85 = tpu.memref_squeeze %dma_start3A_84 : memref<1x80x128xi32, #tpu.memory_space<hbm>> -> memref<80x128xi32, #tpu.memory_space<hbm>>
      %dma_start3A_86 = arith.constant 0 : i32
      %dma_start3A_87 = arith.constant 0 : i32
      %dma_start3A_88 = tpu.memref_slice %arg4[%add3A, %dma_start3A_86, %dma_start3A_87] : memref<32x80x128xi32, #tpu.memory_space<hbm>> -> memref<1x80x128xi32, #tpu.memory_space<hbm>>
      %dma_start3A_89 = tpu.memref_squeeze %dma_start3A_88 : memref<1x80x128xi32, #tpu.memory_space<hbm>> -> memref<80x128xi32, #tpu.memory_space<hbm>>
      tpu.enqueue_dma source(%dma_start3A_89 : memref<80x128xi32, #tpu.memory_space<hbm>>) target(%arg7 : memref<80x128xi32, #tpu.memory_space<vmem>>) target_semaphore(%run_scoped3A : memref<!tpu.dma_semaphore, #tpu.memory_space<semaphore_mem>>)
      %dma_wait3A_90 = arith.constant 0 : i32
      %dma_wait3A_91 = arith.constant 0 : i32
      %dma_wait3A_92 = tpu.memref_slice %arg4[%add3A, %dma_wait3A_90, %dma_wait3A_91] : memref<32x80x128xi32, #tpu.memory_space<hbm>> -> memref<1x80x128xi32, #tpu.memory_space<hbm>>
      %dma_wait3A_93 = tpu.memref_squeeze %dma_wait3A_92 : memref<1x80x128xi32, #tpu.memory_space<hbm>> -> memref<80x128xi32, #tpu.memory_space<hbm>>
      %dma_wait3A_94 = arith.constant 0 : i32
      %dma_wait3A_95 = arith.constant 0 : i32
      %dma_wait3A_96 = tpu.memref_slice %arg4[%add3A, %dma_wait3A_94, %dma_wait3A_95] : memref<32x80x128xi32, #tpu.memory_space<hbm>> -> memref<1x80x128xi32, #tpu.memory_space<hbm>>
      %dma_wait3A_97 = tpu.memref_squeeze %dma_wait3A_96 : memref<1x80x128xi32, #tpu.memory_space<hbm>> -> memref<80x128xi32, #tpu.memory_space<hbm>>
      tpu.wait_dma2 semaphore(%run_scoped3A : memref<!tpu.dma_semaphore, #tpu.memory_space<semaphore_mem>>) src(%dma_wait3A_97 : memref<80x128xi32, #tpu.memory_space<hbm>>) dst(%arg7 : memref<80x128xi32, #tpu.memory_space<vmem>>)
      tpu.yield
    }) : () -> ()
    %lt3A = arith.constant 16 : i32
    %lt3A_1 = arith.cmpi slt, %arg1, %lt3A : i32
    %convert_element_type3A = arith.extui %lt3A_1 : i1 to i32
    %cond3A = arith.constant 0 : i32
    %cond3A_2 = arith.cmpi ne, %convert_element_type3A, %cond3A : i32
    scf.if %cond3A_2 {
      %mul3A_82 = arith.constant 625 : i32
      %mul3A_83 = arith.muli %arg1, %mul3A_82 : i32
      %mul3A_84 = arith.constant 625 : i32
      %mul3A_85 = arith.muli %arg1, %mul3A_84 : i32
      "tpu.region"() ({
        %run_scoped3A = tpu.sem_alloc : memref<!tpu.dma_semaphore, #tpu.memory_space<semaphore_mem>>
        %dma_start3A_86 = arith.constant 0 : i32
        %dma_start3A_87 = tpu.memref_slice %arg13[%mul3A_85, %dma_start3A_86] : memref<11024x64xf32, #tpu.memory_space<vmem_shared>> -> memref<625x64xf32, #tpu.memory_space<vmem_shared>>
        %dma_start3A_88 = arith.constant 0 : i32
        %dma_start3A_89 = tpu.memref_slice %arg2[%mul3A_83, %dma_start3A_88] : memref<10000x64xf32, #tpu.memory_space<hbm>> -> memref<625x64xf32, #tpu.memory_space<hbm>>
        tpu.enqueue_dma source(%dma_start3A_89 : memref<625x64xf32, #tpu.memory_space<hbm>>) target(%dma_start3A_87 : memref<625x64xf32, #tpu.memory_space<vmem_shared>>) target_semaphore(%run_scoped3A : memref<!tpu.dma_semaphore, #tpu.memory_space<semaphore_mem>>)
        %dma_wait3A_90 = arith.constant 0 : i32
        %dma_wait3A_91 = tpu.memref_slice %arg13[%mul3A_85, %dma_wait3A_90] : memref<11024x64xf32, #tpu.memory_space<vmem_shared>> -> memref<625x64xf32, #tpu.memory_space<vmem_shared>>
        %dma_wait3A_92 = arith.constant 0 : i32
        %dma_wait3A_93 = tpu.memref_slice %arg2[%mul3A_83, %dma_wait3A_92] : memref<10000x64xf32, #tpu.memory_space<hbm>> -> memref<625x64xf32, #tpu.memory_space<hbm>>
        tpu.wait_dma2 semaphore(%run_scoped3A : memref<!tpu.dma_semaphore, #tpu.memory_space<semaphore_mem>>) src(%dma_wait3A_93 : memref<625x64xf32, #tpu.memory_space<hbm>>) dst(%dma_wait3A_91 : memref<625x64xf32, #tpu.memory_space<vmem_shared>>)
        tpu.yield
      }) : () -> ()
    } else {
    }
    %barrier3A = arith.constant 0 : index
    tpu.barrier barrier_id(%barrier3A)
    %dma_start3A = arith.constant 0 : i32
    %dma_start3A_3 = arith.constant 0 : i32
    %dma_start3A_4 = tpu.memref_slice %arg6[%dma_start3A, %dma_start3A_3] : memref<80x128xi32, #tpu.memory_space<vmem>> -> memref<1x128xi32, #tpu.memory_space<vmem>>
    %dma_start3A_5 = tpu.memref_squeeze %dma_start3A_4 : memref<1x128xi32, #tpu.memory_space<vmem>> -> memref<128xi32, #tpu.memory_space<vmem>>
    %dma_start3A_6 = arith.constant 0 : i32
    %dma_start3A_7 = arith.constant 0 : i32
    %dma_start3A_8 = tpu.memref_slice %arg2[%dma_start3A_6, %dma_start3A_7] : memref<10000x64xf32, #tpu.memory_space<hbm>> -> memref<10000x64xf32, #tpu.memory_space<hbm>>
    tpu.enqueue_indirect_dma source(%dma_start3A_8 : memref<10000x64xf32, #tpu.memory_space<hbm>>) target(%arg8 : memref<128x64xf32, #tpu.memory_space<vmem>>) offsets(%dma_start3A_5 : memref<128xi32, #tpu.memory_space<vmem>>) semaphore(%arg14 : memref<!tpu.dma_semaphore, #tpu.memory_space<semaphore_mem>>)
    %dma_start3A_9 = arith.constant 1 : i32
    %dma_start3A_10 = arith.constant 0 : i32
    %dma_start3A_11 = tpu.memref_slice %arg6[%dma_start3A_9, %dma_start3A_10] : memref<80x128xi32, #tpu.memory_space<vmem>> -> memref<1x128xi32, #tpu.memory_space<vmem>>
    %dma_start3A_12 = tpu.memref_squeeze %dma_start3A_11 : memref<1x128xi32, #tpu.memory_space<vmem>> -> memref<128xi32, #tpu.memory_space<vmem>>
    %dma_start3A_13 = arith.constant 0 : i32
    %dma_start3A_14 = arith.constant 0 : i32
    %dma_start3A_15 = tpu.memref_slice %arg2[%dma_start3A_13, %dma_start3A_14] : memref<10000x64xf32, #tpu.memory_space<hbm>> -> memref<10000x64xf32, #tpu.memory_space<hbm>>
    tpu.enqueue_indirect_dma source(%dma_start3A_15 : memref<10000x64xf32, #tpu.memory_space<hbm>>) target(%arg9 : memref<128x64xf32, #tpu.memory_space<vmem>>) offsets(%dma_start3A_12 : memref<128xi32, #tpu.memory_space<vmem>>) semaphore(%arg14 : memref<!tpu.dma_semaphore, #tpu.memory_space<semaphore_mem>>)
    %dma_start3A_16 = arith.constant 2 : i32
    %dma_start3A_17 = arith.constant 0 : i32
    %dma_start3A_18 = tpu.memref_slice %arg6[%dma_start3A_16, %dma_start3A_17] : memref<80x128xi32, #tpu.memory_space<vmem>> -> memref<1x128xi32, #tpu.memory_space<vmem>>
    %dma_start3A_19 = tpu.memref_squeeze %dma_start3A_18 : memref<1x128xi32, #tpu.memory_space<vmem>> -> memref<128xi32, #tpu.memory_space<vmem>>
    %dma_start3A_20 = arith.constant 0 : i32
    %dma_start3A_21 = arith.constant 0 : i32
    %dma_start3A_22 = tpu.memref_slice %arg2[%dma_start3A_20, %dma_start3A_21] : memref<10000x64xf32, #tpu.memory_space<hbm>> -> memref<10000x64xf32, #tpu.memory_space<hbm>>
    tpu.enqueue_indirect_dma source(%dma_start3A_22 : memref<10000x64xf32, #tpu.memory_space<hbm>>) target(%arg10 : memref<128x64xf32, #tpu.memory_space<vmem>>) offsets(%dma_start3A_19 : memref<128xi32, #tpu.memory_space<vmem>>) semaphore(%arg14 : memref<!tpu.dma_semaphore, #tpu.memory_space<semaphore_mem>>)
    %dma_start3A_23 = arith.constant 3 : i32
    %dma_start3A_24 = arith.constant 0 : i32
    %dma_start3A_25 = tpu.memref_slice %arg6[%dma_start3A_23, %dma_start3A_24] : memref<80x128xi32, #tpu.memory_space<vmem>> -> memref<1x128xi32, #tpu.memory_space<vmem>>
    %dma_start3A_26 = tpu.memref_squeeze %dma_start3A_25 : memref<1x128xi32, #tpu.memory_space<vmem>> -> memref<128xi32, #tpu.memory_space<vmem>>
    %dma_start3A_27 = arith.constant 0 : i32
    %dma_start3A_28 = arith.constant 0 : i32
    %dma_start3A_29 = tpu.memref_slice %arg2[%dma_start3A_27, %dma_start3A_28] : memref<10000x64xf32, #tpu.memory_space<hbm>> -> memref<10000x64xf32, #tpu.memory_space<hbm>>
    tpu.enqueue_indirect_dma source(%dma_start3A_29 : memref<10000x64xf32, #tpu.memory_space<hbm>>) target(%arg11 : memref<128x64xf32, #tpu.memory_space<vmem>>) offsets(%dma_start3A_26 : memref<128xi32, #tpu.memory_space<vmem>>) semaphore(%arg14 : memref<!tpu.dma_semaphore, #tpu.memory_space<semaphore_mem>>)
    %dma_start3A_30 = arith.constant 4 : i32
    %dma_start3A_31 = arith.constant 0 : i32
    %dma_start3A_32 = tpu.memref_slice %arg6[%dma_start3A_30, %dma_start3A_31] : memref<80x128xi32, #tpu.memory_space<vmem>> -> memref<1x128xi32, #tpu.memory_space<vmem>>
    %dma_start3A_33 = tpu.memref_squeeze %dma_start3A_32 : memref<1x128xi32, #tpu.memory_space<vmem>> -> memref<128xi32, #tpu.memory_space<vmem>>
    %dma_start3A_34 = arith.constant 0 : i32
    %dma_start3A_35 = arith.constant 0 : i32
    %dma_start3A_36 = tpu.memref_slice %arg2[%dma_start3A_34, %dma_start3A_35] : memref<10000x64xf32, #tpu.memory_space<hbm>> -> memref<10000x64xf32, #tpu.memory_space<hbm>>
    tpu.enqueue_indirect_dma source(%dma_start3A_36 : memref<10000x64xf32, #tpu.memory_space<hbm>>) target(%arg12 : memref<128x64xf32, #tpu.memory_space<vmem>>) offsets(%dma_start3A_33 : memref<128xi32, #tpu.memory_space<vmem>>) semaphore(%arg14 : memref<!tpu.dma_semaphore, #tpu.memory_space<semaphore_mem>>)
    %scan3A = arith.constant 0 : i32
    %scan3A_37 = arith.constant 0 : i32
    %scan3A_38 = arith.constant 16 : i32
    %scan3A_39 = arith.addi %scan3A_37, %scan3A_38 : i32
    %scan3A_40 = arith.constant 1 : i32
    scf.for %scan3A_82 = %scan3A_37 to %scan3A_39 step %scan3A_40  : i32 {
      %mul3A_83 = arith.constant 5 : i32
      %mul3A_84 = arith.muli %scan3A_82, %mul3A_83 : i32
      %add3A_85 = arith.constant 0 : i32
      %add3A_86 = arith.addi %mul3A_84, %add3A_85 : i32
      %dma_wait3A_87 = arith.constant 0 : i32
      %dma_wait3A_88 = tpu.memref_slice %arg6[%add3A_86, %dma_wait3A_87] : memref<80x128xi32, #tpu.memory_space<vmem>> -> memref<1x128xi32, #tpu.memory_space<vmem>>
      %dma_wait3A_89 = tpu.memref_squeeze %dma_wait3A_88 : memref<1x128xi32, #tpu.memory_space<vmem>> -> memref<128xi32, #tpu.memory_space<vmem>>
      %dma_wait3A_90 = arith.constant 0 : i32
      %dma_wait3A_91 = arith.constant 0 : i32
      %dma_wait3A_92 = tpu.memref_slice %arg2[%dma_wait3A_90, %dma_wait3A_91] : memref<10000x64xf32, #tpu.memory_space<hbm>> -> memref<10000x64xf32, #tpu.memory_space<hbm>>
      tpu.wait_indirect_dma semaphore(%arg14 : memref<!tpu.dma_semaphore, #tpu.memory_space<semaphore_mem>>) src(%dma_wait3A_92 : memref<10000x64xf32, #tpu.memory_space<hbm>>) dst(%arg8 : memref<128x64xf32, #tpu.memory_space<vmem>>)
      %add3A_93 = arith.constant 0 : i32
      %add3A_94 = arith.addi %mul3A_84, %add3A_93 : i32
      %dma_start3A_95 = arith.constant 0 : i32
      %dma_start3A_96 = tpu.memref_slice %arg7[%add3A_94, %dma_start3A_95] : memref<80x128xi32, #tpu.memory_space<vmem>> -> memref<1x128xi32, #tpu.memory_space<vmem>>
      %dma_start3A_97 = tpu.memref_squeeze %dma_start3A_96 : memref<1x128xi32, #tpu.memory_space<vmem>> -> memref<128xi32, #tpu.memory_space<vmem>>
      %dma_start3A_98 = arith.constant 0 : i32
      %dma_start3A_99 = arith.constant 0 : i32
      %dma_start3A_100 = tpu.memref_slice %arg13[%dma_start3A_98, %dma_start3A_99] : memref<11024x64xf32, #tpu.memory_space<vmem_shared>> -> memref<11024x64xf32, #tpu.memory_space<vmem_shared>>
      tpu.enqueue_indirect_dma source(%arg8 : memref<128x64xf32, #tpu.memory_space<vmem>>) target(%dma_start3A_100 : memref<11024x64xf32, #tpu.memory_space<vmem_shared>>) offsets(%dma_start3A_97 : memref<128xi32, #tpu.memory_space<vmem>>) semaphore(%arg15 : memref<!tpu.dma_semaphore, #tpu.memory_space<semaphore_mem>>) {add = true}
      %add3A_101 = arith.constant 1 : i32
      %add3A_102 = arith.addi %mul3A_84, %add3A_101 : i32
      %dma_wait3A_103 = arith.constant 0 : i32
      %dma_wait3A_104 = tpu.memref_slice %arg6[%add3A_102, %dma_wait3A_103] : memref<80x128xi32, #tpu.memory_space<vmem>> -> memref<1x128xi32, #tpu.memory_space<vmem>>
      %dma_wait3A_105 = tpu.memref_squeeze %dma_wait3A_104 : memref<1x128xi32, #tpu.memory_space<vmem>> -> memref<128xi32, #tpu.memory_space<vmem>>
      %dma_wait3A_106 = arith.constant 0 : i32
      %dma_wait3A_107 = arith.constant 0 : i32
      %dma_wait3A_108 = tpu.memref_slice %arg2[%dma_wait3A_106, %dma_wait3A_107] : memref<10000x64xf32, #tpu.memory_space<hbm>> -> memref<10000x64xf32, #tpu.memory_space<hbm>>
      tpu.wait_indirect_dma semaphore(%arg14 : memref<!tpu.dma_semaphore, #tpu.memory_space<semaphore_mem>>) src(%dma_wait3A_108 : memref<10000x64xf32, #tpu.memory_space<hbm>>) dst(%arg9 : memref<128x64xf32, #tpu.memory_space<vmem>>)
      %add3A_109 = arith.constant 1 : i32
      %add3A_110 = arith.addi %mul3A_84, %add3A_109 : i32
      %dma_start3A_111 = arith.constant 0 : i32
      %dma_start3A_112 = tpu.memref_slice %arg7[%add3A_110, %dma_start3A_111] : memref<80x128xi32, #tpu.memory_space<vmem>> -> memref<1x128xi32, #tpu.memory_space<vmem>>
      %dma_start3A_113 = tpu.memref_squeeze %dma_start3A_112 : memref<1x128xi32, #tpu.memory_space<vmem>> -> memref<128xi32, #tpu.memory_space<vmem>>
      %dma_start3A_114 = arith.constant 0 : i32
      %dma_start3A_115 = arith.constant 0 : i32
      %dma_start3A_116 = tpu.memref_slice %arg13[%dma_start3A_114, %dma_start3A_115] : memref<11024x64xf32, #tpu.memory_space<vmem_shared>> -> memref<11024x64xf32, #tpu.memory_space<vmem_shared>>
      tpu.enqueue_indirect_dma source(%arg9 : memref<128x64xf32, #tpu.memory_space<vmem>>) target(%dma_start3A_116 : memref<11024x64xf32, #tpu.memory_space<vmem_shared>>) offsets(%dma_start3A_113 : memref<128xi32, #tpu.memory_space<vmem>>) semaphore(%arg15 : memref<!tpu.dma_semaphore, #tpu.memory_space<semaphore_mem>>) {add = true}
      %add3A_117 = arith.constant 2 : i32
      %add3A_118 = arith.addi %mul3A_84, %add3A_117 : i32
      %dma_wait3A_119 = arith.constant 0 : i32
      %dma_wait3A_120 = tpu.memref_slice %arg6[%add3A_118, %dma_wait3A_119] : memref<80x128xi32, #tpu.memory_space<vmem>> -> memref<1x128xi32, #tpu.memory_space<vmem>>
      %dma_wait3A_121 = tpu.memref_squeeze %dma_wait3A_120 : memref<1x128xi32, #tpu.memory_space<vmem>> -> memref<128xi32, #tpu.memory_space<vmem>>
      %dma_wait3A_122 = arith.constant 0 : i32
      %dma_wait3A_123 = arith.constant 0 : i32
      %dma_wait3A_124 = tpu.memref_slice %arg2[%dma_wait3A_122, %dma_wait3A_123] : memref<10000x64xf32, #tpu.memory_space<hbm>> -> memref<10000x64xf32, #tpu.memory_space<hbm>>
      tpu.wait_indirect_dma semaphore(%arg14 : memref<!tpu.dma_semaphore, #tpu.memory_space<semaphore_mem>>) src(%dma_wait3A_124 : memref<10000x64xf32, #tpu.memory_space<hbm>>) dst(%arg10 : memref<128x64xf32, #tpu.memory_space<vmem>>)
      %add3A_125 = arith.constant 2 : i32
      %add3A_126 = arith.addi %mul3A_84, %add3A_125 : i32
      %dma_start3A_127 = arith.constant 0 : i32
      %dma_start3A_128 = tpu.memref_slice %arg7[%add3A_126, %dma_start3A_127] : memref<80x128xi32, #tpu.memory_space<vmem>> -> memref<1x128xi32, #tpu.memory_space<vmem>>
      %dma_start3A_129 = tpu.memref_squeeze %dma_start3A_128 : memref<1x128xi32, #tpu.memory_space<vmem>> -> memref<128xi32, #tpu.memory_space<vmem>>
      %dma_start3A_130 = arith.constant 0 : i32
      %dma_start3A_131 = arith.constant 0 : i32
      %dma_start3A_132 = tpu.memref_slice %arg13[%dma_start3A_130, %dma_start3A_131] : memref<11024x64xf32, #tpu.memory_space<vmem_shared>> -> memref<11024x64xf32, #tpu.memory_space<vmem_shared>>
      tpu.enqueue_indirect_dma source(%arg10 : memref<128x64xf32, #tpu.memory_space<vmem>>) target(%dma_start3A_132 : memref<11024x64xf32, #tpu.memory_space<vmem_shared>>) offsets(%dma_start3A_129 : memref<128xi32, #tpu.memory_space<vmem>>) semaphore(%arg15 : memref<!tpu.dma_semaphore, #tpu.memory_space<semaphore_mem>>) {add = true}
      %add3A_133 = arith.constant 3 : i32
      %add3A_134 = arith.addi %mul3A_84, %add3A_133 : i32
      %dma_wait3A_135 = arith.constant 0 : i32
      %dma_wait3A_136 = tpu.memref_slice %arg6[%add3A_134, %dma_wait3A_135] : memref<80x128xi32, #tpu.memory_space<vmem>> -> memref<1x128xi32, #tpu.memory_space<vmem>>
      %dma_wait3A_137 = tpu.memref_squeeze %dma_wait3A_136 : memref<1x128xi32, #tpu.memory_space<vmem>> -> memref<128xi32, #tpu.memory_space<vmem>>
      %dma_wait3A_138 = arith.constant 0 : i32
      %dma_wait3A_139 = arith.constant 0 : i32
      %dma_wait3A_140 = tpu.memref_slice %arg2[%dma_wait3A_138, %dma_wait3A_139] : memref<10000x64xf32, #tpu.memory_space<hbm>> -> memref<10000x64xf32, #tpu.memory_space<hbm>>
      tpu.wait_indirect_dma semaphore(%arg14 : memref<!tpu.dma_semaphore, #tpu.memory_space<semaphore_mem>>) src(%dma_wait3A_140 : memref<10000x64xf32, #tpu.memory_space<hbm>>) dst(%arg11 : memref<128x64xf32, #tpu.memory_space<vmem>>)
      %add3A_141 = arith.constant 3 : i32
      %add3A_142 = arith.addi %mul3A_84, %add3A_141 : i32
      %dma_start3A_143 = arith.constant 0 : i32
      %dma_start3A_144 = tpu.memref_slice %arg7[%add3A_142, %dma_start3A_143] : memref<80x128xi32, #tpu.memory_space<vmem>> -> memref<1x128xi32, #tpu.memory_space<vmem>>
      %dma_start3A_145 = tpu.memref_squeeze %dma_start3A_144 : memref<1x128xi32, #tpu.memory_space<vmem>> -> memref<128xi32, #tpu.memory_space<vmem>>
      %dma_start3A_146 = arith.constant 0 : i32
      %dma_start3A_147 = arith.constant 0 : i32
      %dma_start3A_148 = tpu.memref_slice %arg13[%dma_start3A_146, %dma_start3A_147] : memref<11024x64xf32, #tpu.memory_space<vmem_shared>> -> memref<11024x64xf32, #tpu.memory_space<vmem_shared>>
      tpu.enqueue_indirect_dma source(%arg11 : memref<128x64xf32, #tpu.memory_space<vmem>>) target(%dma_start3A_148 : memref<11024x64xf32, #tpu.memory_space<vmem_shared>>) offsets(%dma_start3A_145 : memref<128xi32, #tpu.memory_space<vmem>>) semaphore(%arg15 : memref<!tpu.dma_semaphore, #tpu.memory_space<semaphore_mem>>) {add = true}
      %add3A_149 = arith.constant 4 : i32
      %add3A_150 = arith.addi %mul3A_84, %add3A_149 : i32
      %dma_wait3A_151 = arith.constant 0 : i32
      %dma_wait3A_152 = tpu.memref_slice %arg6[%add3A_150, %dma_wait3A_151] : memref<80x128xi32, #tpu.memory_space<vmem>> -> memref<1x128xi32, #tpu.memory_space<vmem>>
      %dma_wait3A_153 = tpu.memref_squeeze %dma_wait3A_152 : memref<1x128xi32, #tpu.memory_space<vmem>> -> memref<128xi32, #tpu.memory_space<vmem>>
      %dma_wait3A_154 = arith.constant 0 : i32
      %dma_wait3A_155 = arith.constant 0 : i32
      %dma_wait3A_156 = tpu.memref_slice %arg2[%dma_wait3A_154, %dma_wait3A_155] : memref<10000x64xf32, #tpu.memory_space<hbm>> -> memref<10000x64xf32, #tpu.memory_space<hbm>>
      tpu.wait_indirect_dma semaphore(%arg14 : memref<!tpu.dma_semaphore, #tpu.memory_space<semaphore_mem>>) src(%dma_wait3A_156 : memref<10000x64xf32, #tpu.memory_space<hbm>>) dst(%arg12 : memref<128x64xf32, #tpu.memory_space<vmem>>)
      %add3A_157 = arith.constant 4 : i32
      %add3A_158 = arith.addi %mul3A_84, %add3A_157 : i32
      %dma_start3A_159 = arith.constant 0 : i32
      %dma_start3A_160 = tpu.memref_slice %arg7[%add3A_158, %dma_start3A_159] : memref<80x128xi32, #tpu.memory_space<vmem>> -> memref<1x128xi32, #tpu.memory_space<vmem>>
      %dma_start3A_161 = tpu.memref_squeeze %dma_start3A_160 : memref<1x128xi32, #tpu.memory_space<vmem>> -> memref<128xi32, #tpu.memory_space<vmem>>
      %dma_start3A_162 = arith.constant 0 : i32
      %dma_start3A_163 = arith.constant 0 : i32
      %dma_start3A_164 = tpu.memref_slice %arg13[%dma_start3A_162, %dma_start3A_163] : memref<11024x64xf32, #tpu.memory_space<vmem_shared>> -> memref<11024x64xf32, #tpu.memory_space<vmem_shared>>
      tpu.enqueue_indirect_dma source(%arg12 : memref<128x64xf32, #tpu.memory_space<vmem>>) target(%dma_start3A_164 : memref<11024x64xf32, #tpu.memory_space<vmem_shared>>) offsets(%dma_start3A_161 : memref<128xi32, #tpu.memory_space<vmem>>) semaphore(%arg15 : memref<!tpu.dma_semaphore, #tpu.memory_space<semaphore_mem>>) {add = true}
      %add3A_165 = arith.constant 0 : i32
      %add3A_166 = arith.addi %mul3A_84, %add3A_165 : i32
      %add3A_167 = arith.constant 5 : i32
      %add3A_168 = arith.addi %add3A_166, %add3A_167 : i32
      %lt3A_169 = arith.constant 80 : i32
      %lt3A_170 = arith.cmpi slt, %add3A_168, %lt3A_169 : i32
      %convert_element_type3A_171 = arith.extui %lt3A_170 : i1 to i32
      %cond3A_172 = arith.constant 0 : i32
      %cond3A_173 = arith.cmpi ne, %convert_element_type3A_171, %cond3A_172 : i32
      scf.if %cond3A_173 {
        %add3A_210 = arith.constant 0 : i32
        %add3A_211 = arith.addi %mul3A_84, %add3A_210 : i32
        %dma_wait3A_212 = arith.constant 0 : i32
        %dma_wait3A_213 = tpu.memref_slice %arg7[%add3A_211, %dma_wait3A_212] : memref<80x128xi32, #tpu.memory_space<vmem>> -> memref<1x128xi32, #tpu.memory_space<vmem>>
        %dma_wait3A_214 = tpu.memref_squeeze %dma_wait3A_213 : memref<1x128xi32, #tpu.memory_space<vmem>> -> memref<128xi32, #tpu.memory_space<vmem>>
        %dma_wait3A_215 = arith.constant 0 : i32
        %dma_wait3A_216 = arith.constant 0 : i32
        %dma_wait3A_217 = tpu.memref_slice %arg13[%dma_wait3A_215, %dma_wait3A_216] : memref<11024x64xf32, #tpu.memory_space<vmem_shared>> -> memref<11024x64xf32, #tpu.memory_space<vmem_shared>>
        tpu.wait_indirect_dma semaphore(%arg15 : memref<!tpu.dma_semaphore, #tpu.memory_space<semaphore_mem>>) src(%arg8 : memref<128x64xf32, #tpu.memory_space<vmem>>) dst(%dma_wait3A_217 : memref<11024x64xf32, #tpu.memory_space<vmem_shared>>)
        %add3A_218 = arith.constant 0 : i32
        %add3A_219 = arith.addi %mul3A_84, %add3A_218 : i32
        %add3A_220 = arith.constant 5 : i32
        %add3A_221 = arith.addi %add3A_219, %add3A_220 : i32
        %dma_start3A_222 = arith.constant 0 : i32
        %dma_start3A_223 = tpu.memref_slice %arg6[%add3A_221, %dma_start3A_222] : memref<80x128xi32, #tpu.memory_space<vmem>> -> memref<1x128xi32, #tpu.memory_space<vmem>>
        %dma_start3A_224 = tpu.memref_squeeze %dma_start3A_223 : memref<1x128xi32, #tpu.memory_space<vmem>> -> memref<128xi32, #tpu.memory_space<vmem>>
        %dma_start3A_225 = arith.constant 0 : i32
        %dma_start3A_226 = arith.constant 0 : i32
        %dma_start3A_227 = tpu.memref_slice %arg2[%dma_start3A_225, %dma_start3A_226] : memref<10000x64xf32, #tpu.memory_space<hbm>> -> memref<10000x64xf32, #tpu.memory_space<hbm>>
        tpu.enqueue_indirect_dma source(%dma_start3A_227 : memref<10000x64xf32, #tpu.memory_space<hbm>>) target(%arg8 : memref<128x64xf32, #tpu.memory_space<vmem>>) offsets(%dma_start3A_224 : memref<128xi32, #tpu.memory_space<vmem>>) semaphore(%arg14 : memref<!tpu.dma_semaphore, #tpu.memory_space<semaphore_mem>>)
      } else {
      }
      %add3A_174 = arith.constant 1 : i32
      %add3A_175 = arith.addi %mul3A_84, %add3A_174 : i32
      %add3A_176 = arith.constant 5 : i32
      %add3A_177 = arith.addi %add3A_175, %add3A_176 : i32
      %lt3A_178 = arith.constant 80 : i32
      %lt3A_179 = arith.cmpi slt, %add3A_177, %lt3A_178 : i32
      %convert_element_type3A_180 = arith.extui %lt3A_179 : i1 to i32
      %cond3A_181 = arith.constant 0 : i32
      %cond3A_182 = arith.cmpi ne, %convert_element_type3A_180, %cond3A_181 : i32
      scf.if %cond3A_182 {
        %add3A_210 = arith.constant 1 : i32
        %add3A_211 = arith.addi %mul3A_84, %add3A_210 : i32
        %dma_wait3A_212 = arith.constant 0 : i32
        %dma_wait3A_213 = tpu.memref_slice %arg7[%add3A_211, %dma_wait3A_212] : memref<80x128xi32, #tpu.memory_space<vmem>> -> memref<1x128xi32, #tpu.memory_space<vmem>>
        %dma_wait3A_214 = tpu.memref_squeeze %dma_wait3A_213 : memref<1x128xi32, #tpu.memory_space<vmem>> -> memref<128xi32, #tpu.memory_space<vmem>>
        %dma_wait3A_215 = arith.constant 0 : i32
        %dma_wait3A_216 = arith.constant 0 : i32
        %dma_wait3A_217 = tpu.memref_slice %arg13[%dma_wait3A_215, %dma_wait3A_216] : memref<11024x64xf32, #tpu.memory_space<vmem_shared>> -> memref<11024x64xf32, #tpu.memory_space<vmem_shared>>
        tpu.wait_indirect_dma semaphore(%arg15 : memref<!tpu.dma_semaphore, #tpu.memory_space<semaphore_mem>>) src(%arg9 : memref<128x64xf32, #tpu.memory_space<vmem>>) dst(%dma_wait3A_217 : memref<11024x64xf32, #tpu.memory_space<vmem_shared>>)
        %add3A_218 = arith.constant 1 : i32
        %add3A_219 = arith.addi %mul3A_84, %add3A_218 : i32
        %add3A_220 = arith.constant 5 : i32
        %add3A_221 = arith.addi %add3A_219, %add3A_220 : i32
        %dma_start3A_222 = arith.constant 0 : i32
        %dma_start3A_223 = tpu.memref_slice %arg6[%add3A_221, %dma_start3A_222] : memref<80x128xi32, #tpu.memory_space<vmem>> -> memref<1x128xi32, #tpu.memory_space<vmem>>
        %dma_start3A_224 = tpu.memref_squeeze %dma_start3A_223 : memref<1x128xi32, #tpu.memory_space<vmem>> -> memref<128xi32, #tpu.memory_space<vmem>>
        %dma_start3A_225 = arith.constant 0 : i32
        %dma_start3A_226 = arith.constant 0 : i32
        %dma_start3A_227 = tpu.memref_slice %arg2[%dma_start3A_225, %dma_start3A_226] : memref<10000x64xf32, #tpu.memory_space<hbm>> -> memref<10000x64xf32, #tpu.memory_space<hbm>>
        tpu.enqueue_indirect_dma source(%dma_start3A_227 : memref<10000x64xf32, #tpu.memory_space<hbm>>) target(%arg9 : memref<128x64xf32, #tpu.memory_space<vmem>>) offsets(%dma_start3A_224 : memref<128xi32, #tpu.memory_space<vmem>>) semaphore(%arg14 : memref<!tpu.dma_semaphore, #tpu.memory_space<semaphore_mem>>)
      } else {
      }
      %add3A_183 = arith.constant 2 : i32
      %add3A_184 = arith.addi %mul3A_84, %add3A_183 : i32
      %add3A_185 = arith.constant 5 : i32
      %add3A_186 = arith.addi %add3A_184, %add3A_185 : i32
      %lt3A_187 = arith.constant 80 : i32
      %lt3A_188 = arith.cmpi slt, %add3A_186, %lt3A_187 : i32
      %convert_element_type3A_189 = arith.extui %lt3A_188 : i1 to i32
      %cond3A_190 = arith.constant 0 : i32
      %cond3A_191 = arith.cmpi ne, %convert_element_type3A_189, %cond3A_190 : i32
      scf.if %cond3A_191 {
        %add3A_210 = arith.constant 2 : i32
        %add3A_211 = arith.addi %mul3A_84, %add3A_210 : i32
        %dma_wait3A_212 = arith.constant 0 : i32
        %dma_wait3A_213 = tpu.memref_slice %arg7[%add3A_211, %dma_wait3A_212] : memref<80x128xi32, #tpu.memory_space<vmem>> -> memref<1x128xi32, #tpu.memory_space<vmem>>
        %dma_wait3A_214 = tpu.memref_squeeze %dma_wait3A_213 : memref<1x128xi32, #tpu.memory_space<vmem>> -> memref<128xi32, #tpu.memory_space<vmem>>
        %dma_wait3A_215 = arith.constant 0 : i32
        %dma_wait3A_216 = arith.constant 0 : i32
        %dma_wait3A_217 = tpu.memref_slice %arg13[%dma_wait3A_215, %dma_wait3A_216] : memref<11024x64xf32, #tpu.memory_space<vmem_shared>> -> memref<11024x64xf32, #tpu.memory_space<vmem_shared>>
        tpu.wait_indirect_dma semaphore(%arg15 : memref<!tpu.dma_semaphore, #tpu.memory_space<semaphore_mem>>) src(%arg10 : memref<128x64xf32, #tpu.memory_space<vmem>>) dst(%dma_wait3A_217 : memref<11024x64xf32, #tpu.memory_space<vmem_shared>>)
        %add3A_218 = arith.constant 2 : i32
        %add3A_219 = arith.addi %mul3A_84, %add3A_218 : i32
        %add3A_220 = arith.constant 5 : i32
        %add3A_221 = arith.addi %add3A_219, %add3A_220 : i32
        %dma_start3A_222 = arith.constant 0 : i32
        %dma_start3A_223 = tpu.memref_slice %arg6[%add3A_221, %dma_start3A_222] : memref<80x128xi32, #tpu.memory_space<vmem>> -> memref<1x128xi32, #tpu.memory_space<vmem>>
        %dma_start3A_224 = tpu.memref_squeeze %dma_start3A_223 : memref<1x128xi32, #tpu.memory_space<vmem>> -> memref<128xi32, #tpu.memory_space<vmem>>
        %dma_start3A_225 = arith.constant 0 : i32
        %dma_start3A_226 = arith.constant 0 : i32
        %dma_start3A_227 = tpu.memref_slice %arg2[%dma_start3A_225, %dma_start3A_226] : memref<10000x64xf32, #tpu.memory_space<hbm>> -> memref<10000x64xf32, #tpu.memory_space<hbm>>
        tpu.enqueue_indirect_dma source(%dma_start3A_227 : memref<10000x64xf32, #tpu.memory_space<hbm>>) target(%arg10 : memref<128x64xf32, #tpu.memory_space<vmem>>) offsets(%dma_start3A_224 : memref<128xi32, #tpu.memory_space<vmem>>) semaphore(%arg14 : memref<!tpu.dma_semaphore, #tpu.memory_space<semaphore_mem>>)
      } else {
      }
      %add3A_192 = arith.constant 3 : i32
      %add3A_193 = arith.addi %mul3A_84, %add3A_192 : i32
      %add3A_194 = arith.constant 5 : i32
      %add3A_195 = arith.addi %add3A_193, %add3A_194 : i32
      %lt3A_196 = arith.constant 80 : i32
      %lt3A_197 = arith.cmpi slt, %add3A_195, %lt3A_196 : i32
      %convert_element_type3A_198 = arith.extui %lt3A_197 : i1 to i32
      %cond3A_199 = arith.constant 0 : i32
      %cond3A_200 = arith.cmpi ne, %convert_element_type3A_198, %cond3A_199 : i32
      scf.if %cond3A_200 {
        %add3A_210 = arith.constant 3 : i32
        %add3A_211 = arith.addi %mul3A_84, %add3A_210 : i32
        %dma_wait3A_212 = arith.constant 0 : i32
        %dma_wait3A_213 = tpu.memref_slice %arg7[%add3A_211, %dma_wait3A_212] : memref<80x128xi32, #tpu.memory_space<vmem>> -> memref<1x128xi32, #tpu.memory_space<vmem>>
        %dma_wait3A_214 = tpu.memref_squeeze %dma_wait3A_213 : memref<1x128xi32, #tpu.memory_space<vmem>> -> memref<128xi32, #tpu.memory_space<vmem>>
        %dma_wait3A_215 = arith.constant 0 : i32
        %dma_wait3A_216 = arith.constant 0 : i32
        %dma_wait3A_217 = tpu.memref_slice %arg13[%dma_wait3A_215, %dma_wait3A_216] : memref<11024x64xf32, #tpu.memory_space<vmem_shared>> -> memref<11024x64xf32, #tpu.memory_space<vmem_shared>>
        tpu.wait_indirect_dma semaphore(%arg15 : memref<!tpu.dma_semaphore, #tpu.memory_space<semaphore_mem>>) src(%arg11 : memref<128x64xf32, #tpu.memory_space<vmem>>) dst(%dma_wait3A_217 : memref<11024x64xf32, #tpu.memory_space<vmem_shared>>)
        %add3A_218 = arith.constant 3 : i32
        %add3A_219 = arith.addi %mul3A_84, %add3A_218 : i32
        %add3A_220 = arith.constant 5 : i32
        %add3A_221 = arith.addi %add3A_219, %add3A_220 : i32
        %dma_start3A_222 = arith.constant 0 : i32
        %dma_start3A_223 = tpu.memref_slice %arg6[%add3A_221, %dma_start3A_222] : memref<80x128xi32, #tpu.memory_space<vmem>> -> memref<1x128xi32, #tpu.memory_space<vmem>>
        %dma_start3A_224 = tpu.memref_squeeze %dma_start3A_223 : memref<1x128xi32, #tpu.memory_space<vmem>> -> memref<128xi32, #tpu.memory_space<vmem>>
        %dma_start3A_225 = arith.constant 0 : i32
        %dma_start3A_226 = arith.constant 0 : i32
        %dma_start3A_227 = tpu.memref_slice %arg2[%dma_start3A_225, %dma_start3A_226] : memref<10000x64xf32, #tpu.memory_space<hbm>> -> memref<10000x64xf32, #tpu.memory_space<hbm>>
        tpu.enqueue_indirect_dma source(%dma_start3A_227 : memref<10000x64xf32, #tpu.memory_space<hbm>>) target(%arg11 : memref<128x64xf32, #tpu.memory_space<vmem>>) offsets(%dma_start3A_224 : memref<128xi32, #tpu.memory_space<vmem>>) semaphore(%arg14 : memref<!tpu.dma_semaphore, #tpu.memory_space<semaphore_mem>>)
      } else {
      }
      %add3A_201 = arith.constant 4 : i32
      %add3A_202 = arith.addi %mul3A_84, %add3A_201 : i32
      %add3A_203 = arith.constant 5 : i32
      %add3A_204 = arith.addi %add3A_202, %add3A_203 : i32
      %lt3A_205 = arith.constant 80 : i32
      %lt3A_206 = arith.cmpi slt, %add3A_204, %lt3A_205 : i32
      %convert_element_type3A_207 = arith.extui %lt3A_206 : i1 to i32
      %cond3A_208 = arith.constant 0 : i32
      %cond3A_209 = arith.cmpi ne, %convert_element_type3A_207, %cond3A_208 : i32
      scf.if %cond3A_209 {
        %add3A_210 = arith.constant 4 : i32
        %add3A_211 = arith.addi %mul3A_84, %add3A_210 : i32
        %dma_wait3A_212 = arith.constant 0 : i32
        %dma_wait3A_213 = tpu.memref_slice %arg7[%add3A_211, %dma_wait3A_212] : memref<80x128xi32, #tpu.memory_space<vmem>> -> memref<1x128xi32, #tpu.memory_space<vmem>>
        %dma_wait3A_214 = tpu.memref_squeeze %dma_wait3A_213 : memref<1x128xi32, #tpu.memory_space<vmem>> -> memref<128xi32, #tpu.memory_space<vmem>>
        %dma_wait3A_215 = arith.constant 0 : i32
        %dma_wait3A_216 = arith.constant 0 : i32
        %dma_wait3A_217 = tpu.memref_slice %arg13[%dma_wait3A_215, %dma_wait3A_216] : memref<11024x64xf32, #tpu.memory_space<vmem_shared>> -> memref<11024x64xf32, #tpu.memory_space<vmem_shared>>
        tpu.wait_indirect_dma semaphore(%arg15 : memref<!tpu.dma_semaphore, #tpu.memory_space<semaphore_mem>>) src(%arg12 : memref<128x64xf32, #tpu.memory_space<vmem>>) dst(%dma_wait3A_217 : memref<11024x64xf32, #tpu.memory_space<vmem_shared>>)
        %add3A_218 = arith.constant 4 : i32
        %add3A_219 = arith.addi %mul3A_84, %add3A_218 : i32
        %add3A_220 = arith.constant 5 : i32
        %add3A_221 = arith.addi %add3A_219, %add3A_220 : i32
        %dma_start3A_222 = arith.constant 0 : i32
        %dma_start3A_223 = tpu.memref_slice %arg6[%add3A_221, %dma_start3A_222] : memref<80x128xi32, #tpu.memory_space<vmem>> -> memref<1x128xi32, #tpu.memory_space<vmem>>
        %dma_start3A_224 = tpu.memref_squeeze %dma_start3A_223 : memref<1x128xi32, #tpu.memory_space<vmem>> -> memref<128xi32, #tpu.memory_space<vmem>>
        %dma_start3A_225 = arith.constant 0 : i32
        %dma_start3A_226 = arith.constant 0 : i32
        %dma_start3A_227 = tpu.memref_slice %arg2[%dma_start3A_225, %dma_start3A_226] : memref<10000x64xf32, #tpu.memory_space<hbm>> -> memref<10000x64xf32, #tpu.memory_space<hbm>>
        tpu.enqueue_indirect_dma source(%dma_start3A_227 : memref<10000x64xf32, #tpu.memory_space<hbm>>) target(%arg12 : memref<128x64xf32, #tpu.memory_space<vmem>>) offsets(%dma_start3A_224 : memref<128xi32, #tpu.memory_space<vmem>>) semaphore(%arg14 : memref<!tpu.dma_semaphore, #tpu.memory_space<semaphore_mem>>)
      } else {
      }
    }
    %scan3A_41 = arith.constant 16 : i32
    %dma_wait3A = arith.constant 75 : i32
    %dma_wait3A_42 = arith.constant 0 : i32
    %dma_wait3A_43 = tpu.memref_slice %arg7[%dma_wait3A, %dma_wait3A_42] : memref<80x128xi32, #tpu.memory_space<vmem>> -> memref<1x128xi32, #tpu.memory_space<vmem>>
    %dma_wait3A_44 = tpu.memref_squeeze %dma_wait3A_43 : memref<1x128xi32, #tpu.memory_space<vmem>> -> memref<128xi32, #tpu.memory_space<vmem>>
    %dma_wait3A_45 = arith.constant 0 : i32
    %dma_wait3A_46 = arith.constant 0 : i32
    %dma_wait3A_47 = tpu.memref_slice %arg13[%dma_wait3A_45, %dma_wait3A_46] : memref<11024x64xf32, #tpu.memory_space<vmem_shared>> -> memref<11024x64xf32, #tpu.memory_space<vmem_shared>>
    tpu.wait_indirect_dma semaphore(%arg15 : memref<!tpu.dma_semaphore, #tpu.memory_space<semaphore_mem>>) src(%arg8 : memref<128x64xf32, #tpu.memory_space<vmem>>) dst(%dma_wait3A_47 : memref<11024x64xf32, #tpu.memory_space<vmem_shared>>)
    %dma_wait3A_48 = arith.constant 76 : i32
    %dma_wait3A_49 = arith.constant 0 : i32
    %dma_wait3A_50 = tpu.memref_slice %arg7[%dma_wait3A_48, %dma_wait3A_49] : memref<80x128xi32, #tpu.memory_space<vmem>> -> memref<1x128xi32, #tpu.memory_space<vmem>>
    %dma_wait3A_51 = tpu.memref_squeeze %dma_wait3A_50 : memref<1x128xi32, #tpu.memory_space<vmem>> -> memref<128xi32, #tpu.memory_space<vmem>>
    %dma_wait3A_52 = arith.constant 0 : i32
    %dma_wait3A_53 = arith.constant 0 : i32
    %dma_wait3A_54 = tpu.memref_slice %arg13[%dma_wait3A_52, %dma_wait3A_53] : memref<11024x64xf32, #tpu.memory_space<vmem_shared>> -> memref<11024x64xf32, #tpu.memory_space<vmem_shared>>
    tpu.wait_indirect_dma semaphore(%arg15 : memref<!tpu.dma_semaphore, #tpu.memory_space<semaphore_mem>>) src(%arg9 : memref<128x64xf32, #tpu.memory_space<vmem>>) dst(%dma_wait3A_54 : memref<11024x64xf32, #tpu.memory_space<vmem_shared>>)
    %dma_wait3A_55 = arith.constant 77 : i32
    %dma_wait3A_56 = arith.constant 0 : i32
    %dma_wait3A_57 = tpu.memref_slice %arg7[%dma_wait3A_55, %dma_wait3A_56] : memref<80x128xi32, #tpu.memory_space<vmem>> -> memref<1x128xi32, #tpu.memory_space<vmem>>
    %dma_wait3A_58 = tpu.memref_squeeze %dma_wait3A_57 : memref<1x128xi32, #tpu.memory_space<vmem>> -> memref<128xi32, #tpu.memory_space<vmem>>
    %dma_wait3A_59 = arith.constant 0 : i32
    %dma_wait3A_60 = arith.constant 0 : i32
    %dma_wait3A_61 = tpu.memref_slice %arg13[%dma_wait3A_59, %dma_wait3A_60] : memref<11024x64xf32, #tpu.memory_space<vmem_shared>> -> memref<11024x64xf32, #tpu.memory_space<vmem_shared>>
    tpu.wait_indirect_dma semaphore(%arg15 : memref<!tpu.dma_semaphore, #tpu.memory_space<semaphore_mem>>) src(%arg10 : memref<128x64xf32, #tpu.memory_space<vmem>>) dst(%dma_wait3A_61 : memref<11024x64xf32, #tpu.memory_space<vmem_shared>>)
    %dma_wait3A_62 = arith.constant 78 : i32
    %dma_wait3A_63 = arith.constant 0 : i32
    %dma_wait3A_64 = tpu.memref_slice %arg7[%dma_wait3A_62, %dma_wait3A_63] : memref<80x128xi32, #tpu.memory_space<vmem>> -> memref<1x128xi32, #tpu.memory_space<vmem>>
    %dma_wait3A_65 = tpu.memref_squeeze %dma_wait3A_64 : memref<1x128xi32, #tpu.memory_space<vmem>> -> memref<128xi32, #tpu.memory_space<vmem>>
    %dma_wait3A_66 = arith.constant 0 : i32
    %dma_wait3A_67 = arith.constant 0 : i32
    %dma_wait3A_68 = tpu.memref_slice %arg13[%dma_wait3A_66, %dma_wait3A_67] : memref<11024x64xf32, #tpu.memory_space<vmem_shared>> -> memref<11024x64xf32, #tpu.memory_space<vmem_shared>>
    tpu.wait_indirect_dma semaphore(%arg15 : memref<!tpu.dma_semaphore, #tpu.memory_space<semaphore_mem>>) src(%arg11 : memref<128x64xf32, #tpu.memory_space<vmem>>) dst(%dma_wait3A_68 : memref<11024x64xf32, #tpu.memory_space<vmem_shared>>)
    %dma_wait3A_69 = arith.constant 79 : i32
    %dma_wait3A_70 = arith.constant 0 : i32
    %dma_wait3A_71 = tpu.memref_slice %arg7[%dma_wait3A_69, %dma_wait3A_70] : memref<80x128xi32, #tpu.memory_space<vmem>> -> memref<1x128xi32, #tpu.memory_space<vmem>>
    %dma_wait3A_72 = tpu.memref_squeeze %dma_wait3A_71 : memref<1x128xi32, #tpu.memory_space<vmem>> -> memref<128xi32, #tpu.memory_space<vmem>>
    %dma_wait3A_73 = arith.constant 0 : i32
    %dma_wait3A_74 = arith.constant 0 : i32
    %dma_wait3A_75 = tpu.memref_slice %arg13[%dma_wait3A_73, %dma_wait3A_74] : memref<11024x64xf32, #tpu.memory_space<vmem_shared>> -> memref<11024x64xf32, #tpu.memory_space<vmem_shared>>
    tpu.wait_indirect_dma semaphore(%arg15 : memref<!tpu.dma_semaphore, #tpu.memory_space<semaphore_mem>>) src(%arg12 : memref<128x64xf32, #tpu.memory_space<vmem>>) dst(%dma_wait3A_75 : memref<11024x64xf32, #tpu.memory_space<vmem_shared>>)
    %barrier3A_76 = arith.constant 0 : index
    tpu.barrier barrier_id(%barrier3A_76)
    %lt3A_77 = arith.constant 16 : i32
    %lt3A_78 = arith.cmpi slt, %arg1, %lt3A_77 : i32
    %convert_element_type3A_79 = arith.extui %lt3A_78 : i1 to i32
    %cond3A_80 = arith.constant 0 : i32
    %cond3A_81 = arith.cmpi ne, %convert_element_type3A_79, %cond3A_80 : i32
    scf.if %cond3A_81 {
      %mul3A_82 = arith.constant 625 : i32
      %mul3A_83 = arith.muli %arg1, %mul3A_82 : i32
      %mul3A_84 = arith.constant 625 : i32
      %mul3A_85 = arith.muli %arg1, %mul3A_84 : i32
      %mul3A_86 = arith.constant 64 : i32
      %mul3A_87 = arith.muli %arg0, %mul3A_86 : i32
      "tpu.region"() ({
        %run_scoped3A = tpu.sem_alloc : memref<!tpu.dma_semaphore, #tpu.memory_space<semaphore_mem>>
        %dma_start3A_88 = tpu.memref_slice %arg5[%mul3A_85, %mul3A_87] : memref<10000x128xf32, #tpu.memory_space<hbm>> -> memref<625x64xf32, #tpu.memory_space<hbm>>
        %dma_start3A_89 = arith.constant 0 : i32
        %dma_start3A_90 = tpu.memref_slice %arg13[%mul3A_83, %dma_start3A_89] : memref<11024x64xf32, #tpu.memory_space<vmem_shared>> -> memref<625x64xf32, #tpu.memory_space<vmem_shared>>
        tpu.enqueue_dma source(%dma_start3A_90 : memref<625x64xf32, #tpu.memory_space<vmem_shared>>) target(%dma_start3A_88 : memref<625x64xf32, #tpu.memory_space<hbm>>) target_semaphore(%run_scoped3A : memref<!tpu.dma_semaphore, #tpu.memory_space<semaphore_mem>>)
        %dma_wait3A_91 = tpu.memref_slice %arg5[%mul3A_85, %mul3A_87] : memref<10000x128xf32, #tpu.memory_space<hbm>> -> memref<625x64xf32, #tpu.memory_space<hbm>>
        %dma_wait3A_92 = arith.constant 0 : i32
        %dma_wait3A_93 = tpu.memref_slice %arg13[%mul3A_83, %dma_wait3A_92] : memref<11024x64xf32, #tpu.memory_space<vmem_shared>> -> memref<625x64xf32, #tpu.memory_space<vmem_shared>>
        tpu.wait_dma2 semaphore(%run_scoped3A : memref<!tpu.dma_semaphore, #tpu.memory_space<semaphore_mem>>) src(%dma_wait3A_93 : memref<625x64xf32, #tpu.memory_space<vmem_shared>>) dst(%dma_wait3A_91 : memref<625x64xf32, #tpu.memory_space<hbm>>)
        tpu.yield
      }) : () -> ()
    } else {
    }
    return
  }
}

#map = affine_map<(d0, d1) -> (0, 0)>
#map1 = affine_map<(d0, d1) -> (0, 0, 0)>
module attributes {stable_mosaic.version = 14 : i64} {
  func.func @k(%arg0: i32, %arg1: i32, %arg2: memref<10000x64xf32, #tpu.memory_space<hbm>>, %arg3: memref<32x80x128xi32, #tpu.memory_space<hbm>>, %arg4: memref<32x80x128xi32, #tpu.memory_space<hbm>>, %arg5: memref<10000x128xf32, #tpu.memory_space<hbm>>, %arg6: memref<80x128xi32, #tpu.memory_space<vmem>>, %arg7: memref<80x128xi32, #tpu.memory_space<vmem>>, %arg8: memref<128x64xf32, #tpu.memory_space<vmem>>, %arg9: memref<128x64xf32, #tpu.memory_space<vmem>>, %arg10: memref<128x64xf32, #tpu.memory_space<vmem>>, %arg11: memref<128x64xf32, #tpu.memory_space<vmem>>, %arg12: memref<128x64xf32, #tpu.memory_space<vmem>>, %arg13: memref<11024x64xf32, #tpu.memory_space<vmem_shared>>, %arg14: memref<!tpu.dma_semaphore, #tpu.memory_space<semaphore_mem>>, %arg15: memref<!tpu.dma_semaphore, #tpu.memory_space<semaphore_mem>>) attributes {dimension_semantics = [#tpu.dimension_semantics<core_parallel>, #tpu.dimension_semantics<subcore_parallel>], iteration_bounds = array<i64: 2, 16>, scalar_prefetch = 0 : i64, scratch_operands = 10 : i64, tpu.core_type = #tpu.core_type<sc_vector_subcore>, window_params = [{transform_indices = #map}, {transform_indices = #map1}, {transform_indices = #map1}, {transform_indices = #map}]} {
    %mul3A = arith.constant 2 : i32
    %mul3A_0 = arith.muli %arg1, %mul3A : i32
    %add3A = arith.addi %mul3A_0, %arg0 : i32
    "tpu.region"() ({
      %run_scoped3A = tpu.sem_alloc : memref<!tpu.dma_semaphore, #tpu.memory_space<semaphore_mem>>
      %dma_start3A_82 = arith.constant 0 : i32
      %dma_start3A_83 = arith.constant 0 : i32
      %dma_start3A_84 = tpu.memref_slice %arg3[%add3A, %dma_start3A_82, %dma_start3A_83] : memref<32x80x128xi32, #tpu.memory_space<hbm>> -> memref<1x80x128xi32, #tpu.memory_space<hbm>>
      %dma_start3A_85 = tpu.memref_squeeze %dma_start3A_84 : memref<1x80x128xi32, #tpu.memory_space<hbm>> -> memref<80x128xi32, #tpu.memory_space<hbm>>
      %dma_start3A_86 = arith.constant 0 : i32
      %dma_start3A_87 = arith.constant 0 : i32
      %dma_start3A_88 = tpu.memref_slice %arg3[%add3A, %dma_start3A_86, %dma_start3A_87] : memref<32x80x128xi32, #tpu.memory_space<hbm>> -> memref<1x80x128xi32, #tpu.memory_space<hbm>>
      %dma_start3A_89 = tpu.memref_squeeze %dma_start3A_88 : memref<1x80x128xi32, #tpu.memory_space<hbm>> -> memref<80x128xi32, #tpu.memory_space<hbm>>
      tpu.enqueue_dma source(%dma_start3A_89 : memref<80x128xi32, #tpu.memory_space<hbm>>) target(%arg6 : memref<80x128xi32, #tpu.memory_space<vmem>>) target_semaphore(%run_scoped3A : memref<!tpu.dma_semaphore, #tpu.memory_space<semaphore_mem>>)
      %dma_wait3A_90 = arith.constant 0 : i32
      %dma_wait3A_91 = arith.constant 0 : i32
      %dma_wait3A_92 = tpu.memref_slice %arg3[%add3A, %dma_wait3A_90, %dma_wait3A_91] : memref<32x80x128xi32, #tpu.memory_space<hbm>> -> memref<1x80x128xi32, #tpu.memory_space<hbm>>
      %dma_wait3A_93 = tpu.memref_squeeze %dma_wait3A_92 : memref<1x80x128xi32, #tpu.memory_space<hbm>> -> memref<80x128xi32, #tpu.memory_space<hbm>>
      %dma_wait3A_94 = arith.constant 0 : i32
      %dma_wait3A_95 = arith.constant 0 : i32
      %dma_wait3A_96 = tpu.memref_slice %arg3[%add3A, %dma_wait3A_94, %dma_wait3A_95] : memref<32x80x128xi32, #tpu.memory_space<hbm>> -> memref<1x80x128xi32, #tpu.memory_space<hbm>>
      %dma_wait3A_97 = tpu.memref_squeeze %dma_wait3A_96 : memref<1x80x128xi32, #tpu.memory_space<hbm>> -> memref<80x128xi32, #tpu.memory_space<hbm>>
      tpu.wait_dma2 semaphore(%run_scoped3A : memref<!tpu.dma_semaphore, #tpu.memory_space<semaphore_mem>>) src(%dma_wait3A_97 : memref<80x128xi32, #tpu.memory_space<hbm>>) dst(%arg6 : memref<80x128xi32, #tpu.memory_space<vmem>>)
      tpu.yield
    }) : () -> ()
    "tpu.region"() ({
      %run_scoped3A = tpu.sem_alloc : memref<!tpu.dma_semaphore, #tpu.memory_space<semaphore_mem>>
      %dma_start3A_82 = arith.constant 0 : i32
      %dma_start3A_83 = arith.constant 0 : i32
      %dma_start3A_84 = tpu.memref_slice %arg4[%add3A, %dma_start3A_82, %dma_start3A_83] : memref<32x80x128xi32, #tpu.memory_space<hbm>> -> memref<1x80x128xi32, #tpu.memory_space<hbm>>
      %dma_start3A_85 = tpu.memref_squeeze %dma_start3A_84 : memref<1x80x128xi32, #tpu.memory_space<hbm>> -> memref<80x128xi32, #tpu.memory_space<hbm>>
      %dma_start3A_86 = arith.constant 0 : i32
      %dma_start3A_87 = arith.constant 0 : i32
      %dma_start3A_88 = tpu.memref_slice %arg4[%add3A, %dma_start3A_86, %dma_start3A_87] : memref<32x80x128xi32, #tpu.memory_space<hbm>> -> memref<1x80x128xi32, #tpu.memory_space<hbm>>
      %dma_start3A_89 = tpu.memref_squeeze %dma_start3A_88 : memref<1x80x128xi32, #tpu.memory_space<hbm>> -> memref<80x128xi32, #tpu.memory_space<hbm>>
      tpu.enqueue_dma source(%dma_start3A_89 : memref<80x128xi32, #tpu.memory_space<hbm>>) target(%arg7 : memref<80x128xi32, #tpu.memory_space<vmem>>) target_semaphore(%run_scoped3A : memref<!tpu.dma_semaphore, #tpu.memory_space<semaphore_mem>>)
      %dma_wait3A_90 = arith.constant 0 : i32
      %dma_wait3A_91 = arith.constant 0 : i32
      %dma_wait3A_92 = tpu.memref_slice %arg4[%add3A, %dma_wait3A_90, %dma_wait3A_91] : memref<32x80x128xi32, #tpu.memory_space<hbm>> -> memref<1x80x128xi32, #tpu.memory_space<hbm>>
      %dma_wait3A_93 = tpu.memref_squeeze %dma_wait3A_92 : memref<1x80x128xi32, #tpu.memory_space<hbm>> -> memref<80x128xi32, #tpu.memory_space<hbm>>
      %dma_wait3A_94 = arith.constant 0 : i32
      %dma_wait3A_95 = arith.constant 0 : i32
      %dma_wait3A_96 = tpu.memref_slice %arg4[%add3A, %dma_wait3A_94, %dma_wait3A_95] : memref<32x80x128xi32, #tpu.memory_space<hbm>> -> memref<1x80x128xi32, #tpu.memory_space<hbm>>
      %dma_wait3A_97 = tpu.memref_squeeze %dma_wait3A_96 : memref<1x80x128xi32, #tpu.memory_space<hbm>> -> memref<80x128xi32, #tpu.memory_space<hbm>>
      tpu.wait_dma2 semaphore(%run_scoped3A : memref<!tpu.dma_semaphore, #tpu.memory_space<semaphore_mem>>) src(%dma_wait3A_97 : memref<80x128xi32, #tpu.memory_space<hbm>>) dst(%arg7 : memref<80x128xi32, #tpu.memory_space<vmem>>)
      tpu.yield
    }) : () -> ()
    %lt3A = arith.constant 16 : i32
    %lt3A_1 = arith.cmpi slt, %arg1, %lt3A : i32
    %convert_element_type3A = arith.extui %lt3A_1 : i1 to i32
    %cond3A = arith.constant 0 : i32
    %cond3A_2 = arith.cmpi ne, %convert_element_type3A, %cond3A : i32
    scf.if %cond3A_2 {
      %mul3A_82 = arith.constant 625 : i32
      %mul3A_83 = arith.muli %arg1, %mul3A_82 : i32
      %mul3A_84 = arith.constant 625 : i32
      %mul3A_85 = arith.muli %arg1, %mul3A_84 : i32
      "tpu.region"() ({
        %run_scoped3A = tpu.sem_alloc : memref<!tpu.dma_semaphore, #tpu.memory_space<semaphore_mem>>
        %dma_start3A_86 = arith.constant 0 : i32
        %dma_start3A_87 = tpu.memref_slice %arg13[%mul3A_85, %dma_start3A_86] : memref<11024x64xf32, #tpu.memory_space<vmem_shared>> -> memref<625x64xf32, #tpu.memory_space<vmem_shared>>
        %dma_start3A_88 = arith.constant 0 : i32
        %dma_start3A_89 = tpu.memref_slice %arg2[%mul3A_83, %dma_start3A_88] : memref<10000x64xf32, #tpu.memory_space<hbm>> -> memref<625x64xf32, #tpu.memory_space<hbm>>
        tpu.enqueue_dma source(%dma_start3A_89 : memref<625x64xf32, #tpu.memory_space<hbm>>) target(%dma_start3A_87 : memref<625x64xf32, #tpu.memory_space<vmem_shared>>) target_semaphore(%run_scoped3A : memref<!tpu.dma_semaphore, #tpu.memory_space<semaphore_mem>>)
        %dma_wait3A_90 = arith.constant 0 : i32
        %dma_wait3A_91 = tpu.memref_slice %arg13[%mul3A_85, %dma_wait3A_90] : memref<11024x64xf32, #tpu.memory_space<vmem_shared>> -> memref<625x64xf32, #tpu.memory_space<vmem_shared>>
        %dma_wait3A_92 = arith.constant 0 : i32
        %dma_wait3A_93 = tpu.memref_slice %arg2[%mul3A_83, %dma_wait3A_92] : memref<10000x64xf32, #tpu.memory_space<hbm>> -> memref<625x64xf32, #tpu.memory_space<hbm>>
        tpu.wait_dma2 semaphore(%run_scoped3A : memref<!tpu.dma_semaphore, #tpu.memory_space<semaphore_mem>>) src(%dma_wait3A_93 : memref<625x64xf32, #tpu.memory_space<hbm>>) dst(%dma_wait3A_91 : memref<625x64xf32, #tpu.memory_space<vmem_shared>>)
        tpu.yield
      }) : () -> ()
    } else {
    }
    %barrier3A = arith.constant 0 : index
    tpu.barrier barrier_id(%barrier3A)
    %dma_start3A = arith.constant 0 : i32
    %dma_start3A_3 = arith.constant 0 : i32
    %dma_start3A_4 = tpu.memref_slice %arg6[%dma_start3A, %dma_start3A_3] : memref<80x128xi32, #tpu.memory_space<vmem>> -> memref<1x128xi32, #tpu.memory_space<vmem>>
    %dma_start3A_5 = tpu.memref_squeeze %dma_start3A_4 : memref<1x128xi32, #tpu.memory_space<vmem>> -> memref<128xi32, #tpu.memory_space<vmem>>
    %dma_start3A_6 = arith.constant 0 : i32
    %dma_start3A_7 = arith.constant 0 : i32
    %dma_start3A_8 = tpu.memref_slice %arg2[%dma_start3A_6, %dma_start3A_7] : memref<10000x64xf32, #tpu.memory_space<hbm>> -> memref<10000x64xf32, #tpu.memory_space<hbm>>
    tpu.enqueue_indirect_dma source(%dma_start3A_8 : memref<10000x64xf32, #tpu.memory_space<hbm>>) target(%arg8 : memref<128x64xf32, #tpu.memory_space<vmem>>) offsets(%dma_start3A_5 : memref<128xi32, #tpu.memory_space<vmem>>) semaphore(%arg14 : memref<!tpu.dma_semaphore, #tpu.memory_space<semaphore_mem>>)
    %dma_start3A_9 = arith.constant 1 : i32
    %dma_start3A_10 = arith.constant 0 : i32
    %dma_start3A_11 = tpu.memref_slice %arg6[%dma_start3A_9, %dma_start3A_10] : memref<80x128xi32, #tpu.memory_space<vmem>> -> memref<1x128xi32, #tpu.memory_space<vmem>>
    %dma_start3A_12 = tpu.memref_squeeze %dma_start3A_11 : memref<1x128xi32, #tpu.memory_space<vmem>> -> memref<128xi32, #tpu.memory_space<vmem>>
    %dma_start3A_13 = arith.constant 0 : i32
    %dma_start3A_14 = arith.constant 0 : i32
    %dma_start3A_15 = tpu.memref_slice %arg2[%dma_start3A_13, %dma_start3A_14] : memref<10000x64xf32, #tpu.memory_space<hbm>> -> memref<10000x64xf32, #tpu.memory_space<hbm>>
    tpu.enqueue_indirect_dma source(%dma_start3A_15 : memref<10000x64xf32, #tpu.memory_space<hbm>>) target(%arg9 : memref<128x64xf32, #tpu.memory_space<vmem>>) offsets(%dma_start3A_12 : memref<128xi32, #tpu.memory_space<vmem>>) semaphore(%arg14 : memref<!tpu.dma_semaphore, #tpu.memory_space<semaphore_mem>>)
    %dma_start3A_16 = arith.constant 2 : i32
    %dma_start3A_17 = arith.constant 0 : i32
    %dma_start3A_18 = tpu.memref_slice %arg6[%dma_start3A_16, %dma_start3A_17] : memref<80x128xi32, #tpu.memory_space<vmem>> -> memref<1x128xi32, #tpu.memory_space<vmem>>
    %dma_start3A_19 = tpu.memref_squeeze %dma_start3A_18 : memref<1x128xi32, #tpu.memory_space<vmem>> -> memref<128xi32, #tpu.memory_space<vmem>>
    %dma_start3A_20 = arith.constant 0 : i32
    %dma_start3A_21 = arith.constant 0 : i32
    %dma_start3A_22 = tpu.memref_slice %arg2[%dma_start3A_20, %dma_start3A_21] : memref<10000x64xf32, #tpu.memory_space<hbm>> -> memref<10000x64xf32, #tpu.memory_space<hbm>>
    tpu.enqueue_indirect_dma source(%dma_start3A_22 : memref<10000x64xf32, #tpu.memory_space<hbm>>) target(%arg10 : memref<128x64xf32, #tpu.memory_space<vmem>>) offsets(%dma_start3A_19 : memref<128xi32, #tpu.memory_space<vmem>>) semaphore(%arg14 : memref<!tpu.dma_semaphore, #tpu.memory_space<semaphore_mem>>)
    %dma_start3A_23 = arith.constant 3 : i32
    %dma_start3A_24 = arith.constant 0 : i32
    %dma_start3A_25 = tpu.memref_slice %arg6[%dma_start3A_23, %dma_start3A_24] : memref<80x128xi32, #tpu.memory_space<vmem>> -> memref<1x128xi32, #tpu.memory_space<vmem>>
    %dma_start3A_26 = tpu.memref_squeeze %dma_start3A_25 : memref<1x128xi32, #tpu.memory_space<vmem>> -> memref<128xi32, #tpu.memory_space<vmem>>
    %dma_start3A_27 = arith.constant 0 : i32
    %dma_start3A_28 = arith.constant 0 : i32
    %dma_start3A_29 = tpu.memref_slice %arg2[%dma_start3A_27, %dma_start3A_28] : memref<10000x64xf32, #tpu.memory_space<hbm>> -> memref<10000x64xf32, #tpu.memory_space<hbm>>
    tpu.enqueue_indirect_dma source(%dma_start3A_29 : memref<10000x64xf32, #tpu.memory_space<hbm>>) target(%arg11 : memref<128x64xf32, #tpu.memory_space<vmem>>) offsets(%dma_start3A_26 : memref<128xi32, #tpu.memory_space<vmem>>) semaphore(%arg14 : memref<!tpu.dma_semaphore, #tpu.memory_space<semaphore_mem>>)
    %dma_start3A_30 = arith.constant 4 : i32
    %dma_start3A_31 = arith.constant 0 : i32
    %dma_start3A_32 = tpu.memref_slice %arg6[%dma_start3A_30, %dma_start3A_31] : memref<80x128xi32, #tpu.memory_space<vmem>> -> memref<1x128xi32, #tpu.memory_space<vmem>>
    %dma_start3A_33 = tpu.memref_squeeze %dma_start3A_32 : memref<1x128xi32, #tpu.memory_space<vmem>> -> memref<128xi32, #tpu.memory_space<vmem>>
    %dma_start3A_34 = arith.constant 0 : i32
    %dma_start3A_35 = arith.constant 0 : i32
    %dma_start3A_36 = tpu.memref_slice %arg2[%dma_start3A_34, %dma_start3A_35] : memref<10000x64xf32, #tpu.memory_space<hbm>> -> memref<10000x64xf32, #tpu.memory_space<hbm>>
    tpu.enqueue_indirect_dma source(%dma_start3A_36 : memref<10000x64xf32, #tpu.memory_space<hbm>>) target(%arg12 : memref<128x64xf32, #tpu.memory_space<vmem>>) offsets(%dma_start3A_33 : memref<128xi32, #tpu.memory_space<vmem>>) semaphore(%arg14 : memref<!tpu.dma_semaphore, #tpu.memory_space<semaphore_mem>>)
    %scan3A = arith.constant 0 : i32
    %scan3A_37 = arith.constant 0 : i32
    %scan3A_38 = arith.constant 16 : i32
    %scan3A_39 = arith.addi %scan3A_37, %scan3A_38 : i32
    %scan3A_40 = arith.constant 1 : i32
    scf.for %scan3A_82 = %scan3A_37 to %scan3A_39 step %scan3A_40  : i32 {
      %mul3A_83 = arith.constant 5 : i32
      %mul3A_84 = arith.muli %scan3A_82, %mul3A_83 : i32
      %add3A_85 = arith.constant 0 : i32
      %add3A_86 = arith.addi %mul3A_84, %add3A_85 : i32
      %dma_wait3A_87 = arith.constant 0 : i32
      %dma_wait3A_88 = tpu.memref_slice %arg6[%add3A_86, %dma_wait3A_87] : memref<80x128xi32, #tpu.memory_space<vmem>> -> memref<1x128xi32, #tpu.memory_space<vmem>>
      %dma_wait3A_89 = tpu.memref_squeeze %dma_wait3A_88 : memref<1x128xi32, #tpu.memory_space<vmem>> -> memref<128xi32, #tpu.memory_space<vmem>>
      %dma_wait3A_90 = arith.constant 0 : i32
      %dma_wait3A_91 = arith.constant 0 : i32
      %dma_wait3A_92 = tpu.memref_slice %arg2[%dma_wait3A_90, %dma_wait3A_91] : memref<10000x64xf32, #tpu.memory_space<hbm>> -> memref<10000x64xf32, #tpu.memory_space<hbm>>
      tpu.wait_indirect_dma semaphore(%arg14 : memref<!tpu.dma_semaphore, #tpu.memory_space<semaphore_mem>>) src(%dma_wait3A_92 : memref<10000x64xf32, #tpu.memory_space<hbm>>) dst(%arg8 : memref<128x64xf32, #tpu.memory_space<vmem>>)
      %add3A_93 = arith.constant 0 : i32
      %add3A_94 = arith.addi %mul3A_84, %add3A_93 : i32
      %dma_start3A_95 = arith.constant 0 : i32
      %dma_start3A_96 = tpu.memref_slice %arg7[%add3A_94, %dma_start3A_95] : memref<80x128xi32, #tpu.memory_space<vmem>> -> memref<1x128xi32, #tpu.memory_space<vmem>>
      %dma_start3A_97 = tpu.memref_squeeze %dma_start3A_96 : memref<1x128xi32, #tpu.memory_space<vmem>> -> memref<128xi32, #tpu.memory_space<vmem>>
      %dma_start3A_98 = arith.constant 0 : i32
      %dma_start3A_99 = arith.constant 0 : i32
      %dma_start3A_100 = tpu.memref_slice %arg13[%dma_start3A_98, %dma_start3A_99] : memref<11024x64xf32, #tpu.memory_space<vmem_shared>> -> memref<11024x64xf32, #tpu.memory_space<vmem_shared>>
      tpu.enqueue_indirect_dma source(%arg8 : memref<128x64xf32, #tpu.memory_space<vmem>>) target(%dma_start3A_100 : memref<11024x64xf32, #tpu.memory_space<vmem_shared>>) offsets(%dma_start3A_97 : memref<128xi32, #tpu.memory_space<vmem>>) semaphore(%arg15 : memref<!tpu.dma_semaphore, #tpu.memory_space<semaphore_mem>>) {add = true}
      %add3A_101 = arith.constant 1 : i32
      %add3A_102 = arith.addi %mul3A_84, %add3A_101 : i32
      %dma_wait3A_103 = arith.constant 0 : i32
      %dma_wait3A_104 = tpu.memref_slice %arg6[%add3A_102, %dma_wait3A_103] : memref<80x128xi32, #tpu.memory_space<vmem>> -> memref<1x128xi32, #tpu.memory_space<vmem>>
      %dma_wait3A_105 = tpu.memref_squeeze %dma_wait3A_104 : memref<1x128xi32, #tpu.memory_space<vmem>> -> memref<128xi32, #tpu.memory_space<vmem>>
      %dma_wait3A_106 = arith.constant 0 : i32
      %dma_wait3A_107 = arith.constant 0 : i32
      %dma_wait3A_108 = tpu.memref_slice %arg2[%dma_wait3A_106, %dma_wait3A_107] : memref<10000x64xf32, #tpu.memory_space<hbm>> -> memref<10000x64xf32, #tpu.memory_space<hbm>>
      tpu.wait_indirect_dma semaphore(%arg14 : memref<!tpu.dma_semaphore, #tpu.memory_space<semaphore_mem>>) src(%dma_wait3A_108 : memref<10000x64xf32, #tpu.memory_space<hbm>>) dst(%arg9 : memref<128x64xf32, #tpu.memory_space<vmem>>)
      %add3A_109 = arith.constant 1 : i32
      %add3A_110 = arith.addi %mul3A_84, %add3A_109 : i32
      %dma_start3A_111 = arith.constant 0 : i32
      %dma_start3A_112 = tpu.memref_slice %arg7[%add3A_110, %dma_start3A_111] : memref<80x128xi32, #tpu.memory_space<vmem>> -> memref<1x128xi32, #tpu.memory_space<vmem>>
      %dma_start3A_113 = tpu.memref_squeeze %dma_start3A_112 : memref<1x128xi32, #tpu.memory_space<vmem>> -> memref<128xi32, #tpu.memory_space<vmem>>
      %dma_start3A_114 = arith.constant 0 : i32
      %dma_start3A_115 = arith.constant 0 : i32
      %dma_start3A_116 = tpu.memref_slice %arg13[%dma_start3A_114, %dma_start3A_115] : memref<11024x64xf32, #tpu.memory_space<vmem_shared>> -> memref<11024x64xf32, #tpu.memory_space<vmem_shared>>
      tpu.enqueue_indirect_dma source(%arg9 : memref<128x64xf32, #tpu.memory_space<vmem>>) target(%dma_start3A_116 : memref<11024x64xf32, #tpu.memory_space<vmem_shared>>) offsets(%dma_start3A_113 : memref<128xi32, #tpu.memory_space<vmem>>) semaphore(%arg15 : memref<!tpu.dma_semaphore, #tpu.memory_space<semaphore_mem>>) {add = true}
      %add3A_117 = arith.constant 2 : i32
      %add3A_118 = arith.addi %mul3A_84, %add3A_117 : i32
      %dma_wait3A_119 = arith.constant 0 : i32
      %dma_wait3A_120 = tpu.memref_slice %arg6[%add3A_118, %dma_wait3A_119] : memref<80x128xi32, #tpu.memory_space<vmem>> -> memref<1x128xi32, #tpu.memory_space<vmem>>
      %dma_wait3A_121 = tpu.memref_squeeze %dma_wait3A_120 : memref<1x128xi32, #tpu.memory_space<vmem>> -> memref<128xi32, #tpu.memory_space<vmem>>
      %dma_wait3A_122 = arith.constant 0 : i32
      %dma_wait3A_123 = arith.constant 0 : i32
      %dma_wait3A_124 = tpu.memref_slice %arg2[%dma_wait3A_122, %dma_wait3A_123] : memref<10000x64xf32, #tpu.memory_space<hbm>> -> memref<10000x64xf32, #tpu.memory_space<hbm>>
      tpu.wait_indirect_dma semaphore(%arg14 : memref<!tpu.dma_semaphore, #tpu.memory_space<semaphore_mem>>) src(%dma_wait3A_124 : memref<10000x64xf32, #tpu.memory_space<hbm>>) dst(%arg10 : memref<128x64xf32, #tpu.memory_space<vmem>>)
      %add3A_125 = arith.constant 2 : i32
      %add3A_126 = arith.addi %mul3A_84, %add3A_125 : i32
      %dma_start3A_127 = arith.constant 0 : i32
      %dma_start3A_128 = tpu.memref_slice %arg7[%add3A_126, %dma_start3A_127] : memref<80x128xi32, #tpu.memory_space<vmem>> -> memref<1x128xi32, #tpu.memory_space<vmem>>
      %dma_start3A_129 = tpu.memref_squeeze %dma_start3A_128 : memref<1x128xi32, #tpu.memory_space<vmem>> -> memref<128xi32, #tpu.memory_space<vmem>>
      %dma_start3A_130 = arith.constant 0 : i32
      %dma_start3A_131 = arith.constant 0 : i32
      %dma_start3A_132 = tpu.memref_slice %arg13[%dma_start3A_130, %dma_start3A_131] : memref<11024x64xf32, #tpu.memory_space<vmem_shared>> -> memref<11024x64xf32, #tpu.memory_space<vmem_shared>>
      tpu.enqueue_indirect_dma source(%arg10 : memref<128x64xf32, #tpu.memory_space<vmem>>) target(%dma_start3A_132 : memref<11024x64xf32, #tpu.memory_space<vmem_shared>>) offsets(%dma_start3A_129 : memref<128xi32, #tpu.memory_space<vmem>>) semaphore(%arg15 : memref<!tpu.dma_semaphore, #tpu.memory_space<semaphore_mem>>) {add = true}
      %add3A_133 = arith.constant 3 : i32
      %add3A_134 = arith.addi %mul3A_84, %add3A_133 : i32
      %dma_wait3A_135 = arith.constant 0 : i32
      %dma_wait3A_136 = tpu.memref_slice %arg6[%add3A_134, %dma_wait3A_135] : memref<80x128xi32, #tpu.memory_space<vmem>> -> memref<1x128xi32, #tpu.memory_space<vmem>>
      %dma_wait3A_137 = tpu.memref_squeeze %dma_wait3A_136 : memref<1x128xi32, #tpu.memory_space<vmem>> -> memref<128xi32, #tpu.memory_space<vmem>>
      %dma_wait3A_138 = arith.constant 0 : i32
      %dma_wait3A_139 = arith.constant 0 : i32
      %dma_wait3A_140 = tpu.memref_slice %arg2[%dma_wait3A_138, %dma_wait3A_139] : memref<10000x64xf32, #tpu.memory_space<hbm>> -> memref<10000x64xf32, #tpu.memory_space<hbm>>
      tpu.wait_indirect_dma semaphore(%arg14 : memref<!tpu.dma_semaphore, #tpu.memory_space<semaphore_mem>>) src(%dma_wait3A_140 : memref<10000x64xf32, #tpu.memory_space<hbm>>) dst(%arg11 : memref<128x64xf32, #tpu.memory_space<vmem>>)
      %add3A_141 = arith.constant 3 : i32
      %add3A_142 = arith.addi %mul3A_84, %add3A_141 : i32
      %dma_start3A_143 = arith.constant 0 : i32
      %dma_start3A_144 = tpu.memref_slice %arg7[%add3A_142, %dma_start3A_143] : memref<80x128xi32, #tpu.memory_space<vmem>> -> memref<1x128xi32, #tpu.memory_space<vmem>>
      %dma_start3A_145 = tpu.memref_squeeze %dma_start3A_144 : memref<1x128xi32, #tpu.memory_space<vmem>> -> memref<128xi32, #tpu.memory_space<vmem>>
      %dma_start3A_146 = arith.constant 0 : i32
      %dma_start3A_147 = arith.constant 0 : i32
      %dma_start3A_148 = tpu.memref_slice %arg13[%dma_start3A_146, %dma_start3A_147] : memref<11024x64xf32, #tpu.memory_space<vmem_shared>> -> memref<11024x64xf32, #tpu.memory_space<vmem_shared>>
      tpu.enqueue_indirect_dma source(%arg11 : memref<128x64xf32, #tpu.memory_space<vmem>>) target(%dma_start3A_148 : memref<11024x64xf32, #tpu.memory_space<vmem_shared>>) offsets(%dma_start3A_145 : memref<128xi32, #tpu.memory_space<vmem>>) semaphore(%arg15 : memref<!tpu.dma_semaphore, #tpu.memory_space<semaphore_mem>>) {add = true}
      %add3A_149 = arith.constant 4 : i32
      %add3A_150 = arith.addi %mul3A_84, %add3A_149 : i32
      %dma_wait3A_151 = arith.constant 0 : i32
      %dma_wait3A_152 = tpu.memref_slice %arg6[%add3A_150, %dma_wait3A_151] : memref<80x128xi32, #tpu.memory_space<vmem>> -> memref<1x128xi32, #tpu.memory_space<vmem>>
      %dma_wait3A_153 = tpu.memref_squeeze %dma_wait3A_152 : memref<1x128xi32, #tpu.memory_space<vmem>> -> memref<128xi32, #tpu.memory_space<vmem>>
      %dma_wait3A_154 = arith.constant 0 : i32
      %dma_wait3A_155 = arith.constant 0 : i32
      %dma_wait3A_156 = tpu.memref_slice %arg2[%dma_wait3A_154, %dma_wait3A_155] : memref<10000x64xf32, #tpu.memory_space<hbm>> -> memref<10000x64xf32, #tpu.memory_space<hbm>>
      tpu.wait_indirect_dma semaphore(%arg14 : memref<!tpu.dma_semaphore, #tpu.memory_space<semaphore_mem>>) src(%dma_wait3A_156 : memref<10000x64xf32, #tpu.memory_space<hbm>>) dst(%arg12 : memref<128x64xf32, #tpu.memory_space<vmem>>)
      %add3A_157 = arith.constant 4 : i32
      %add3A_158 = arith.addi %mul3A_84, %add3A_157 : i32
      %dma_start3A_159 = arith.constant 0 : i32
      %dma_start3A_160 = tpu.memref_slice %arg7[%add3A_158, %dma_start3A_159] : memref<80x128xi32, #tpu.memory_space<vmem>> -> memref<1x128xi32, #tpu.memory_space<vmem>>
      %dma_start3A_161 = tpu.memref_squeeze %dma_start3A_160 : memref<1x128xi32, #tpu.memory_space<vmem>> -> memref<128xi32, #tpu.memory_space<vmem>>
      %dma_start3A_162 = arith.constant 0 : i32
      %dma_start3A_163 = arith.constant 0 : i32
      %dma_start3A_164 = tpu.memref_slice %arg13[%dma_start3A_162, %dma_start3A_163] : memref<11024x64xf32, #tpu.memory_space<vmem_shared>> -> memref<11024x64xf32, #tpu.memory_space<vmem_shared>>
      tpu.enqueue_indirect_dma source(%arg12 : memref<128x64xf32, #tpu.memory_space<vmem>>) target(%dma_start3A_164 : memref<11024x64xf32, #tpu.memory_space<vmem_shared>>) offsets(%dma_start3A_161 : memref<128xi32, #tpu.memory_space<vmem>>) semaphore(%arg15 : memref<!tpu.dma_semaphore, #tpu.memory_space<semaphore_mem>>) {add = true}
      %add3A_165 = arith.constant 0 : i32
      %add3A_166 = arith.addi %mul3A_84, %add3A_165 : i32
      %add3A_167 = arith.constant 5 : i32
      %add3A_168 = arith.addi %add3A_166, %add3A_167 : i32
      %lt3A_169 = arith.constant 80 : i32
      %lt3A_170 = arith.cmpi slt, %add3A_168, %lt3A_169 : i32
      %convert_element_type3A_171 = arith.extui %lt3A_170 : i1 to i32
      %cond3A_172 = arith.constant 0 : i32
      %cond3A_173 = arith.cmpi ne, %convert_element_type3A_171, %cond3A_172 : i32
      scf.if %cond3A_173 {
        %add3A_210 = arith.constant 0 : i32
        %add3A_211 = arith.addi %mul3A_84, %add3A_210 : i32
        %dma_wait3A_212 = arith.constant 0 : i32
        %dma_wait3A_213 = tpu.memref_slice %arg7[%add3A_211, %dma_wait3A_212] : memref<80x128xi32, #tpu.memory_space<vmem>> -> memref<1x128xi32, #tpu.memory_space<vmem>>
        %dma_wait3A_214 = tpu.memref_squeeze %dma_wait3A_213 : memref<1x128xi32, #tpu.memory_space<vmem>> -> memref<128xi32, #tpu.memory_space<vmem>>
        %dma_wait3A_215 = arith.constant 0 : i32
        %dma_wait3A_216 = arith.constant 0 : i32
        %dma_wait3A_217 = tpu.memref_slice %arg13[%dma_wait3A_215, %dma_wait3A_216] : memref<11024x64xf32, #tpu.memory_space<vmem_shared>> -> memref<11024x64xf32, #tpu.memory_space<vmem_shared>>
        tpu.wait_indirect_dma semaphore(%arg15 : memref<!tpu.dma_semaphore, #tpu.memory_space<semaphore_mem>>) src(%arg8 : memref<128x64xf32, #tpu.memory_space<vmem>>) dst(%dma_wait3A_217 : memref<11024x64xf32, #tpu.memory_space<vmem_shared>>)
        %add3A_218 = arith.constant 0 : i32
        %add3A_219 = arith.addi %mul3A_84, %add3A_218 : i32
        %add3A_220 = arith.constant 5 : i32
        %add3A_221 = arith.addi %add3A_219, %add3A_220 : i32
        %dma_start3A_222 = arith.constant 0 : i32
        %dma_start3A_223 = tpu.memref_slice %arg6[%add3A_221, %dma_start3A_222] : memref<80x128xi32, #tpu.memory_space<vmem>> -> memref<1x128xi32, #tpu.memory_space<vmem>>
        %dma_start3A_224 = tpu.memref_squeeze %dma_start3A_223 : memref<1x128xi32, #tpu.memory_space<vmem>> -> memref<128xi32, #tpu.memory_space<vmem>>
        %dma_start3A_225 = arith.constant 0 : i32
        %dma_start3A_226 = arith.constant 0 : i32
        %dma_start3A_227 = tpu.memref_slice %arg2[%dma_start3A_225, %dma_start3A_226] : memref<10000x64xf32, #tpu.memory_space<hbm>> -> memref<10000x64xf32, #tpu.memory_space<hbm>>
        tpu.enqueue_indirect_dma source(%dma_start3A_227 : memref<10000x64xf32, #tpu.memory_space<hbm>>) target(%arg8 : memref<128x64xf32, #tpu.memory_space<vmem>>) offsets(%dma_start3A_224 : memref<128xi32, #tpu.memory_space<vmem>>) semaphore(%arg14 : memref<!tpu.dma_semaphore, #tpu.memory_space<semaphore_mem>>)
      } else {
      }
      %add3A_174 = arith.constant 1 : i32
      %add3A_175 = arith.addi %mul3A_84, %add3A_174 : i32
      %add3A_176 = arith.constant 5 : i32
      %add3A_177 = arith.addi %add3A_175, %add3A_176 : i32
      %lt3A_178 = arith.constant 80 : i32
      %lt3A_179 = arith.cmpi slt, %add3A_177, %lt3A_178 : i32
      %convert_element_type3A_180 = arith.extui %lt3A_179 : i1 to i32
      %cond3A_181 = arith.constant 0 : i32
      %cond3A_182 = arith.cmpi ne, %convert_element_type3A_180, %cond3A_181 : i32
      scf.if %cond3A_182 {
        %add3A_210 = arith.constant 1 : i32
        %add3A_211 = arith.addi %mul3A_84, %add3A_210 : i32
        %dma_wait3A_212 = arith.constant 0 : i32
        %dma_wait3A_213 = tpu.memref_slice %arg7[%add3A_211, %dma_wait3A_212] : memref<80x128xi32, #tpu.memory_space<vmem>> -> memref<1x128xi32, #tpu.memory_space<vmem>>
        %dma_wait3A_214 = tpu.memref_squeeze %dma_wait3A_213 : memref<1x128xi32, #tpu.memory_space<vmem>> -> memref<128xi32, #tpu.memory_space<vmem>>
        %dma_wait3A_215 = arith.constant 0 : i32
        %dma_wait3A_216 = arith.constant 0 : i32
        %dma_wait3A_217 = tpu.memref_slice %arg13[%dma_wait3A_215, %dma_wait3A_216] : memref<11024x64xf32, #tpu.memory_space<vmem_shared>> -> memref<11024x64xf32, #tpu.memory_space<vmem_shared>>
        tpu.wait_indirect_dma semaphore(%arg15 : memref<!tpu.dma_semaphore, #tpu.memory_space<semaphore_mem>>) src(%arg9 : memref<128x64xf32, #tpu.memory_space<vmem>>) dst(%dma_wait3A_217 : memref<11024x64xf32, #tpu.memory_space<vmem_shared>>)
        %add3A_218 = arith.constant 1 : i32
        %add3A_219 = arith.addi %mul3A_84, %add3A_218 : i32
        %add3A_220 = arith.constant 5 : i32
        %add3A_221 = arith.addi %add3A_219, %add3A_220 : i32
        %dma_start3A_222 = arith.constant 0 : i32
        %dma_start3A_223 = tpu.memref_slice %arg6[%add3A_221, %dma_start3A_222] : memref<80x128xi32, #tpu.memory_space<vmem>> -> memref<1x128xi32, #tpu.memory_space<vmem>>
        %dma_start3A_224 = tpu.memref_squeeze %dma_start3A_223 : memref<1x128xi32, #tpu.memory_space<vmem>> -> memref<128xi32, #tpu.memory_space<vmem>>
        %dma_start3A_225 = arith.constant 0 : i32
        %dma_start3A_226 = arith.constant 0 : i32
        %dma_start3A_227 = tpu.memref_slice %arg2[%dma_start3A_225, %dma_start3A_226] : memref<10000x64xf32, #tpu.memory_space<hbm>> -> memref<10000x64xf32, #tpu.memory_space<hbm>>
        tpu.enqueue_indirect_dma source(%dma_start3A_227 : memref<10000x64xf32, #tpu.memory_space<hbm>>) target(%arg9 : memref<128x64xf32, #tpu.memory_space<vmem>>) offsets(%dma_start3A_224 : memref<128xi32, #tpu.memory_space<vmem>>) semaphore(%arg14 : memref<!tpu.dma_semaphore, #tpu.memory_space<semaphore_mem>>)
      } else {
      }
      %add3A_183 = arith.constant 2 : i32
      %add3A_184 = arith.addi %mul3A_84, %add3A_183 : i32
      %add3A_185 = arith.constant 5 : i32
      %add3A_186 = arith.addi %add3A_184, %add3A_185 : i32
      %lt3A_187 = arith.constant 80 : i32
      %lt3A_188 = arith.cmpi slt, %add3A_186, %lt3A_187 : i32
      %convert_element_type3A_189 = arith.extui %lt3A_188 : i1 to i32
      %cond3A_190 = arith.constant 0 : i32
      %cond3A_191 = arith.cmpi ne, %convert_element_type3A_189, %cond3A_190 : i32
      scf.if %cond3A_191 {
        %add3A_210 = arith.constant 2 : i32
        %add3A_211 = arith.addi %mul3A_84, %add3A_210 : i32
        %dma_wait3A_212 = arith.constant 0 : i32
        %dma_wait3A_213 = tpu.memref_slice %arg7[%add3A_211, %dma_wait3A_212] : memref<80x128xi32, #tpu.memory_space<vmem>> -> memref<1x128xi32, #tpu.memory_space<vmem>>
        %dma_wait3A_214 = tpu.memref_squeeze %dma_wait3A_213 : memref<1x128xi32, #tpu.memory_space<vmem>> -> memref<128xi32, #tpu.memory_space<vmem>>
        %dma_wait3A_215 = arith.constant 0 : i32
        %dma_wait3A_216 = arith.constant 0 : i32
        %dma_wait3A_217 = tpu.memref_slice %arg13[%dma_wait3A_215, %dma_wait3A_216] : memref<11024x64xf32, #tpu.memory_space<vmem_shared>> -> memref<11024x64xf32, #tpu.memory_space<vmem_shared>>
        tpu.wait_indirect_dma semaphore(%arg15 : memref<!tpu.dma_semaphore, #tpu.memory_space<semaphore_mem>>) src(%arg10 : memref<128x64xf32, #tpu.memory_space<vmem>>) dst(%dma_wait3A_217 : memref<11024x64xf32, #tpu.memory_space<vmem_shared>>)
        %add3A_218 = arith.constant 2 : i32
        %add3A_219 = arith.addi %mul3A_84, %add3A_218 : i32
        %add3A_220 = arith.constant 5 : i32
        %add3A_221 = arith.addi %add3A_219, %add3A_220 : i32
        %dma_start3A_222 = arith.constant 0 : i32
        %dma_start3A_223 = tpu.memref_slice %arg6[%add3A_221, %dma_start3A_222] : memref<80x128xi32, #tpu.memory_space<vmem>> -> memref<1x128xi32, #tpu.memory_space<vmem>>
        %dma_start3A_224 = tpu.memref_squeeze %dma_start3A_223 : memref<1x128xi32, #tpu.memory_space<vmem>> -> memref<128xi32, #tpu.memory_space<vmem>>
        %dma_start3A_225 = arith.constant 0 : i32
        %dma_start3A_226 = arith.constant 0 : i32
        %dma_start3A_227 = tpu.memref_slice %arg2[%dma_start3A_225, %dma_start3A_226] : memref<10000x64xf32, #tpu.memory_space<hbm>> -> memref<10000x64xf32, #tpu.memory_space<hbm>>
        tpu.enqueue_indirect_dma source(%dma_start3A_227 : memref<10000x64xf32, #tpu.memory_space<hbm>>) target(%arg10 : memref<128x64xf32, #tpu.memory_space<vmem>>) offsets(%dma_start3A_224 : memref<128xi32, #tpu.memory_space<vmem>>) semaphore(%arg14 : memref<!tpu.dma_semaphore, #tpu.memory_space<semaphore_mem>>)
      } else {
      }
      %add3A_192 = arith.constant 3 : i32
      %add3A_193 = arith.addi %mul3A_84, %add3A_192 : i32
      %add3A_194 = arith.constant 5 : i32
      %add3A_195 = arith.addi %add3A_193, %add3A_194 : i32
      %lt3A_196 = arith.constant 80 : i32
      %lt3A_197 = arith.cmpi slt, %add3A_195, %lt3A_196 : i32
      %convert_element_type3A_198 = arith.extui %lt3A_197 : i1 to i32
      %cond3A_199 = arith.constant 0 : i32
      %cond3A_200 = arith.cmpi ne, %convert_element_type3A_198, %cond3A_199 : i32
      scf.if %cond3A_200 {
        %add3A_210 = arith.constant 3 : i32
        %add3A_211 = arith.addi %mul3A_84, %add3A_210 : i32
        %dma_wait3A_212 = arith.constant 0 : i32
        %dma_wait3A_213 = tpu.memref_slice %arg7[%add3A_211, %dma_wait3A_212] : memref<80x128xi32, #tpu.memory_space<vmem>> -> memref<1x128xi32, #tpu.memory_space<vmem>>
        %dma_wait3A_214 = tpu.memref_squeeze %dma_wait3A_213 : memref<1x128xi32, #tpu.memory_space<vmem>> -> memref<128xi32, #tpu.memory_space<vmem>>
        %dma_wait3A_215 = arith.constant 0 : i32
        %dma_wait3A_216 = arith.constant 0 : i32
        %dma_wait3A_217 = tpu.memref_slice %arg13[%dma_wait3A_215, %dma_wait3A_216] : memref<11024x64xf32, #tpu.memory_space<vmem_shared>> -> memref<11024x64xf32, #tpu.memory_space<vmem_shared>>
        tpu.wait_indirect_dma semaphore(%arg15 : memref<!tpu.dma_semaphore, #tpu.memory_space<semaphore_mem>>) src(%arg11 : memref<128x64xf32, #tpu.memory_space<vmem>>) dst(%dma_wait3A_217 : memref<11024x64xf32, #tpu.memory_space<vmem_shared>>)
        %add3A_218 = arith.constant 3 : i32
        %add3A_219 = arith.addi %mul3A_84, %add3A_218 : i32
        %add3A_220 = arith.constant 5 : i32
        %add3A_221 = arith.addi %add3A_219, %add3A_220 : i32
        %dma_start3A_222 = arith.constant 0 : i32
        %dma_start3A_223 = tpu.memref_slice %arg6[%add3A_221, %dma_start3A_222] : memref<80x128xi32, #tpu.memory_space<vmem>> -> memref<1x128xi32, #tpu.memory_space<vmem>>
        %dma_start3A_224 = tpu.memref_squeeze %dma_start3A_223 : memref<1x128xi32, #tpu.memory_space<vmem>> -> memref<128xi32, #tpu.memory_space<vmem>>
        %dma_start3A_225 = arith.constant 0 : i32
        %dma_start3A_226 = arith.constant 0 : i32
        %dma_start3A_227 = tpu.memref_slice %arg2[%dma_start3A_225, %dma_start3A_226] : memref<10000x64xf32, #tpu.memory_space<hbm>> -> memref<10000x64xf32, #tpu.memory_space<hbm>>
        tpu.enqueue_indirect_dma source(%dma_start3A_227 : memref<10000x64xf32, #tpu.memory_space<hbm>>) target(%arg11 : memref<128x64xf32, #tpu.memory_space<vmem>>) offsets(%dma_start3A_224 : memref<128xi32, #tpu.memory_space<vmem>>) semaphore(%arg14 : memref<!tpu.dma_semaphore, #tpu.memory_space<semaphore_mem>>)
      } else {
      }
      %add3A_201 = arith.constant 4 : i32
      %add3A_202 = arith.addi %mul3A_84, %add3A_201 : i32
      %add3A_203 = arith.constant 5 : i32
      %add3A_204 = arith.addi %add3A_202, %add3A_203 : i32
      %lt3A_205 = arith.constant 80 : i32
      %lt3A_206 = arith.cmpi slt, %add3A_204, %lt3A_205 : i32
      %convert_element_type3A_207 = arith.extui %lt3A_206 : i1 to i32
      %cond3A_208 = arith.constant 0 : i32
      %cond3A_209 = arith.cmpi ne, %convert_element_type3A_207, %cond3A_208 : i32
      scf.if %cond3A_209 {
        %add3A_210 = arith.constant 4 : i32
        %add3A_211 = arith.addi %mul3A_84, %add3A_210 : i32
        %dma_wait3A_212 = arith.constant 0 : i32
        %dma_wait3A_213 = tpu.memref_slice %arg7[%add3A_211, %dma_wait3A_212] : memref<80x128xi32, #tpu.memory_space<vmem>> -> memref<1x128xi32, #tpu.memory_space<vmem>>
        %dma_wait3A_214 = tpu.memref_squeeze %dma_wait3A_213 : memref<1x128xi32, #tpu.memory_space<vmem>> -> memref<128xi32, #tpu.memory_space<vmem>>
        %dma_wait3A_215 = arith.constant 0 : i32
        %dma_wait3A_216 = arith.constant 0 : i32
        %dma_wait3A_217 = tpu.memref_slice %arg13[%dma_wait3A_215, %dma_wait3A_216] : memref<11024x64xf32, #tpu.memory_space<vmem_shared>> -> memref<11024x64xf32, #tpu.memory_space<vmem_shared>>
        tpu.wait_indirect_dma semaphore(%arg15 : memref<!tpu.dma_semaphore, #tpu.memory_space<semaphore_mem>>) src(%arg12 : memref<128x64xf32, #tpu.memory_space<vmem>>) dst(%dma_wait3A_217 : memref<11024x64xf32, #tpu.memory_space<vmem_shared>>)
        %add3A_218 = arith.constant 4 : i32
        %add3A_219 = arith.addi %mul3A_84, %add3A_218 : i32
        %add3A_220 = arith.constant 5 : i32
        %add3A_221 = arith.addi %add3A_219, %add3A_220 : i32
        %dma_start3A_222 = arith.constant 0 : i32
        %dma_start3A_223 = tpu.memref_slice %arg6[%add3A_221, %dma_start3A_222] : memref<80x128xi32, #tpu.memory_space<vmem>> -> memref<1x128xi32, #tpu.memory_space<vmem>>
        %dma_start3A_224 = tpu.memref_squeeze %dma_start3A_223 : memref<1x128xi32, #tpu.memory_space<vmem>> -> memref<128xi32, #tpu.memory_space<vmem>>
        %dma_start3A_225 = arith.constant 0 : i32
        %dma_start3A_226 = arith.constant 0 : i32
        %dma_start3A_227 = tpu.memref_slice %arg2[%dma_start3A_225, %dma_start3A_226] : memref<10000x64xf32, #tpu.memory_space<hbm>> -> memref<10000x64xf32, #tpu.memory_space<hbm>>
        tpu.enqueue_indirect_dma source(%dma_start3A_227 : memref<10000x64xf32, #tpu.memory_space<hbm>>) target(%arg12 : memref<128x64xf32, #tpu.memory_space<vmem>>) offsets(%dma_start3A_224 : memref<128xi32, #tpu.memory_space<vmem>>) semaphore(%arg14 : memref<!tpu.dma_semaphore, #tpu.memory_space<semaphore_mem>>)
      } else {
      }
    }
    %scan3A_41 = arith.constant 16 : i32
    %dma_wait3A = arith.constant 75 : i32
    %dma_wait3A_42 = arith.constant 0 : i32
    %dma_wait3A_43 = tpu.memref_slice %arg7[%dma_wait3A, %dma_wait3A_42] : memref<80x128xi32, #tpu.memory_space<vmem>> -> memref<1x128xi32, #tpu.memory_space<vmem>>
    %dma_wait3A_44 = tpu.memref_squeeze %dma_wait3A_43 : memref<1x128xi32, #tpu.memory_space<vmem>> -> memref<128xi32, #tpu.memory_space<vmem>>
    %dma_wait3A_45 = arith.constant 0 : i32
    %dma_wait3A_46 = arith.constant 0 : i32
    %dma_wait3A_47 = tpu.memref_slice %arg13[%dma_wait3A_45, %dma_wait3A_46] : memref<11024x64xf32, #tpu.memory_space<vmem_shared>> -> memref<11024x64xf32, #tpu.memory_space<vmem_shared>>
    tpu.wait_indirect_dma semaphore(%arg15 : memref<!tpu.dma_semaphore, #tpu.memory_space<semaphore_mem>>) src(%arg8 : memref<128x64xf32, #tpu.memory_space<vmem>>) dst(%dma_wait3A_47 : memref<11024x64xf32, #tpu.memory_space<vmem_shared>>)
    %dma_wait3A_48 = arith.constant 76 : i32
    %dma_wait3A_49 = arith.constant 0 : i32
    %dma_wait3A_50 = tpu.memref_slice %arg7[%dma_wait3A_48, %dma_wait3A_49] : memref<80x128xi32, #tpu.memory_space<vmem>> -> memref<1x128xi32, #tpu.memory_space<vmem>>
    %dma_wait3A_51 = tpu.memref_squeeze %dma_wait3A_50 : memref<1x128xi32, #tpu.memory_space<vmem>> -> memref<128xi32, #tpu.memory_space<vmem>>
    %dma_wait3A_52 = arith.constant 0 : i32
    %dma_wait3A_53 = arith.constant 0 : i32
    %dma_wait3A_54 = tpu.memref_slice %arg13[%dma_wait3A_52, %dma_wait3A_53] : memref<11024x64xf32, #tpu.memory_space<vmem_shared>> -> memref<11024x64xf32, #tpu.memory_space<vmem_shared>>
    tpu.wait_indirect_dma semaphore(%arg15 : memref<!tpu.dma_semaphore, #tpu.memory_space<semaphore_mem>>) src(%arg9 : memref<128x64xf32, #tpu.memory_space<vmem>>) dst(%dma_wait3A_54 : memref<11024x64xf32, #tpu.memory_space<vmem_shared>>)
    %dma_wait3A_55 = arith.constant 77 : i32
    %dma_wait3A_56 = arith.constant 0 : i32
    %dma_wait3A_57 = tpu.memref_slice %arg7[%dma_wait3A_55, %dma_wait3A_56] : memref<80x128xi32, #tpu.memory_space<vmem>> -> memref<1x128xi32, #tpu.memory_space<vmem>>
    %dma_wait3A_58 = tpu.memref_squeeze %dma_wait3A_57 : memref<1x128xi32, #tpu.memory_space<vmem>> -> memref<128xi32, #tpu.memory_space<vmem>>
    %dma_wait3A_59 = arith.constant 0 : i32
    %dma_wait3A_60 = arith.constant 0 : i32
    %dma_wait3A_61 = tpu.memref_slice %arg13[%dma_wait3A_59, %dma_wait3A_60] : memref<11024x64xf32, #tpu.memory_space<vmem_shared>> -> memref<11024x64xf32, #tpu.memory_space<vmem_shared>>
    tpu.wait_indirect_dma semaphore(%arg15 : memref<!tpu.dma_semaphore, #tpu.memory_space<semaphore_mem>>) src(%arg10 : memref<128x64xf32, #tpu.memory_space<vmem>>) dst(%dma_wait3A_61 : memref<11024x64xf32, #tpu.memory_space<vmem_shared>>)
    %dma_wait3A_62 = arith.constant 78 : i32
    %dma_wait3A_63 = arith.constant 0 : i32
    %dma_wait3A_64 = tpu.memref_slice %arg7[%dma_wait3A_62, %dma_wait3A_63] : memref<80x128xi32, #tpu.memory_space<vmem>> -> memref<1x128xi32, #tpu.memory_space<vmem>>
    %dma_wait3A_65 = tpu.memref_squeeze %dma_wait3A_64 : memref<1x128xi32, #tpu.memory_space<vmem>> -> memref<128xi32, #tpu.memory_space<vmem>>
    %dma_wait3A_66 = arith.constant 0 : i32
    %dma_wait3A_67 = arith.constant 0 : i32
    %dma_wait3A_68 = tpu.memref_slice %arg13[%dma_wait3A_66, %dma_wait3A_67] : memref<11024x64xf32, #tpu.memory_space<vmem_shared>> -> memref<11024x64xf32, #tpu.memory_space<vmem_shared>>
    tpu.wait_indirect_dma semaphore(%arg15 : memref<!tpu.dma_semaphore, #tpu.memory_space<semaphore_mem>>) src(%arg11 : memref<128x64xf32, #tpu.memory_space<vmem>>) dst(%dma_wait3A_68 : memref<11024x64xf32, #tpu.memory_space<vmem_shared>>)
    %dma_wait3A_69 = arith.constant 79 : i32
    %dma_wait3A_70 = arith.constant 0 : i32
    %dma_wait3A_71 = tpu.memref_slice %arg7[%dma_wait3A_69, %dma_wait3A_70] : memref<80x128xi32, #tpu.memory_space<vmem>> -> memref<1x128xi32, #tpu.memory_space<vmem>>
    %dma_wait3A_72 = tpu.memref_squeeze %dma_wait3A_71 : memref<1x128xi32, #tpu.memory_space<vmem>> -> memref<128xi32, #tpu.memory_space<vmem>>
    %dma_wait3A_73 = arith.constant 0 : i32
    %dma_wait3A_74 = arith.constant 0 : i32
    %dma_wait3A_75 = tpu.memref_slice %arg13[%dma_wait3A_73, %dma_wait3A_74] : memref<11024x64xf32, #tpu.memory_space<vmem_shared>> -> memref<11024x64xf32, #tpu.memory_space<vmem_shared>>
    tpu.wait_indirect_dma semaphore(%arg15 : memref<!tpu.dma_semaphore, #tpu.memory_space<semaphore_mem>>) src(%arg12 : memref<128x64xf32, #tpu.memory_space<vmem>>) dst(%dma_wait3A_75 : memref<11024x64xf32, #tpu.memory_space<vmem_shared>>)
    %barrier3A_76 = arith.constant 0 : index
    tpu.barrier barrier_id(%barrier3A_76)
    %lt3A_77 = arith.constant 16 : i32
    %lt3A_78 = arith.cmpi slt, %arg1, %lt3A_77 : i32
    %convert_element_type3A_79 = arith.extui %lt3A_78 : i1 to i32
    %cond3A_80 = arith.constant 0 : i32
    %cond3A_81 = arith.cmpi ne, %convert_element_type3A_79, %cond3A_80 : i32
    scf.if %cond3A_81 {
      %mul3A_82 = arith.constant 625 : i32
      %mul3A_83 = arith.muli %arg1, %mul3A_82 : i32
      %mul3A_84 = arith.constant 625 : i32
      %mul3A_85 = arith.muli %arg1, %mul3A_84 : i32
      %mul3A_86 = arith.constant 64 : i32
      %mul3A_87 = arith.muli %arg0, %mul3A_86 : i32
      "tpu.region"() ({
        %run_scoped3A = tpu.sem_alloc : memref<!tpu.dma_semaphore, #tpu.memory_space<semaphore_mem>>
        %dma_start3A_88 = tpu.memref_slice %arg5[%mul3A_85, %mul3A_87] : memref<10000x128xf32, #tpu.memory_space<hbm>> -> memref<625x64xf32, #tpu.memory_space<hbm>>
        %dma_start3A_89 = arith.constant 0 : i32
        %dma_start3A_90 = tpu.memref_slice %arg13[%mul3A_83, %dma_start3A_89] : memref<11024x64xf32, #tpu.memory_space<vmem_shared>> -> memref<625x64xf32, #tpu.memory_space<vmem_shared>>
        tpu.enqueue_dma source(%dma_start3A_90 : memref<625x64xf32, #tpu.memory_space<vmem_shared>>) target(%dma_start3A_88 : memref<625x64xf32, #tpu.memory_space<hbm>>) target_semaphore(%run_scoped3A : memref<!tpu.dma_semaphore, #tpu.memory_space<semaphore_mem>>)
        %dma_wait3A_91 = tpu.memref_slice %arg5[%mul3A_85, %mul3A_87] : memref<10000x128xf32, #tpu.memory_space<hbm>> -> memref<625x64xf32, #tpu.memory_space<hbm>>
        %dma_wait3A_92 = arith.constant 0 : i32
        %dma_wait3A_93 = tpu.memref_slice %arg13[%mul3A_83, %dma_wait3A_92] : memref<11024x64xf32, #tpu.memory_space<vmem_shared>> -> memref<625x64xf32, #tpu.memory_space<vmem_shared>>
        tpu.wait_dma2 semaphore(%run_scoped3A : memref<!tpu.dma_semaphore, #tpu.memory_space<semaphore_mem>>) src(%dma_wait3A_93 : memref<625x64xf32, #tpu.memory_space<vmem_shared>>) dst(%dma_wait3A_91 : memref<625x64xf32, #tpu.memory_space<hbm>>)
        tpu.yield
      }) : () -> ()
    } else {
    }
    return
  }
}

#map = affine_map<(d0, d1) -> (0, 0)>
#map1 = affine_map<(d0, d1) -> (0, 0, 0)>
module attributes {stable_mosaic.version = 14 : i64} {
  func.func @k(%arg0: i32, %arg1: i32, %arg2: memref<10000x64xf32, #tpu.memory_space<hbm>>, %arg3: memref<32x80x128xi32, #tpu.memory_space<hbm>>, %arg4: memref<32x80x128xi32, #tpu.memory_space<hbm>>, %arg5: memref<10000x128xf32, #tpu.memory_space<hbm>>, %arg6: memref<80x128xi32, #tpu.memory_space<vmem>>, %arg7: memref<80x128xi32, #tpu.memory_space<vmem>>, %arg8: memref<128x64xf32, #tpu.memory_space<vmem>>, %arg9: memref<128x64xf32, #tpu.memory_space<vmem>>, %arg10: memref<128x64xf32, #tpu.memory_space<vmem>>, %arg11: memref<128x64xf32, #tpu.memory_space<vmem>>, %arg12: memref<128x64xf32, #tpu.memory_space<vmem>>, %arg13: memref<11024x64xf32, #tpu.memory_space<vmem_shared>>, %arg14: memref<!tpu.dma_semaphore, #tpu.memory_space<semaphore_mem>>, %arg15: memref<!tpu.dma_semaphore, #tpu.memory_space<semaphore_mem>>) attributes {dimension_semantics = [#tpu.dimension_semantics<core_parallel>, #tpu.dimension_semantics<subcore_parallel>], iteration_bounds = array<i64: 2, 16>, scalar_prefetch = 0 : i64, scratch_operands = 10 : i64, tpu.core_type = #tpu.core_type<sc_vector_subcore>, window_params = [{transform_indices = #map}, {transform_indices = #map1}, {transform_indices = #map1}, {transform_indices = #map}]} {
    %mul3A = arith.constant 2 : i32
    %mul3A_0 = arith.muli %arg1, %mul3A : i32
    %add3A = arith.addi %mul3A_0, %arg0 : i32
    "tpu.region"() ({
      %run_scoped3A = tpu.sem_alloc : memref<!tpu.dma_semaphore, #tpu.memory_space<semaphore_mem>>
      %dma_start3A_82 = arith.constant 0 : i32
      %dma_start3A_83 = arith.constant 0 : i32
      %dma_start3A_84 = tpu.memref_slice %arg3[%add3A, %dma_start3A_82, %dma_start3A_83] : memref<32x80x128xi32, #tpu.memory_space<hbm>> -> memref<1x80x128xi32, #tpu.memory_space<hbm>>
      %dma_start3A_85 = tpu.memref_squeeze %dma_start3A_84 : memref<1x80x128xi32, #tpu.memory_space<hbm>> -> memref<80x128xi32, #tpu.memory_space<hbm>>
      %dma_start3A_86 = arith.constant 0 : i32
      %dma_start3A_87 = arith.constant 0 : i32
      %dma_start3A_88 = tpu.memref_slice %arg3[%add3A, %dma_start3A_86, %dma_start3A_87] : memref<32x80x128xi32, #tpu.memory_space<hbm>> -> memref<1x80x128xi32, #tpu.memory_space<hbm>>
      %dma_start3A_89 = tpu.memref_squeeze %dma_start3A_88 : memref<1x80x128xi32, #tpu.memory_space<hbm>> -> memref<80x128xi32, #tpu.memory_space<hbm>>
      tpu.enqueue_dma source(%dma_start3A_89 : memref<80x128xi32, #tpu.memory_space<hbm>>) target(%arg6 : memref<80x128xi32, #tpu.memory_space<vmem>>) target_semaphore(%run_scoped3A : memref<!tpu.dma_semaphore, #tpu.memory_space<semaphore_mem>>)
      %dma_wait3A_90 = arith.constant 0 : i32
      %dma_wait3A_91 = arith.constant 0 : i32
      %dma_wait3A_92 = tpu.memref_slice %arg3[%add3A, %dma_wait3A_90, %dma_wait3A_91] : memref<32x80x128xi32, #tpu.memory_space<hbm>> -> memref<1x80x128xi32, #tpu.memory_space<hbm>>
      %dma_wait3A_93 = tpu.memref_squeeze %dma_wait3A_92 : memref<1x80x128xi32, #tpu.memory_space<hbm>> -> memref<80x128xi32, #tpu.memory_space<hbm>>
      %dma_wait3A_94 = arith.constant 0 : i32
      %dma_wait3A_95 = arith.constant 0 : i32
      %dma_wait3A_96 = tpu.memref_slice %arg3[%add3A, %dma_wait3A_94, %dma_wait3A_95] : memref<32x80x128xi32, #tpu.memory_space<hbm>> -> memref<1x80x128xi32, #tpu.memory_space<hbm>>
      %dma_wait3A_97 = tpu.memref_squeeze %dma_wait3A_96 : memref<1x80x128xi32, #tpu.memory_space<hbm>> -> memref<80x128xi32, #tpu.memory_space<hbm>>
      tpu.wait_dma2 semaphore(%run_scoped3A : memref<!tpu.dma_semaphore, #tpu.memory_space<semaphore_mem>>) src(%dma_wait3A_97 : memref<80x128xi32, #tpu.memory_space<hbm>>) dst(%arg6 : memref<80x128xi32, #tpu.memory_space<vmem>>)
      tpu.yield
    }) : () -> ()
    "tpu.region"() ({
      %run_scoped3A = tpu.sem_alloc : memref<!tpu.dma_semaphore, #tpu.memory_space<semaphore_mem>>
      %dma_start3A_82 = arith.constant 0 : i32
      %dma_start3A_83 = arith.constant 0 : i32
      %dma_start3A_84 = tpu.memref_slice %arg4[%add3A, %dma_start3A_82, %dma_start3A_83] : memref<32x80x128xi32, #tpu.memory_space<hbm>> -> memref<1x80x128xi32, #tpu.memory_space<hbm>>
      %dma_start3A_85 = tpu.memref_squeeze %dma_start3A_84 : memref<1x80x128xi32, #tpu.memory_space<hbm>> -> memref<80x128xi32, #tpu.memory_space<hbm>>
      %dma_start3A_86 = arith.constant 0 : i32
      %dma_start3A_87 = arith.constant 0 : i32
      %dma_start3A_88 = tpu.memref_slice %arg4[%add3A, %dma_start3A_86, %dma_start3A_87] : memref<32x80x128xi32, #tpu.memory_space<hbm>> -> memref<1x80x128xi32, #tpu.memory_space<hbm>>
      %dma_start3A_89 = tpu.memref_squeeze %dma_start3A_88 : memref<1x80x128xi32, #tpu.memory_space<hbm>> -> memref<80x128xi32, #tpu.memory_space<hbm>>
      tpu.enqueue_dma source(%dma_start3A_89 : memref<80x128xi32, #tpu.memory_space<hbm>>) target(%arg7 : memref<80x128xi32, #tpu.memory_space<vmem>>) target_semaphore(%run_scoped3A : memref<!tpu.dma_semaphore, #tpu.memory_space<semaphore_mem>>)
      %dma_wait3A_90 = arith.constant 0 : i32
      %dma_wait3A_91 = arith.constant 0 : i32
      %dma_wait3A_92 = tpu.memref_slice %arg4[%add3A, %dma_wait3A_90, %dma_wait3A_91] : memref<32x80x128xi32, #tpu.memory_space<hbm>> -> memref<1x80x128xi32, #tpu.memory_space<hbm>>
      %dma_wait3A_93 = tpu.memref_squeeze %dma_wait3A_92 : memref<1x80x128xi32, #tpu.memory_space<hbm>> -> memref<80x128xi32, #tpu.memory_space<hbm>>
      %dma_wait3A_94 = arith.constant 0 : i32
      %dma_wait3A_95 = arith.constant 0 : i32
      %dma_wait3A_96 = tpu.memref_slice %arg4[%add3A, %dma_wait3A_94, %dma_wait3A_95] : memref<32x80x128xi32, #tpu.memory_space<hbm>> -> memref<1x80x128xi32, #tpu.memory_space<hbm>>
      %dma_wait3A_97 = tpu.memref_squeeze %dma_wait3A_96 : memref<1x80x128xi32, #tpu.memory_space<hbm>> -> memref<80x128xi32, #tpu.memory_space<hbm>>
      tpu.wait_dma2 semaphore(%run_scoped3A : memref<!tpu.dma_semaphore, #tpu.memory_space<semaphore_mem>>) src(%dma_wait3A_97 : memref<80x128xi32, #tpu.memory_space<hbm>>) dst(%arg7 : memref<80x128xi32, #tpu.memory_space<vmem>>)
      tpu.yield
    }) : () -> ()
    %lt3A = arith.constant 16 : i32
    %lt3A_1 = arith.cmpi slt, %arg1, %lt3A : i32
    %convert_element_type3A = arith.extui %lt3A_1 : i1 to i32
    %cond3A = arith.constant 0 : i32
    %cond3A_2 = arith.cmpi ne, %convert_element_type3A, %cond3A : i32
    scf.if %cond3A_2 {
      %mul3A_82 = arith.constant 625 : i32
      %mul3A_83 = arith.muli %arg1, %mul3A_82 : i32
      %mul3A_84 = arith.constant 625 : i32
      %mul3A_85 = arith.muli %arg1, %mul3A_84 : i32
      "tpu.region"() ({
        %run_scoped3A = tpu.sem_alloc : memref<!tpu.dma_semaphore, #tpu.memory_space<semaphore_mem>>
        %dma_start3A_86 = arith.constant 0 : i32
        %dma_start3A_87 = tpu.memref_slice %arg13[%mul3A_85, %dma_start3A_86] : memref<11024x64xf32, #tpu.memory_space<vmem_shared>> -> memref<625x64xf32, #tpu.memory_space<vmem_shared>>
        %dma_start3A_88 = arith.constant 0 : i32
        %dma_start3A_89 = tpu.memref_slice %arg2[%mul3A_83, %dma_start3A_88] : memref<10000x64xf32, #tpu.memory_space<hbm>> -> memref<625x64xf32, #tpu.memory_space<hbm>>
        tpu.enqueue_dma source(%dma_start3A_89 : memref<625x64xf32, #tpu.memory_space<hbm>>) target(%dma_start3A_87 : memref<625x64xf32, #tpu.memory_space<vmem_shared>>) target_semaphore(%run_scoped3A : memref<!tpu.dma_semaphore, #tpu.memory_space<semaphore_mem>>)
        %dma_wait3A_90 = arith.constant 0 : i32
        %dma_wait3A_91 = tpu.memref_slice %arg13[%mul3A_85, %dma_wait3A_90] : memref<11024x64xf32, #tpu.memory_space<vmem_shared>> -> memref<625x64xf32, #tpu.memory_space<vmem_shared>>
        %dma_wait3A_92 = arith.constant 0 : i32
        %dma_wait3A_93 = tpu.memref_slice %arg2[%mul3A_83, %dma_wait3A_92] : memref<10000x64xf32, #tpu.memory_space<hbm>> -> memref<625x64xf32, #tpu.memory_space<hbm>>
        tpu.wait_dma2 semaphore(%run_scoped3A : memref<!tpu.dma_semaphore, #tpu.memory_space<semaphore_mem>>) src(%dma_wait3A_93 : memref<625x64xf32, #tpu.memory_space<hbm>>) dst(%dma_wait3A_91 : memref<625x64xf32, #tpu.memory_space<vmem_shared>>)
        tpu.yield
      }) : () -> ()
    } else {
    }
    %barrier3A = arith.constant 0 : index
    tpu.barrier barrier_id(%barrier3A)
    %dma_start3A = arith.constant 0 : i32
    %dma_start3A_3 = arith.constant 0 : i32
    %dma_start3A_4 = tpu.memref_slice %arg6[%dma_start3A, %dma_start3A_3] : memref<80x128xi32, #tpu.memory_space<vmem>> -> memref<1x128xi32, #tpu.memory_space<vmem>>
    %dma_start3A_5 = tpu.memref_squeeze %dma_start3A_4 : memref<1x128xi32, #tpu.memory_space<vmem>> -> memref<128xi32, #tpu.memory_space<vmem>>
    %dma_start3A_6 = arith.constant 0 : i32
    %dma_start3A_7 = arith.constant 0 : i32
    %dma_start3A_8 = tpu.memref_slice %arg2[%dma_start3A_6, %dma_start3A_7] : memref<10000x64xf32, #tpu.memory_space<hbm>> -> memref<10000x64xf32, #tpu.memory_space<hbm>>
    tpu.enqueue_indirect_dma source(%dma_start3A_8 : memref<10000x64xf32, #tpu.memory_space<hbm>>) target(%arg8 : memref<128x64xf32, #tpu.memory_space<vmem>>) offsets(%dma_start3A_5 : memref<128xi32, #tpu.memory_space<vmem>>) semaphore(%arg14 : memref<!tpu.dma_semaphore, #tpu.memory_space<semaphore_mem>>)
    %dma_start3A_9 = arith.constant 1 : i32
    %dma_start3A_10 = arith.constant 0 : i32
    %dma_start3A_11 = tpu.memref_slice %arg6[%dma_start3A_9, %dma_start3A_10] : memref<80x128xi32, #tpu.memory_space<vmem>> -> memref<1x128xi32, #tpu.memory_space<vmem>>
    %dma_start3A_12 = tpu.memref_squeeze %dma_start3A_11 : memref<1x128xi32, #tpu.memory_space<vmem>> -> memref<128xi32, #tpu.memory_space<vmem>>
    %dma_start3A_13 = arith.constant 0 : i32
    %dma_start3A_14 = arith.constant 0 : i32
    %dma_start3A_15 = tpu.memref_slice %arg2[%dma_start3A_13, %dma_start3A_14] : memref<10000x64xf32, #tpu.memory_space<hbm>> -> memref<10000x64xf32, #tpu.memory_space<hbm>>
    tpu.enqueue_indirect_dma source(%dma_start3A_15 : memref<10000x64xf32, #tpu.memory_space<hbm>>) target(%arg9 : memref<128x64xf32, #tpu.memory_space<vmem>>) offsets(%dma_start3A_12 : memref<128xi32, #tpu.memory_space<vmem>>) semaphore(%arg14 : memref<!tpu.dma_semaphore, #tpu.memory_space<semaphore_mem>>)
    %dma_start3A_16 = arith.constant 2 : i32
    %dma_start3A_17 = arith.constant 0 : i32
    %dma_start3A_18 = tpu.memref_slice %arg6[%dma_start3A_16, %dma_start3A_17] : memref<80x128xi32, #tpu.memory_space<vmem>> -> memref<1x128xi32, #tpu.memory_space<vmem>>
    %dma_start3A_19 = tpu.memref_squeeze %dma_start3A_18 : memref<1x128xi32, #tpu.memory_space<vmem>> -> memref<128xi32, #tpu.memory_space<vmem>>
    %dma_start3A_20 = arith.constant 0 : i32
    %dma_start3A_21 = arith.constant 0 : i32
    %dma_start3A_22 = tpu.memref_slice %arg2[%dma_start3A_20, %dma_start3A_21] : memref<10000x64xf32, #tpu.memory_space<hbm>> -> memref<10000x64xf32, #tpu.memory_space<hbm>>
    tpu.enqueue_indirect_dma source(%dma_start3A_22 : memref<10000x64xf32, #tpu.memory_space<hbm>>) target(%arg10 : memref<128x64xf32, #tpu.memory_space<vmem>>) offsets(%dma_start3A_19 : memref<128xi32, #tpu.memory_space<vmem>>) semaphore(%arg14 : memref<!tpu.dma_semaphore, #tpu.memory_space<semaphore_mem>>)
    %dma_start3A_23 = arith.constant 3 : i32
    %dma_start3A_24 = arith.constant 0 : i32
    %dma_start3A_25 = tpu.memref_slice %arg6[%dma_start3A_23, %dma_start3A_24] : memref<80x128xi32, #tpu.memory_space<vmem>> -> memref<1x128xi32, #tpu.memory_space<vmem>>
    %dma_start3A_26 = tpu.memref_squeeze %dma_start3A_25 : memref<1x128xi32, #tpu.memory_space<vmem>> -> memref<128xi32, #tpu.memory_space<vmem>>
    %dma_start3A_27 = arith.constant 0 : i32
    %dma_start3A_28 = arith.constant 0 : i32
    %dma_start3A_29 = tpu.memref_slice %arg2[%dma_start3A_27, %dma_start3A_28] : memref<10000x64xf32, #tpu.memory_space<hbm>> -> memref<10000x64xf32, #tpu.memory_space<hbm>>
    tpu.enqueue_indirect_dma source(%dma_start3A_29 : memref<10000x64xf32, #tpu.memory_space<hbm>>) target(%arg11 : memref<128x64xf32, #tpu.memory_space<vmem>>) offsets(%dma_start3A_26 : memref<128xi32, #tpu.memory_space<vmem>>) semaphore(%arg14 : memref<!tpu.dma_semaphore, #tpu.memory_space<semaphore_mem>>)
    %dma_start3A_30 = arith.constant 4 : i32
    %dma_start3A_31 = arith.constant 0 : i32
    %dma_start3A_32 = tpu.memref_slice %arg6[%dma_start3A_30, %dma_start3A_31] : memref<80x128xi32, #tpu.memory_space<vmem>> -> memref<1x128xi32, #tpu.memory_space<vmem>>
    %dma_start3A_33 = tpu.memref_squeeze %dma_start3A_32 : memref<1x128xi32, #tpu.memory_space<vmem>> -> memref<128xi32, #tpu.memory_space<vmem>>
    %dma_start3A_34 = arith.constant 0 : i32
    %dma_start3A_35 = arith.constant 0 : i32
    %dma_start3A_36 = tpu.memref_slice %arg2[%dma_start3A_34, %dma_start3A_35] : memref<10000x64xf32, #tpu.memory_space<hbm>> -> memref<10000x64xf32, #tpu.memory_space<hbm>>
    tpu.enqueue_indirect_dma source(%dma_start3A_36 : memref<10000x64xf32, #tpu.memory_space<hbm>>) target(%arg12 : memref<128x64xf32, #tpu.memory_space<vmem>>) offsets(%dma_start3A_33 : memref<128xi32, #tpu.memory_space<vmem>>) semaphore(%arg14 : memref<!tpu.dma_semaphore, #tpu.memory_space<semaphore_mem>>)
    %scan3A = arith.constant 0 : i32
    %scan3A_37 = arith.constant 0 : i32
    %scan3A_38 = arith.constant 16 : i32
    %scan3A_39 = arith.addi %scan3A_37, %scan3A_38 : i32
    %scan3A_40 = arith.constant 1 : i32
    scf.for %scan3A_82 = %scan3A_37 to %scan3A_39 step %scan3A_40  : i32 {
      %mul3A_83 = arith.constant 5 : i32
      %mul3A_84 = arith.muli %scan3A_82, %mul3A_83 : i32
      %add3A_85 = arith.constant 0 : i32
      %add3A_86 = arith.addi %mul3A_84, %add3A_85 : i32
      %dma_wait3A_87 = arith.constant 0 : i32
      %dma_wait3A_88 = tpu.memref_slice %arg6[%add3A_86, %dma_wait3A_87] : memref<80x128xi32, #tpu.memory_space<vmem>> -> memref<1x128xi32, #tpu.memory_space<vmem>>
      %dma_wait3A_89 = tpu.memref_squeeze %dma_wait3A_88 : memref<1x128xi32, #tpu.memory_space<vmem>> -> memref<128xi32, #tpu.memory_space<vmem>>
      %dma_wait3A_90 = arith.constant 0 : i32
      %dma_wait3A_91 = arith.constant 0 : i32
      %dma_wait3A_92 = tpu.memref_slice %arg2[%dma_wait3A_90, %dma_wait3A_91] : memref<10000x64xf32, #tpu.memory_space<hbm>> -> memref<10000x64xf32, #tpu.memory_space<hbm>>
      tpu.wait_indirect_dma semaphore(%arg14 : memref<!tpu.dma_semaphore, #tpu.memory_space<semaphore_mem>>) src(%dma_wait3A_92 : memref<10000x64xf32, #tpu.memory_space<hbm>>) dst(%arg8 : memref<128x64xf32, #tpu.memory_space<vmem>>)
      %add3A_93 = arith.constant 0 : i32
      %add3A_94 = arith.addi %mul3A_84, %add3A_93 : i32
      %dma_start3A_95 = arith.constant 0 : i32
      %dma_start3A_96 = tpu.memref_slice %arg7[%add3A_94, %dma_start3A_95] : memref<80x128xi32, #tpu.memory_space<vmem>> -> memref<1x128xi32, #tpu.memory_space<vmem>>
      %dma_start3A_97 = tpu.memref_squeeze %dma_start3A_96 : memref<1x128xi32, #tpu.memory_space<vmem>> -> memref<128xi32, #tpu.memory_space<vmem>>
      %dma_start3A_98 = arith.constant 0 : i32
      %dma_start3A_99 = arith.constant 0 : i32
      %dma_start3A_100 = tpu.memref_slice %arg13[%dma_start3A_98, %dma_start3A_99] : memref<11024x64xf32, #tpu.memory_space<vmem_shared>> -> memref<11024x64xf32, #tpu.memory_space<vmem_shared>>
      tpu.enqueue_indirect_dma source(%arg8 : memref<128x64xf32, #tpu.memory_space<vmem>>) target(%dma_start3A_100 : memref<11024x64xf32, #tpu.memory_space<vmem_shared>>) offsets(%dma_start3A_97 : memref<128xi32, #tpu.memory_space<vmem>>) semaphore(%arg15 : memref<!tpu.dma_semaphore, #tpu.memory_space<semaphore_mem>>) {add = true}
      %add3A_101 = arith.constant 1 : i32
      %add3A_102 = arith.addi %mul3A_84, %add3A_101 : i32
      %dma_wait3A_103 = arith.constant 0 : i32
      %dma_wait3A_104 = tpu.memref_slice %arg6[%add3A_102, %dma_wait3A_103] : memref<80x128xi32, #tpu.memory_space<vmem>> -> memref<1x128xi32, #tpu.memory_space<vmem>>
      %dma_wait3A_105 = tpu.memref_squeeze %dma_wait3A_104 : memref<1x128xi32, #tpu.memory_space<vmem>> -> memref<128xi32, #tpu.memory_space<vmem>>
      %dma_wait3A_106 = arith.constant 0 : i32
      %dma_wait3A_107 = arith.constant 0 : i32
      %dma_wait3A_108 = tpu.memref_slice %arg2[%dma_wait3A_106, %dma_wait3A_107] : memref<10000x64xf32, #tpu.memory_space<hbm>> -> memref<10000x64xf32, #tpu.memory_space<hbm>>
      tpu.wait_indirect_dma semaphore(%arg14 : memref<!tpu.dma_semaphore, #tpu.memory_space<semaphore_mem>>) src(%dma_wait3A_108 : memref<10000x64xf32, #tpu.memory_space<hbm>>) dst(%arg9 : memref<128x64xf32, #tpu.memory_space<vmem>>)
      %add3A_109 = arith.constant 1 : i32
      %add3A_110 = arith.addi %mul3A_84, %add3A_109 : i32
      %dma_start3A_111 = arith.constant 0 : i32
      %dma_start3A_112 = tpu.memref_slice %arg7[%add3A_110, %dma_start3A_111] : memref<80x128xi32, #tpu.memory_space<vmem>> -> memref<1x128xi32, #tpu.memory_space<vmem>>
      %dma_start3A_113 = tpu.memref_squeeze %dma_start3A_112 : memref<1x128xi32, #tpu.memory_space<vmem>> -> memref<128xi32, #tpu.memory_space<vmem>>
      %dma_start3A_114 = arith.constant 0 : i32
      %dma_start3A_115 = arith.constant 0 : i32
      %dma_start3A_116 = tpu.memref_slice %arg13[%dma_start3A_114, %dma_start3A_115] : memref<11024x64xf32, #tpu.memory_space<vmem_shared>> -> memref<11024x64xf32, #tpu.memory_space<vmem_shared>>
      tpu.enqueue_indirect_dma source(%arg9 : memref<128x64xf32, #tpu.memory_space<vmem>>) target(%dma_start3A_116 : memref<11024x64xf32, #tpu.memory_space<vmem_shared>>) offsets(%dma_start3A_113 : memref<128xi32, #tpu.memory_space<vmem>>) semaphore(%arg15 : memref<!tpu.dma_semaphore, #tpu.memory_space<semaphore_mem>>) {add = true}
      %add3A_117 = arith.constant 2 : i32
      %add3A_118 = arith.addi %mul3A_84, %add3A_117 : i32
      %dma_wait3A_119 = arith.constant 0 : i32
      %dma_wait3A_120 = tpu.memref_slice %arg6[%add3A_118, %dma_wait3A_119] : memref<80x128xi32, #tpu.memory_space<vmem>> -> memref<1x128xi32, #tpu.memory_space<vmem>>
      %dma_wait3A_121 = tpu.memref_squeeze %dma_wait3A_120 : memref<1x128xi32, #tpu.memory_space<vmem>> -> memref<128xi32, #tpu.memory_space<vmem>>
      %dma_wait3A_122 = arith.constant 0 : i32
      %dma_wait3A_123 = arith.constant 0 : i32
      %dma_wait3A_124 = tpu.memref_slice %arg2[%dma_wait3A_122, %dma_wait3A_123] : memref<10000x64xf32, #tpu.memory_space<hbm>> -> memref<10000x64xf32, #tpu.memory_space<hbm>>
      tpu.wait_indirect_dma semaphore(%arg14 : memref<!tpu.dma_semaphore, #tpu.memory_space<semaphore_mem>>) src(%dma_wait3A_124 : memref<10000x64xf32, #tpu.memory_space<hbm>>) dst(%arg10 : memref<128x64xf32, #tpu.memory_space<vmem>>)
      %add3A_125 = arith.constant 2 : i32
      %add3A_126 = arith.addi %mul3A_84, %add3A_125 : i32
      %dma_start3A_127 = arith.constant 0 : i32
      %dma_start3A_128 = tpu.memref_slice %arg7[%add3A_126, %dma_start3A_127] : memref<80x128xi32, #tpu.memory_space<vmem>> -> memref<1x128xi32, #tpu.memory_space<vmem>>
      %dma_start3A_129 = tpu.memref_squeeze %dma_start3A_128 : memref<1x128xi32, #tpu.memory_space<vmem>> -> memref<128xi32, #tpu.memory_space<vmem>>
      %dma_start3A_130 = arith.constant 0 : i32
      %dma_start3A_131 = arith.constant 0 : i32
      %dma_start3A_132 = tpu.memref_slice %arg13[%dma_start3A_130, %dma_start3A_131] : memref<11024x64xf32, #tpu.memory_space<vmem_shared>> -> memref<11024x64xf32, #tpu.memory_space<vmem_shared>>
      tpu.enqueue_indirect_dma source(%arg10 : memref<128x64xf32, #tpu.memory_space<vmem>>) target(%dma_start3A_132 : memref<11024x64xf32, #tpu.memory_space<vmem_shared>>) offsets(%dma_start3A_129 : memref<128xi32, #tpu.memory_space<vmem>>) semaphore(%arg15 : memref<!tpu.dma_semaphore, #tpu.memory_space<semaphore_mem>>) {add = true}
      %add3A_133 = arith.constant 3 : i32
      %add3A_134 = arith.addi %mul3A_84, %add3A_133 : i32
      %dma_wait3A_135 = arith.constant 0 : i32
      %dma_wait3A_136 = tpu.memref_slice %arg6[%add3A_134, %dma_wait3A_135] : memref<80x128xi32, #tpu.memory_space<vmem>> -> memref<1x128xi32, #tpu.memory_space<vmem>>
      %dma_wait3A_137 = tpu.memref_squeeze %dma_wait3A_136 : memref<1x128xi32, #tpu.memory_space<vmem>> -> memref<128xi32, #tpu.memory_space<vmem>>
      %dma_wait3A_138 = arith.constant 0 : i32
      %dma_wait3A_139 = arith.constant 0 : i32
      %dma_wait3A_140 = tpu.memref_slice %arg2[%dma_wait3A_138, %dma_wait3A_139] : memref<10000x64xf32, #tpu.memory_space<hbm>> -> memref<10000x64xf32, #tpu.memory_space<hbm>>
      tpu.wait_indirect_dma semaphore(%arg14 : memref<!tpu.dma_semaphore, #tpu.memory_space<semaphore_mem>>) src(%dma_wait3A_140 : memref<10000x64xf32, #tpu.memory_space<hbm>>) dst(%arg11 : memref<128x64xf32, #tpu.memory_space<vmem>>)
      %add3A_141 = arith.constant 3 : i32
      %add3A_142 = arith.addi %mul3A_84, %add3A_141 : i32
      %dma_start3A_143 = arith.constant 0 : i32
      %dma_start3A_144 = tpu.memref_slice %arg7[%add3A_142, %dma_start3A_143] : memref<80x128xi32, #tpu.memory_space<vmem>> -> memref<1x128xi32, #tpu.memory_space<vmem>>
      %dma_start3A_145 = tpu.memref_squeeze %dma_start3A_144 : memref<1x128xi32, #tpu.memory_space<vmem>> -> memref<128xi32, #tpu.memory_space<vmem>>
      %dma_start3A_146 = arith.constant 0 : i32
      %dma_start3A_147 = arith.constant 0 : i32
      %dma_start3A_148 = tpu.memref_slice %arg13[%dma_start3A_146, %dma_start3A_147] : memref<11024x64xf32, #tpu.memory_space<vmem_shared>> -> memref<11024x64xf32, #tpu.memory_space<vmem_shared>>
      tpu.enqueue_indirect_dma source(%arg11 : memref<128x64xf32, #tpu.memory_space<vmem>>) target(%dma_start3A_148 : memref<11024x64xf32, #tpu.memory_space<vmem_shared>>) offsets(%dma_start3A_145 : memref<128xi32, #tpu.memory_space<vmem>>) semaphore(%arg15 : memref<!tpu.dma_semaphore, #tpu.memory_space<semaphore_mem>>) {add = true}
      %add3A_149 = arith.constant 4 : i32
      %add3A_150 = arith.addi %mul3A_84, %add3A_149 : i32
      %dma_wait3A_151 = arith.constant 0 : i32
      %dma_wait3A_152 = tpu.memref_slice %arg6[%add3A_150, %dma_wait3A_151] : memref<80x128xi32, #tpu.memory_space<vmem>> -> memref<1x128xi32, #tpu.memory_space<vmem>>
      %dma_wait3A_153 = tpu.memref_squeeze %dma_wait3A_152 : memref<1x128xi32, #tpu.memory_space<vmem>> -> memref<128xi32, #tpu.memory_space<vmem>>
      %dma_wait3A_154 = arith.constant 0 : i32
      %dma_wait3A_155 = arith.constant 0 : i32
      %dma_wait3A_156 = tpu.memref_slice %arg2[%dma_wait3A_154, %dma_wait3A_155] : memref<10000x64xf32, #tpu.memory_space<hbm>> -> memref<10000x64xf32, #tpu.memory_space<hbm>>
      tpu.wait_indirect_dma semaphore(%arg14 : memref<!tpu.dma_semaphore, #tpu.memory_space<semaphore_mem>>) src(%dma_wait3A_156 : memref<10000x64xf32, #tpu.memory_space<hbm>>) dst(%arg12 : memref<128x64xf32, #tpu.memory_space<vmem>>)
      %add3A_157 = arith.constant 4 : i32
      %add3A_158 = arith.addi %mul3A_84, %add3A_157 : i32
      %dma_start3A_159 = arith.constant 0 : i32
      %dma_start3A_160 = tpu.memref_slice %arg7[%add3A_158, %dma_start3A_159] : memref<80x128xi32, #tpu.memory_space<vmem>> -> memref<1x128xi32, #tpu.memory_space<vmem>>
      %dma_start3A_161 = tpu.memref_squeeze %dma_start3A_160 : memref<1x128xi32, #tpu.memory_space<vmem>> -> memref<128xi32, #tpu.memory_space<vmem>>
      %dma_start3A_162 = arith.constant 0 : i32
      %dma_start3A_163 = arith.constant 0 : i32
      %dma_start3A_164 = tpu.memref_slice %arg13[%dma_start3A_162, %dma_start3A_163] : memref<11024x64xf32, #tpu.memory_space<vmem_shared>> -> memref<11024x64xf32, #tpu.memory_space<vmem_shared>>
      tpu.enqueue_indirect_dma source(%arg12 : memref<128x64xf32, #tpu.memory_space<vmem>>) target(%dma_start3A_164 : memref<11024x64xf32, #tpu.memory_space<vmem_shared>>) offsets(%dma_start3A_161 : memref<128xi32, #tpu.memory_space<vmem>>) semaphore(%arg15 : memref<!tpu.dma_semaphore, #tpu.memory_space<semaphore_mem>>) {add = true}
      %add3A_165 = arith.constant 0 : i32
      %add3A_166 = arith.addi %mul3A_84, %add3A_165 : i32
      %add3A_167 = arith.constant 5 : i32
      %add3A_168 = arith.addi %add3A_166, %add3A_167 : i32
      %lt3A_169 = arith.constant 80 : i32
      %lt3A_170 = arith.cmpi slt, %add3A_168, %lt3A_169 : i32
      %convert_element_type3A_171 = arith.extui %lt3A_170 : i1 to i32
      %cond3A_172 = arith.constant 0 : i32
      %cond3A_173 = arith.cmpi ne, %convert_element_type3A_171, %cond3A_172 : i32
      scf.if %cond3A_173 {
        %add3A_210 = arith.constant 0 : i32
        %add3A_211 = arith.addi %mul3A_84, %add3A_210 : i32
        %dma_wait3A_212 = arith.constant 0 : i32
        %dma_wait3A_213 = tpu.memref_slice %arg7[%add3A_211, %dma_wait3A_212] : memref<80x128xi32, #tpu.memory_space<vmem>> -> memref<1x128xi32, #tpu.memory_space<vmem>>
        %dma_wait3A_214 = tpu.memref_squeeze %dma_wait3A_213 : memref<1x128xi32, #tpu.memory_space<vmem>> -> memref<128xi32, #tpu.memory_space<vmem>>
        %dma_wait3A_215 = arith.constant 0 : i32
        %dma_wait3A_216 = arith.constant 0 : i32
        %dma_wait3A_217 = tpu.memref_slice %arg13[%dma_wait3A_215, %dma_wait3A_216] : memref<11024x64xf32, #tpu.memory_space<vmem_shared>> -> memref<11024x64xf32, #tpu.memory_space<vmem_shared>>
        tpu.wait_indirect_dma semaphore(%arg15 : memref<!tpu.dma_semaphore, #tpu.memory_space<semaphore_mem>>) src(%arg8 : memref<128x64xf32, #tpu.memory_space<vmem>>) dst(%dma_wait3A_217 : memref<11024x64xf32, #tpu.memory_space<vmem_shared>>)
        %add3A_218 = arith.constant 0 : i32
        %add3A_219 = arith.addi %mul3A_84, %add3A_218 : i32
        %add3A_220 = arith.constant 5 : i32
        %add3A_221 = arith.addi %add3A_219, %add3A_220 : i32
        %dma_start3A_222 = arith.constant 0 : i32
        %dma_start3A_223 = tpu.memref_slice %arg6[%add3A_221, %dma_start3A_222] : memref<80x128xi32, #tpu.memory_space<vmem>> -> memref<1x128xi32, #tpu.memory_space<vmem>>
        %dma_start3A_224 = tpu.memref_squeeze %dma_start3A_223 : memref<1x128xi32, #tpu.memory_space<vmem>> -> memref<128xi32, #tpu.memory_space<vmem>>
        %dma_start3A_225 = arith.constant 0 : i32
        %dma_start3A_226 = arith.constant 0 : i32
        %dma_start3A_227 = tpu.memref_slice %arg2[%dma_start3A_225, %dma_start3A_226] : memref<10000x64xf32, #tpu.memory_space<hbm>> -> memref<10000x64xf32, #tpu.memory_space<hbm>>
        tpu.enqueue_indirect_dma source(%dma_start3A_227 : memref<10000x64xf32, #tpu.memory_space<hbm>>) target(%arg8 : memref<128x64xf32, #tpu.memory_space<vmem>>) offsets(%dma_start3A_224 : memref<128xi32, #tpu.memory_space<vmem>>) semaphore(%arg14 : memref<!tpu.dma_semaphore, #tpu.memory_space<semaphore_mem>>)
      } else {
      }
      %add3A_174 = arith.constant 1 : i32
      %add3A_175 = arith.addi %mul3A_84, %add3A_174 : i32
      %add3A_176 = arith.constant 5 : i32
      %add3A_177 = arith.addi %add3A_175, %add3A_176 : i32
      %lt3A_178 = arith.constant 80 : i32
      %lt3A_179 = arith.cmpi slt, %add3A_177, %lt3A_178 : i32
      %convert_element_type3A_180 = arith.extui %lt3A_179 : i1 to i32
      %cond3A_181 = arith.constant 0 : i32
      %cond3A_182 = arith.cmpi ne, %convert_element_type3A_180, %cond3A_181 : i32
      scf.if %cond3A_182 {
        %add3A_210 = arith.constant 1 : i32
        %add3A_211 = arith.addi %mul3A_84, %add3A_210 : i32
        %dma_wait3A_212 = arith.constant 0 : i32
        %dma_wait3A_213 = tpu.memref_slice %arg7[%add3A_211, %dma_wait3A_212] : memref<80x128xi32, #tpu.memory_space<vmem>> -> memref<1x128xi32, #tpu.memory_space<vmem>>
        %dma_wait3A_214 = tpu.memref_squeeze %dma_wait3A_213 : memref<1x128xi32, #tpu.memory_space<vmem>> -> memref<128xi32, #tpu.memory_space<vmem>>
        %dma_wait3A_215 = arith.constant 0 : i32
        %dma_wait3A_216 = arith.constant 0 : i32
        %dma_wait3A_217 = tpu.memref_slice %arg13[%dma_wait3A_215, %dma_wait3A_216] : memref<11024x64xf32, #tpu.memory_space<vmem_shared>> -> memref<11024x64xf32, #tpu.memory_space<vmem_shared>>
        tpu.wait_indirect_dma semaphore(%arg15 : memref<!tpu.dma_semaphore, #tpu.memory_space<semaphore_mem>>) src(%arg9 : memref<128x64xf32, #tpu.memory_space<vmem>>) dst(%dma_wait3A_217 : memref<11024x64xf32, #tpu.memory_space<vmem_shared>>)
        %add3A_218 = arith.constant 1 : i32
        %add3A_219 = arith.addi %mul3A_84, %add3A_218 : i32
        %add3A_220 = arith.constant 5 : i32
        %add3A_221 = arith.addi %add3A_219, %add3A_220 : i32
        %dma_start3A_222 = arith.constant 0 : i32
        %dma_start3A_223 = tpu.memref_slice %arg6[%add3A_221, %dma_start3A_222] : memref<80x128xi32, #tpu.memory_space<vmem>> -> memref<1x128xi32, #tpu.memory_space<vmem>>
        %dma_start3A_224 = tpu.memref_squeeze %dma_start3A_223 : memref<1x128xi32, #tpu.memory_space<vmem>> -> memref<128xi32, #tpu.memory_space<vmem>>
        %dma_start3A_225 = arith.constant 0 : i32
        %dma_start3A_226 = arith.constant 0 : i32
        %dma_start3A_227 = tpu.memref_slice %arg2[%dma_start3A_225, %dma_start3A_226] : memref<10000x64xf32, #tpu.memory_space<hbm>> -> memref<10000x64xf32, #tpu.memory_space<hbm>>
        tpu.enqueue_indirect_dma source(%dma_start3A_227 : memref<10000x64xf32, #tpu.memory_space<hbm>>) target(%arg9 : memref<128x64xf32, #tpu.memory_space<vmem>>) offsets(%dma_start3A_224 : memref<128xi32, #tpu.memory_space<vmem>>) semaphore(%arg14 : memref<!tpu.dma_semaphore, #tpu.memory_space<semaphore_mem>>)
      } else {
      }
      %add3A_183 = arith.constant 2 : i32
      %add3A_184 = arith.addi %mul3A_84, %add3A_183 : i32
      %add3A_185 = arith.constant 5 : i32
      %add3A_186 = arith.addi %add3A_184, %add3A_185 : i32
      %lt3A_187 = arith.constant 80 : i32
      %lt3A_188 = arith.cmpi slt, %add3A_186, %lt3A_187 : i32
      %convert_element_type3A_189 = arith.extui %lt3A_188 : i1 to i32
      %cond3A_190 = arith.constant 0 : i32
      %cond3A_191 = arith.cmpi ne, %convert_element_type3A_189, %cond3A_190 : i32
      scf.if %cond3A_191 {
        %add3A_210 = arith.constant 2 : i32
        %add3A_211 = arith.addi %mul3A_84, %add3A_210 : i32
        %dma_wait3A_212 = arith.constant 0 : i32
        %dma_wait3A_213 = tpu.memref_slice %arg7[%add3A_211, %dma_wait3A_212] : memref<80x128xi32, #tpu.memory_space<vmem>> -> memref<1x128xi32, #tpu.memory_space<vmem>>
        %dma_wait3A_214 = tpu.memref_squeeze %dma_wait3A_213 : memref<1x128xi32, #tpu.memory_space<vmem>> -> memref<128xi32, #tpu.memory_space<vmem>>
        %dma_wait3A_215 = arith.constant 0 : i32
        %dma_wait3A_216 = arith.constant 0 : i32
        %dma_wait3A_217 = tpu.memref_slice %arg13[%dma_wait3A_215, %dma_wait3A_216] : memref<11024x64xf32, #tpu.memory_space<vmem_shared>> -> memref<11024x64xf32, #tpu.memory_space<vmem_shared>>
        tpu.wait_indirect_dma semaphore(%arg15 : memref<!tpu.dma_semaphore, #tpu.memory_space<semaphore_mem>>) src(%arg10 : memref<128x64xf32, #tpu.memory_space<vmem>>) dst(%dma_wait3A_217 : memref<11024x64xf32, #tpu.memory_space<vmem_shared>>)
        %add3A_218 = arith.constant 2 : i32
        %add3A_219 = arith.addi %mul3A_84, %add3A_218 : i32
        %add3A_220 = arith.constant 5 : i32
        %add3A_221 = arith.addi %add3A_219, %add3A_220 : i32
        %dma_start3A_222 = arith.constant 0 : i32
        %dma_start3A_223 = tpu.memref_slice %arg6[%add3A_221, %dma_start3A_222] : memref<80x128xi32, #tpu.memory_space<vmem>> -> memref<1x128xi32, #tpu.memory_space<vmem>>
        %dma_start3A_224 = tpu.memref_squeeze %dma_start3A_223 : memref<1x128xi32, #tpu.memory_space<vmem>> -> memref<128xi32, #tpu.memory_space<vmem>>
        %dma_start3A_225 = arith.constant 0 : i32
        %dma_start3A_226 = arith.constant 0 : i32
        %dma_start3A_227 = tpu.memref_slice %arg2[%dma_start3A_225, %dma_start3A_226] : memref<10000x64xf32, #tpu.memory_space<hbm>> -> memref<10000x64xf32, #tpu.memory_space<hbm>>
        tpu.enqueue_indirect_dma source(%dma_start3A_227 : memref<10000x64xf32, #tpu.memory_space<hbm>>) target(%arg10 : memref<128x64xf32, #tpu.memory_space<vmem>>) offsets(%dma_start3A_224 : memref<128xi32, #tpu.memory_space<vmem>>) semaphore(%arg14 : memref<!tpu.dma_semaphore, #tpu.memory_space<semaphore_mem>>)
      } else {
      }
      %add3A_192 = arith.constant 3 : i32
      %add3A_193 = arith.addi %mul3A_84, %add3A_192 : i32
      %add3A_194 = arith.constant 5 : i32
      %add3A_195 = arith.addi %add3A_193, %add3A_194 : i32
      %lt3A_196 = arith.constant 80 : i32
      %lt3A_197 = arith.cmpi slt, %add3A_195, %lt3A_196 : i32
      %convert_element_type3A_198 = arith.extui %lt3A_197 : i1 to i32
      %cond3A_199 = arith.constant 0 : i32
      %cond3A_200 = arith.cmpi ne, %convert_element_type3A_198, %cond3A_199 : i32
      scf.if %cond3A_200 {
        %add3A_210 = arith.constant 3 : i32
        %add3A_211 = arith.addi %mul3A_84, %add3A_210 : i32
        %dma_wait3A_212 = arith.constant 0 : i32
        %dma_wait3A_213 = tpu.memref_slice %arg7[%add3A_211, %dma_wait3A_212] : memref<80x128xi32, #tpu.memory_space<vmem>> -> memref<1x128xi32, #tpu.memory_space<vmem>>
        %dma_wait3A_214 = tpu.memref_squeeze %dma_wait3A_213 : memref<1x128xi32, #tpu.memory_space<vmem>> -> memref<128xi32, #tpu.memory_space<vmem>>
        %dma_wait3A_215 = arith.constant 0 : i32
        %dma_wait3A_216 = arith.constant 0 : i32
        %dma_wait3A_217 = tpu.memref_slice %arg13[%dma_wait3A_215, %dma_wait3A_216] : memref<11024x64xf32, #tpu.memory_space<vmem_shared>> -> memref<11024x64xf32, #tpu.memory_space<vmem_shared>>
        tpu.wait_indirect_dma semaphore(%arg15 : memref<!tpu.dma_semaphore, #tpu.memory_space<semaphore_mem>>) src(%arg11 : memref<128x64xf32, #tpu.memory_space<vmem>>) dst(%dma_wait3A_217 : memref<11024x64xf32, #tpu.memory_space<vmem_shared>>)
        %add3A_218 = arith.constant 3 : i32
        %add3A_219 = arith.addi %mul3A_84, %add3A_218 : i32
        %add3A_220 = arith.constant 5 : i32
        %add3A_221 = arith.addi %add3A_219, %add3A_220 : i32
        %dma_start3A_222 = arith.constant 0 : i32
        %dma_start3A_223 = tpu.memref_slice %arg6[%add3A_221, %dma_start3A_222] : memref<80x128xi32, #tpu.memory_space<vmem>> -> memref<1x128xi32, #tpu.memory_space<vmem>>
        %dma_start3A_224 = tpu.memref_squeeze %dma_start3A_223 : memref<1x128xi32, #tpu.memory_space<vmem>> -> memref<128xi32, #tpu.memory_space<vmem>>
        %dma_start3A_225 = arith.constant 0 : i32
        %dma_start3A_226 = arith.constant 0 : i32
        %dma_start3A_227 = tpu.memref_slice %arg2[%dma_start3A_225, %dma_start3A_226] : memref<10000x64xf32, #tpu.memory_space<hbm>> -> memref<10000x64xf32, #tpu.memory_space<hbm>>
        tpu.enqueue_indirect_dma source(%dma_start3A_227 : memref<10000x64xf32, #tpu.memory_space<hbm>>) target(%arg11 : memref<128x64xf32, #tpu.memory_space<vmem>>) offsets(%dma_start3A_224 : memref<128xi32, #tpu.memory_space<vmem>>) semaphore(%arg14 : memref<!tpu.dma_semaphore, #tpu.memory_space<semaphore_mem>>)
      } else {
      }
      %add3A_201 = arith.constant 4 : i32
      %add3A_202 = arith.addi %mul3A_84, %add3A_201 : i32
      %add3A_203 = arith.constant 5 : i32
      %add3A_204 = arith.addi %add3A_202, %add3A_203 : i32
      %lt3A_205 = arith.constant 80 : i32
      %lt3A_206 = arith.cmpi slt, %add3A_204, %lt3A_205 : i32
      %convert_element_type3A_207 = arith.extui %lt3A_206 : i1 to i32
      %cond3A_208 = arith.constant 0 : i32
      %cond3A_209 = arith.cmpi ne, %convert_element_type3A_207, %cond3A_208 : i32
      scf.if %cond3A_209 {
        %add3A_210 = arith.constant 4 : i32
        %add3A_211 = arith.addi %mul3A_84, %add3A_210 : i32
        %dma_wait3A_212 = arith.constant 0 : i32
        %dma_wait3A_213 = tpu.memref_slice %arg7[%add3A_211, %dma_wait3A_212] : memref<80x128xi32, #tpu.memory_space<vmem>> -> memref<1x128xi32, #tpu.memory_space<vmem>>
        %dma_wait3A_214 = tpu.memref_squeeze %dma_wait3A_213 : memref<1x128xi32, #tpu.memory_space<vmem>> -> memref<128xi32, #tpu.memory_space<vmem>>
        %dma_wait3A_215 = arith.constant 0 : i32
        %dma_wait3A_216 = arith.constant 0 : i32
        %dma_wait3A_217 = tpu.memref_slice %arg13[%dma_wait3A_215, %dma_wait3A_216] : memref<11024x64xf32, #tpu.memory_space<vmem_shared>> -> memref<11024x64xf32, #tpu.memory_space<vmem_shared>>
        tpu.wait_indirect_dma semaphore(%arg15 : memref<!tpu.dma_semaphore, #tpu.memory_space<semaphore_mem>>) src(%arg12 : memref<128x64xf32, #tpu.memory_space<vmem>>) dst(%dma_wait3A_217 : memref<11024x64xf32, #tpu.memory_space<vmem_shared>>)
        %add3A_218 = arith.constant 4 : i32
        %add3A_219 = arith.addi %mul3A_84, %add3A_218 : i32
        %add3A_220 = arith.constant 5 : i32
        %add3A_221 = arith.addi %add3A_219, %add3A_220 : i32
        %dma_start3A_222 = arith.constant 0 : i32
        %dma_start3A_223 = tpu.memref_slice %arg6[%add3A_221, %dma_start3A_222] : memref<80x128xi32, #tpu.memory_space<vmem>> -> memref<1x128xi32, #tpu.memory_space<vmem>>
        %dma_start3A_224 = tpu.memref_squeeze %dma_start3A_223 : memref<1x128xi32, #tpu.memory_space<vmem>> -> memref<128xi32, #tpu.memory_space<vmem>>
        %dma_start3A_225 = arith.constant 0 : i32
        %dma_start3A_226 = arith.constant 0 : i32
        %dma_start3A_227 = tpu.memref_slice %arg2[%dma_start3A_225, %dma_start3A_226] : memref<10000x64xf32, #tpu.memory_space<hbm>> -> memref<10000x64xf32, #tpu.memory_space<hbm>>
        tpu.enqueue_indirect_dma source(%dma_start3A_227 : memref<10000x64xf32, #tpu.memory_space<hbm>>) target(%arg12 : memref<128x64xf32, #tpu.memory_space<vmem>>) offsets(%dma_start3A_224 : memref<128xi32, #tpu.memory_space<vmem>>) semaphore(%arg14 : memref<!tpu.dma_semaphore, #tpu.memory_space<semaphore_mem>>)
      } else {
      }
    }
    %scan3A_41 = arith.constant 16 : i32
    %dma_wait3A = arith.constant 75 : i32
    %dma_wait3A_42 = arith.constant 0 : i32
    %dma_wait3A_43 = tpu.memref_slice %arg7[%dma_wait3A, %dma_wait3A_42] : memref<80x128xi32, #tpu.memory_space<vmem>> -> memref<1x128xi32, #tpu.memory_space<vmem>>
    %dma_wait3A_44 = tpu.memref_squeeze %dma_wait3A_43 : memref<1x128xi32, #tpu.memory_space<vmem>> -> memref<128xi32, #tpu.memory_space<vmem>>
    %dma_wait3A_45 = arith.constant 0 : i32
    %dma_wait3A_46 = arith.constant 0 : i32
    %dma_wait3A_47 = tpu.memref_slice %arg13[%dma_wait3A_45, %dma_wait3A_46] : memref<11024x64xf32, #tpu.memory_space<vmem_shared>> -> memref<11024x64xf32, #tpu.memory_space<vmem_shared>>
    tpu.wait_indirect_dma semaphore(%arg15 : memref<!tpu.dma_semaphore, #tpu.memory_space<semaphore_mem>>) src(%arg8 : memref<128x64xf32, #tpu.memory_space<vmem>>) dst(%dma_wait3A_47 : memref<11024x64xf32, #tpu.memory_space<vmem_shared>>)
    %dma_wait3A_48 = arith.constant 76 : i32
    %dma_wait3A_49 = arith.constant 0 : i32
    %dma_wait3A_50 = tpu.memref_slice %arg7[%dma_wait3A_48, %dma_wait3A_49] : memref<80x128xi32, #tpu.memory_space<vmem>> -> memref<1x128xi32, #tpu.memory_space<vmem>>
    %dma_wait3A_51 = tpu.memref_squeeze %dma_wait3A_50 : memref<1x128xi32, #tpu.memory_space<vmem>> -> memref<128xi32, #tpu.memory_space<vmem>>
    %dma_wait3A_52 = arith.constant 0 : i32
    %dma_wait3A_53 = arith.constant 0 : i32
    %dma_wait3A_54 = tpu.memref_slice %arg13[%dma_wait3A_52, %dma_wait3A_53] : memref<11024x64xf32, #tpu.memory_space<vmem_shared>> -> memref<11024x64xf32, #tpu.memory_space<vmem_shared>>
    tpu.wait_indirect_dma semaphore(%arg15 : memref<!tpu.dma_semaphore, #tpu.memory_space<semaphore_mem>>) src(%arg9 : memref<128x64xf32, #tpu.memory_space<vmem>>) dst(%dma_wait3A_54 : memref<11024x64xf32, #tpu.memory_space<vmem_shared>>)
    %dma_wait3A_55 = arith.constant 77 : i32
    %dma_wait3A_56 = arith.constant 0 : i32
    %dma_wait3A_57 = tpu.memref_slice %arg7[%dma_wait3A_55, %dma_wait3A_56] : memref<80x128xi32, #tpu.memory_space<vmem>> -> memref<1x128xi32, #tpu.memory_space<vmem>>
    %dma_wait3A_58 = tpu.memref_squeeze %dma_wait3A_57 : memref<1x128xi32, #tpu.memory_space<vmem>> -> memref<128xi32, #tpu.memory_space<vmem>>
    %dma_wait3A_59 = arith.constant 0 : i32
    %dma_wait3A_60 = arith.constant 0 : i32
    %dma_wait3A_61 = tpu.memref_slice %arg13[%dma_wait3A_59, %dma_wait3A_60] : memref<11024x64xf32, #tpu.memory_space<vmem_shared>> -> memref<11024x64xf32, #tpu.memory_space<vmem_shared>>
    tpu.wait_indirect_dma semaphore(%arg15 : memref<!tpu.dma_semaphore, #tpu.memory_space<semaphore_mem>>) src(%arg10 : memref<128x64xf32, #tpu.memory_space<vmem>>) dst(%dma_wait3A_61 : memref<11024x64xf32, #tpu.memory_space<vmem_shared>>)
    %dma_wait3A_62 = arith.constant 78 : i32
    %dma_wait3A_63 = arith.constant 0 : i32
    %dma_wait3A_64 = tpu.memref_slice %arg7[%dma_wait3A_62, %dma_wait3A_63] : memref<80x128xi32, #tpu.memory_space<vmem>> -> memref<1x128xi32, #tpu.memory_space<vmem>>
    %dma_wait3A_65 = tpu.memref_squeeze %dma_wait3A_64 : memref<1x128xi32, #tpu.memory_space<vmem>> -> memref<128xi32, #tpu.memory_space<vmem>>
    %dma_wait3A_66 = arith.constant 0 : i32
    %dma_wait3A_67 = arith.constant 0 : i32
    %dma_wait3A_68 = tpu.memref_slice %arg13[%dma_wait3A_66, %dma_wait3A_67] : memref<11024x64xf32, #tpu.memory_space<vmem_shared>> -> memref<11024x64xf32, #tpu.memory_space<vmem_shared>>
    tpu.wait_indirect_dma semaphore(%arg15 : memref<!tpu.dma_semaphore, #tpu.memory_space<semaphore_mem>>) src(%arg11 : memref<128x64xf32, #tpu.memory_space<vmem>>) dst(%dma_wait3A_68 : memref<11024x64xf32, #tpu.memory_space<vmem_shared>>)
    %dma_wait3A_69 = arith.constant 79 : i32
    %dma_wait3A_70 = arith.constant 0 : i32
    %dma_wait3A_71 = tpu.memref_slice %arg7[%dma_wait3A_69, %dma_wait3A_70] : memref<80x128xi32, #tpu.memory_space<vmem>> -> memref<1x128xi32, #tpu.memory_space<vmem>>
    %dma_wait3A_72 = tpu.memref_squeeze %dma_wait3A_71 : memref<1x128xi32, #tpu.memory_space<vmem>> -> memref<128xi32, #tpu.memory_space<vmem>>
    %dma_wait3A_73 = arith.constant 0 : i32
    %dma_wait3A_74 = arith.constant 0 : i32
    %dma_wait3A_75 = tpu.memref_slice %arg13[%dma_wait3A_73, %dma_wait3A_74] : memref<11024x64xf32, #tpu.memory_space<vmem_shared>> -> memref<11024x64xf32, #tpu.memory_space<vmem_shared>>
    tpu.wait_indirect_dma semaphore(%arg15 : memref<!tpu.dma_semaphore, #tpu.memory_space<semaphore_mem>>) src(%arg12 : memref<128x64xf32, #tpu.memory_space<vmem>>) dst(%dma_wait3A_75 : memref<11024x64xf32, #tpu.memory_space<vmem_shared>>)
    %barrier3A_76 = arith.constant 0 : index
    tpu.barrier barrier_id(%barrier3A_76)
    %lt3A_77 = arith.constant 16 : i32
    %lt3A_78 = arith.cmpi slt, %arg1, %lt3A_77 : i32
    %convert_element_type3A_79 = arith.extui %lt3A_78 : i1 to i32
    %cond3A_80 = arith.constant 0 : i32
    %cond3A_81 = arith.cmpi ne, %convert_element_type3A_79, %cond3A_80 : i32
    scf.if %cond3A_81 {
      %mul3A_82 = arith.constant 625 : i32
      %mul3A_83 = arith.muli %arg1, %mul3A_82 : i32
      %mul3A_84 = arith.constant 625 : i32
      %mul3A_85 = arith.muli %arg1, %mul3A_84 : i32
      %mul3A_86 = arith.constant 64 : i32
      %mul3A_87 = arith.muli %arg0, %mul3A_86 : i32
      "tpu.region"() ({
        %run_scoped3A = tpu.sem_alloc : memref<!tpu.dma_semaphore, #tpu.memory_space<semaphore_mem>>
        %dma_start3A_88 = tpu.memref_slice %arg5[%mul3A_85, %mul3A_87] : memref<10000x128xf32, #tpu.memory_space<hbm>> -> memref<625x64xf32, #tpu.memory_space<hbm>>
        %dma_start3A_89 = arith.constant 0 : i32
        %dma_start3A_90 = tpu.memref_slice %arg13[%mul3A_83, %dma_start3A_89] : memref<11024x64xf32, #tpu.memory_space<vmem_shared>> -> memref<625x64xf32, #tpu.memory_space<vmem_shared>>
        tpu.enqueue_dma source(%dma_start3A_90 : memref<625x64xf32, #tpu.memory_space<vmem_shared>>) target(%dma_start3A_88 : memref<625x64xf32, #tpu.memory_space<hbm>>) target_semaphore(%run_scoped3A : memref<!tpu.dma_semaphore, #tpu.memory_space<semaphore_mem>>)
        %dma_wait3A_91 = tpu.memref_slice %arg5[%mul3A_85, %mul3A_87] : memref<10000x128xf32, #tpu.memory_space<hbm>> -> memref<625x64xf32, #tpu.memory_space<hbm>>
        %dma_wait3A_92 = arith.constant 0 : i32
        %dma_wait3A_93 = tpu.memref_slice %arg13[%mul3A_83, %dma_wait3A_92] : memref<11024x64xf32, #tpu.memory_space<vmem_shared>> -> memref<625x64xf32, #tpu.memory_space<vmem_shared>>
        tpu.wait_dma2 semaphore(%run_scoped3A : memref<!tpu.dma_semaphore, #tpu.memory_space<semaphore_mem>>) src(%dma_wait3A_93 : memref<625x64xf32, #tpu.memory_space<vmem_shared>>) dst(%dma_wait3A_91 : memref<625x64xf32, #tpu.memory_space<hbm>>)
        tpu.yield
      }) : () -> ()
    } else {
    }
    return
  }
}

module attributes {stable_mosaic.version = 14 : i64} {
  func.func @body(%arg0: i32, %arg1: memref<2000x128xf32, #tpu.memory_space<vmem>>, %arg2: memref<2000x16xf32, #tpu.memory_space<vmem>>, %arg3: memref<2000x16xf32, #tpu.memory_space<vmem>>, %arg4: memref<1x10xf32, #tpu.memory_space<vmem>>, %arg5: memref<1x1xf32, #tpu.memory_space<vmem>>, %arg6: memref<9x64xf32, #tpu.memory_space<vmem>>, %arg7: memref<2000x64xf32, #tpu.memory_space<vmem>>, %arg8: memref<2000x1xf32, #tpu.memory_space<vmem>>, %arg9: memref<128x64xf32, #tpu.memory_space<vmem>>, %arg10: memref<1x64xf32, #tpu.memory_space<vmem>>) attributes {dimension_semantics = [#tpu.dimension_semantics<arbitrary>], iteration_bounds = array<i64: 5>, scalar_prefetch = 0 : i64, scratch_operands = 2 : i64, tpu.core_type = #tpu.core_type<tc>, window_params = [{transform_indices = @transform_0, window_bounds = array<i64: 2000, 128>}, {transform_indices = @transform_1, window_bounds = array<i64: 2000, 16>}, {transform_indices = @transform_2, window_bounds = array<i64: 2000, 16>}, {pipeline_mode = #tpu.pipeline_mode<synchronous>, transform_indices = @transform_3, window_bounds = array<i64: 1, 10>}, {pipeline_mode = #tpu.pipeline_mode<synchronous>, transform_indices = @transform_4, window_bounds = array<i64: 1, 1>}, {pipeline_mode = #tpu.pipeline_mode<synchronous>, transform_indices = @transform_5, window_bounds = array<i64: 9, 64>}, {transform_indices = @transform_6, window_bounds = array<i64: 2000, 64>}, {transform_indices = @transform_7, window_bounds = array<i64: 2000, 1>}]} {
    %eq3A = arith.constant 0 : i32
    %eq3A_0 = arith.cmpi eq, %arg0, %eq3A : i32
    %convert_element_type3A = arith.extui %eq3A_0 : i1 to i32
    %cond3A = arith.constant 0 : i32
    %cond3A_1 = arith.cmpi ne, %convert_element_type3A, %cond3A : i32
    scf.if %cond3A_1 {
      %get3A_28 = arith.constant 0 : index
      %get3A_29 = arith.constant 0 : index
      %get3A_30 = vector.load %arg4[%get3A_28, %get3A_29] : memref<1x10xf32, #tpu.memory_space<vmem>>, vector<1x10xf32>
      %iota3A = tpu.iota {dimensions = array<i32: 0>} : vector<128x60xi32>
      %iota3A_31 = tpu.iota {dimensions = array<i32: 1>} : vector<128x60xi32>
      %mul3A_32 = arith.constant 2 : i32
      %mul3A_33 = vector.broadcast %mul3A_32 : i32 to vector<128x60xi32>
      %mul3A_34 = arith.muli %mul3A_33, %iota3A_31 : vector<128x60xi32>
      %sub3A = arith.subi %iota3A, %mul3A_34 : vector<128x60xi32>
      %broadcast_in_dim3A = arith.constant 0.000000e+00 : f32
      %broadcast_in_dim3A_35 = vector.broadcast %broadcast_in_dim3A : f32 to vector<128x60xf32>
      %eq3A_36 = arith.constant 0 : i32
      %eq3A_37 = vector.broadcast %eq3A_36 : i32 to vector<128x60xi32>
      %eq3A_38 = arith.cmpi eq, %sub3A, %eq3A_37 : vector<128x60xi32>
      %slice3A = vector.extract_strided_slice %get3A_30 {offsets = [0, 0], sizes = [1, 1], strides = [1, 1]} : vector<1x10xf32> to vector<1x1xf32>
      %jit3A = arith.constant 0.000000e+00 : f32
      %broadcast_in_dim3A_39 = vector.shape_cast %slice3A : vector<1x1xf32> to vector<1x1xf32>
      %broadcast_in_dim3A_40 = vector.broadcast %broadcast_in_dim3A_39 : vector<1x1xf32> to vector<128x60xf32>
      %broadcast_in_dim3A_41 = vector.broadcast %jit3A : f32 to vector<128x60xf32>
      %select_n3A = arith.select %eq3A_38, %broadcast_in_dim3A_40, %broadcast_in_dim3A_41 : vector<128x60xi1>, vector<128x60xf32>
      %add3A_42 = arith.addf %broadcast_in_dim3A_35, %select_n3A : vector<128x60xf32>
      %eq3A_43 = arith.constant 1 : i32
      %eq3A_44 = vector.broadcast %eq3A_43 : i32 to vector<128x60xi32>
      %eq3A_45 = arith.cmpi eq, %sub3A, %eq3A_44 : vector<128x60xi32>
      %slice3A_46 = vector.extract_strided_slice %get3A_30 {offsets = [0, 1], sizes = [1, 1], strides = [1, 1]} : vector<1x10xf32> to vector<1x1xf32>
      %jit3A_47 = arith.constant 0.000000e+00 : f32
      %broadcast_in_dim3A_48 = vector.shape_cast %slice3A_46 : vector<1x1xf32> to vector<1x1xf32>
      %broadcast_in_dim3A_49 = vector.broadcast %broadcast_in_dim3A_48 : vector<1x1xf32> to vector<128x60xf32>
      %broadcast_in_dim3A_50 = vector.broadcast %jit3A_47 : f32 to vector<128x60xf32>
      %select_n3A_51 = arith.select %eq3A_45, %broadcast_in_dim3A_49, %broadcast_in_dim3A_50 : vector<128x60xi1>, vector<128x60xf32>
      %add3A_52 = arith.addf %add3A_42, %select_n3A_51 : vector<128x60xf32>
      %eq3A_53 = arith.constant 2 : i32
      %eq3A_54 = vector.broadcast %eq3A_53 : i32 to vector<128x60xi32>
      %eq3A_55 = arith.cmpi eq, %sub3A, %eq3A_54 : vector<128x60xi32>
      %slice3A_56 = vector.extract_strided_slice %get3A_30 {offsets = [0, 2], sizes = [1, 1], strides = [1, 1]} : vector<1x10xf32> to vector<1x1xf32>
      %jit3A_57 = arith.constant 0.000000e+00 : f32
      %broadcast_in_dim3A_58 = vector.shape_cast %slice3A_56 : vector<1x1xf32> to vector<1x1xf32>
      %broadcast_in_dim3A_59 = vector.broadcast %broadcast_in_dim3A_58 : vector<1x1xf32> to vector<128x60xf32>
      %broadcast_in_dim3A_60 = vector.broadcast %jit3A_57 : f32 to vector<128x60xf32>
      %select_n3A_61 = arith.select %eq3A_55, %broadcast_in_dim3A_59, %broadcast_in_dim3A_60 : vector<128x60xi1>, vector<128x60xf32>
      %add3A_62 = arith.addf %add3A_52, %select_n3A_61 : vector<128x60xf32>
      %eq3A_63 = arith.constant 3 : i32
      %eq3A_64 = vector.broadcast %eq3A_63 : i32 to vector<128x60xi32>
      %eq3A_65 = arith.cmpi eq, %sub3A, %eq3A_64 : vector<128x60xi32>
      %slice3A_66 = vector.extract_strided_slice %get3A_30 {offsets = [0, 3], sizes = [1, 1], strides = [1, 1]} : vector<1x10xf32> to vector<1x1xf32>
      %jit3A_67 = arith.constant 0.000000e+00 : f32
      %broadcast_in_dim3A_68 = vector.shape_cast %slice3A_66 : vector<1x1xf32> to vector<1x1xf32>
      %broadcast_in_dim3A_69 = vector.broadcast %broadcast_in_dim3A_68 : vector<1x1xf32> to vector<128x60xf32>
      %broadcast_in_dim3A_70 = vector.broadcast %jit3A_67 : f32 to vector<128x60xf32>
      %select_n3A_71 = arith.select %eq3A_65, %broadcast_in_dim3A_69, %broadcast_in_dim3A_70 : vector<128x60xi1>, vector<128x60xf32>
      %add3A_72 = arith.addf %add3A_62, %select_n3A_71 : vector<128x60xf32>
      %eq3A_73 = arith.constant 4 : i32
      %eq3A_74 = vector.broadcast %eq3A_73 : i32 to vector<128x60xi32>
      %eq3A_75 = arith.cmpi eq, %sub3A, %eq3A_74 : vector<128x60xi32>
      %slice3A_76 = vector.extract_strided_slice %get3A_30 {offsets = [0, 4], sizes = [1, 1], strides = [1, 1]} : vector<1x10xf32> to vector<1x1xf32>
      %jit3A_77 = arith.constant 0.000000e+00 : f32
      %broadcast_in_dim3A_78 = vector.shape_cast %slice3A_76 : vector<1x1xf32> to vector<1x1xf32>
      %broadcast_in_dim3A_79 = vector.broadcast %broadcast_in_dim3A_78 : vector<1x1xf32> to vector<128x60xf32>
      %broadcast_in_dim3A_80 = vector.broadcast %jit3A_77 : f32 to vector<128x60xf32>
      %select_n3A_81 = arith.select %eq3A_75, %broadcast_in_dim3A_79, %broadcast_in_dim3A_80 : vector<128x60xi1>, vector<128x60xf32>
      %add3A_82 = arith.addf %add3A_72, %select_n3A_81 : vector<128x60xf32>
      %eq3A_83 = arith.constant 5 : i32
      %eq3A_84 = vector.broadcast %eq3A_83 : i32 to vector<128x60xi32>
      %eq3A_85 = arith.cmpi eq, %sub3A, %eq3A_84 : vector<128x60xi32>
      %slice3A_86 = vector.extract_strided_slice %get3A_30 {offsets = [0, 5], sizes = [1, 1], strides = [1, 1]} : vector<1x10xf32> to vector<1x1xf32>
      %jit3A_87 = arith.constant 0.000000e+00 : f32
      %broadcast_in_dim3A_88 = vector.shape_cast %slice3A_86 : vector<1x1xf32> to vector<1x1xf32>
      %broadcast_in_dim3A_89 = vector.broadcast %broadcast_in_dim3A_88 : vector<1x1xf32> to vector<128x60xf32>
      %broadcast_in_dim3A_90 = vector.broadcast %jit3A_87 : f32 to vector<128x60xf32>
      %select_n3A_91 = arith.select %eq3A_85, %broadcast_in_dim3A_89, %broadcast_in_dim3A_90 : vector<128x60xi1>, vector<128x60xf32>
      %add3A_92 = arith.addf %add3A_82, %select_n3A_91 : vector<128x60xf32>
      %eq3A_93 = arith.constant 6 : i32
      %eq3A_94 = vector.broadcast %eq3A_93 : i32 to vector<128x60xi32>
      %eq3A_95 = arith.cmpi eq, %sub3A, %eq3A_94 : vector<128x60xi32>
      %slice3A_96 = vector.extract_strided_slice %get3A_30 {offsets = [0, 6], sizes = [1, 1], strides = [1, 1]} : vector<1x10xf32> to vector<1x1xf32>
      %jit3A_97 = arith.constant 0.000000e+00 : f32
      %broadcast_in_dim3A_98 = vector.shape_cast %slice3A_96 : vector<1x1xf32> to vector<1x1xf32>
      %broadcast_in_dim3A_99 = vector.broadcast %broadcast_in_dim3A_98 : vector<1x1xf32> to vector<128x60xf32>
      %broadcast_in_dim3A_100 = vector.broadcast %jit3A_97 : f32 to vector<128x60xf32>
      %select_n3A_101 = arith.select %eq3A_95, %broadcast_in_dim3A_99, %broadcast_in_dim3A_100 : vector<128x60xi1>, vector<128x60xf32>
      %add3A_102 = arith.addf %add3A_92, %select_n3A_101 : vector<128x60xf32>
      %eq3A_103 = arith.constant 7 : i32
      %eq3A_104 = vector.broadcast %eq3A_103 : i32 to vector<128x60xi32>
      %eq3A_105 = arith.cmpi eq, %sub3A, %eq3A_104 : vector<128x60xi32>
      %slice3A_106 = vector.extract_strided_slice %get3A_30 {offsets = [0, 7], sizes = [1, 1], strides = [1, 1]} : vector<1x10xf32> to vector<1x1xf32>
      %jit3A_107 = arith.constant 0.000000e+00 : f32
      %broadcast_in_dim3A_108 = vector.shape_cast %slice3A_106 : vector<1x1xf32> to vector<1x1xf32>
      %broadcast_in_dim3A_109 = vector.broadcast %broadcast_in_dim3A_108 : vector<1x1xf32> to vector<128x60xf32>
      %broadcast_in_dim3A_110 = vector.broadcast %jit3A_107 : f32 to vector<128x60xf32>
      %select_n3A_111 = arith.select %eq3A_105, %broadcast_in_dim3A_109, %broadcast_in_dim3A_110 : vector<128x60xi1>, vector<128x60xf32>
      %add3A_112 = arith.addf %add3A_102, %select_n3A_111 : vector<128x60xf32>
      %eq3A_113 = arith.constant 8 : i32
      %eq3A_114 = vector.broadcast %eq3A_113 : i32 to vector<128x60xi32>
      %eq3A_115 = arith.cmpi eq, %sub3A, %eq3A_114 : vector<128x60xi32>
      %slice3A_116 = vector.extract_strided_slice %get3A_30 {offsets = [0, 8], sizes = [1, 1], strides = [1, 1]} : vector<1x10xf32> to vector<1x1xf32>
      %jit3A_117 = arith.constant 0.000000e+00 : f32
      %broadcast_in_dim3A_118 = vector.shape_cast %slice3A_116 : vector<1x1xf32> to vector<1x1xf32>
      %broadcast_in_dim3A_119 = vector.broadcast %broadcast_in_dim3A_118 : vector<1x1xf32> to vector<128x60xf32>
      %broadcast_in_dim3A_120 = vector.broadcast %jit3A_117 : f32 to vector<128x60xf32>
      %select_n3A_121 = arith.select %eq3A_115, %broadcast_in_dim3A_119, %broadcast_in_dim3A_120 : vector<128x60xi1>, vector<128x60xf32>
      %add3A_122 = arith.addf %add3A_112, %select_n3A_121 : vector<128x60xf32>
      %eq3A_123 = arith.constant 9 : i32
      %eq3A_124 = vector.broadcast %eq3A_123 : i32 to vector<128x60xi32>
      %eq3A_125 = arith.cmpi eq, %sub3A, %eq3A_124 : vector<128x60xi32>
      %slice3A_126 = vector.extract_strided_slice %get3A_30 {offsets = [0, 9], sizes = [1, 1], strides = [1, 1]} : vector<1x10xf32> to vector<1x1xf32>
      %jit3A_127 = arith.constant 0.000000e+00 : f32
      %broadcast_in_dim3A_128 = vector.shape_cast %slice3A_126 : vector<1x1xf32> to vector<1x1xf32>
      %broadcast_in_dim3A_129 = vector.broadcast %broadcast_in_dim3A_128 : vector<1x1xf32> to vector<128x60xf32>
      %broadcast_in_dim3A_130 = vector.broadcast %jit3A_127 : f32 to vector<128x60xf32>
      %select_n3A_131 = arith.select %eq3A_125, %broadcast_in_dim3A_129, %broadcast_in_dim3A_130 : vector<128x60xi1>, vector<128x60xf32>
      %add3A_132 = arith.addf %add3A_122, %select_n3A_131 : vector<128x60xf32>
      %iota3A_133 = tpu.iota {dimensions = array<i32: 0>} : vector<60x26xi32>
      %iota3A_134 = tpu.iota {dimensions = array<i32: 1>} : vector<60x26xi32>
      %mul3A_135 = arith.constant 2 : i32
      %mul3A_136 = vector.broadcast %mul3A_135 : i32 to vector<60x26xi32>
      %mul3A_137 = arith.muli %mul3A_136, %iota3A_134 : vector<60x26xi32>
      %sub3A_138 = arith.subi %iota3A_133, %mul3A_137 : vector<60x26xi32>
      %broadcast_in_dim3A_139 = arith.constant 0.000000e+00 : f32
      %broadcast_in_dim3A_140 = vector.broadcast %broadcast_in_dim3A_139 : f32 to vector<60x26xf32>
      %eq3A_141 = arith.constant 0 : i32
      %eq3A_142 = vector.broadcast %eq3A_141 : i32 to vector<60x26xi32>
      %eq3A_143 = arith.cmpi eq, %sub3A_138, %eq3A_142 : vector<60x26xi32>
      %slice3A_144 = vector.extract_strided_slice %get3A_30 {offsets = [0, 0], sizes = [1, 1], strides = [1, 1]} : vector<1x10xf32> to vector<1x1xf32>
      %jit3A_145 = arith.constant 0.000000e+00 : f32
      %broadcast_in_dim3A_146 = vector.shape_cast %slice3A_144 : vector<1x1xf32> to vector<1x1xf32>
      %broadcast_in_dim3A_147 = vector.broadcast %broadcast_in_dim3A_146 : vector<1x1xf32> to vector<60x26xf32>
      %broadcast_in_dim3A_148 = vector.broadcast %jit3A_145 : f32 to vector<60x26xf32>
      %select_n3A_149 = arith.select %eq3A_143, %broadcast_in_dim3A_147, %broadcast_in_dim3A_148 : vector<60x26xi1>, vector<60x26xf32>
      %add3A_150 = arith.addf %broadcast_in_dim3A_140, %select_n3A_149 : vector<60x26xf32>
      %eq3A_151 = arith.constant 1 : i32
      %eq3A_152 = vector.broadcast %eq3A_151 : i32 to vector<60x26xi32>
      %eq3A_153 = arith.cmpi eq, %sub3A_138, %eq3A_152 : vector<60x26xi32>
      %slice3A_154 = vector.extract_strided_slice %get3A_30 {offsets = [0, 1], sizes = [1, 1], strides = [1, 1]} : vector<1x10xf32> to vector<1x1xf32>
      %jit3A_155 = arith.constant 0.000000e+00 : f32
      %broadcast_in_dim3A_156 = vector.shape_cast %slice3A_154 : vector<1x1xf32> to vector<1x1xf32>
      %broadcast_in_dim3A_157 = vector.broadcast %broadcast_in_dim3A_156 : vector<1x1xf32> to vector<60x26xf32>
      %broadcast_in_dim3A_158 = vector.broadcast %jit3A_155 : f32 to vector<60x26xf32>
      %select_n3A_159 = arith.select %eq3A_153, %broadcast_in_dim3A_157, %broadcast_in_dim3A_158 : vector<60x26xi1>, vector<60x26xf32>
      %add3A_160 = arith.addf %add3A_150, %select_n3A_159 : vector<60x26xf32>
      %eq3A_161 = arith.constant 2 : i32
      %eq3A_162 = vector.broadcast %eq3A_161 : i32 to vector<60x26xi32>
      %eq3A_163 = arith.cmpi eq, %sub3A_138, %eq3A_162 : vector<60x26xi32>
      %slice3A_164 = vector.extract_strided_slice %get3A_30 {offsets = [0, 2], sizes = [1, 1], strides = [1, 1]} : vector<1x10xf32> to vector<1x1xf32>
      %jit3A_165 = arith.constant 0.000000e+00 : f32
      %broadcast_in_dim3A_166 = vector.shape_cast %slice3A_164 : vector<1x1xf32> to vector<1x1xf32>
      %broadcast_in_dim3A_167 = vector.broadcast %broadcast_in_dim3A_166 : vector<1x1xf32> to vector<60x26xf32>
      %broadcast_in_dim3A_168 = vector.broadcast %jit3A_165 : f32 to vector<60x26xf32>
      %select_n3A_169 = arith.select %eq3A_163, %broadcast_in_dim3A_167, %broadcast_in_dim3A_168 : vector<60x26xi1>, vector<60x26xf32>
      %add3A_170 = arith.addf %add3A_160, %select_n3A_169 : vector<60x26xf32>
      %eq3A_171 = arith.constant 3 : i32
      %eq3A_172 = vector.broadcast %eq3A_171 : i32 to vector<60x26xi32>
      %eq3A_173 = arith.cmpi eq, %sub3A_138, %eq3A_172 : vector<60x26xi32>
      %slice3A_174 = vector.extract_strided_slice %get3A_30 {offsets = [0, 3], sizes = [1, 1], strides = [1, 1]} : vector<1x10xf32> to vector<1x1xf32>
      %jit3A_175 = arith.constant 0.000000e+00 : f32
      %broadcast_in_dim3A_176 = vector.shape_cast %slice3A_174 : vector<1x1xf32> to vector<1x1xf32>
      %broadcast_in_dim3A_177 = vector.broadcast %broadcast_in_dim3A_176 : vector<1x1xf32> to vector<60x26xf32>
      %broadcast_in_dim3A_178 = vector.broadcast %jit3A_175 : f32 to vector<60x26xf32>
      %select_n3A_179 = arith.select %eq3A_173, %broadcast_in_dim3A_177, %broadcast_in_dim3A_178 : vector<60x26xi1>, vector<60x26xf32>
      %add3A_180 = arith.addf %add3A_170, %select_n3A_179 : vector<60x26xf32>
      %eq3A_181 = arith.constant 4 : i32
      %eq3A_182 = vector.broadcast %eq3A_181 : i32 to vector<60x26xi32>
      %eq3A_183 = arith.cmpi eq, %sub3A_138, %eq3A_182 : vector<60x26xi32>
      %slice3A_184 = vector.extract_strided_slice %get3A_30 {offsets = [0, 4], sizes = [1, 1], strides = [1, 1]} : vector<1x10xf32> to vector<1x1xf32>
      %jit3A_185 = arith.constant 0.000000e+00 : f32
      %broadcast_in_dim3A_186 = vector.shape_cast %slice3A_184 : vector<1x1xf32> to vector<1x1xf32>
      %broadcast_in_dim3A_187 = vector.broadcast %broadcast_in_dim3A_186 : vector<1x1xf32> to vector<60x26xf32>
      %broadcast_in_dim3A_188 = vector.broadcast %jit3A_185 : f32 to vector<60x26xf32>
      %select_n3A_189 = arith.select %eq3A_183, %broadcast_in_dim3A_187, %broadcast_in_dim3A_188 : vector<60x26xi1>, vector<60x26xf32>
      %add3A_190 = arith.addf %add3A_180, %select_n3A_189 : vector<60x26xf32>
      %eq3A_191 = arith.constant 5 : i32
      %eq3A_192 = vector.broadcast %eq3A_191 : i32 to vector<60x26xi32>
      %eq3A_193 = arith.cmpi eq, %sub3A_138, %eq3A_192 : vector<60x26xi32>
      %slice3A_194 = vector.extract_strided_slice %get3A_30 {offsets = [0, 5], sizes = [1, 1], strides = [1, 1]} : vector<1x10xf32> to vector<1x1xf32>
      %jit3A_195 = arith.constant 0.000000e+00 : f32
      %broadcast_in_dim3A_196 = vector.shape_cast %slice3A_194 : vector<1x1xf32> to vector<1x1xf32>
      %broadcast_in_dim3A_197 = vector.broadcast %broadcast_in_dim3A_196 : vector<1x1xf32> to vector<60x26xf32>
      %broadcast_in_dim3A_198 = vector.broadcast %jit3A_195 : f32 to vector<60x26xf32>
      %select_n3A_199 = arith.select %eq3A_193, %broadcast_in_dim3A_197, %broadcast_in_dim3A_198 : vector<60x26xi1>, vector<60x26xf32>
      %add3A_200 = arith.addf %add3A_190, %select_n3A_199 : vector<60x26xf32>
      %eq3A_201 = arith.constant 6 : i32
      %eq3A_202 = vector.broadcast %eq3A_201 : i32 to vector<60x26xi32>
      %eq3A_203 = arith.cmpi eq, %sub3A_138, %eq3A_202 : vector<60x26xi32>
      %slice3A_204 = vector.extract_strided_slice %get3A_30 {offsets = [0, 6], sizes = [1, 1], strides = [1, 1]} : vector<1x10xf32> to vector<1x1xf32>
      %jit3A_205 = arith.constant 0.000000e+00 : f32
      %broadcast_in_dim3A_206 = vector.shape_cast %slice3A_204 : vector<1x1xf32> to vector<1x1xf32>
      %broadcast_in_dim3A_207 = vector.broadcast %broadcast_in_dim3A_206 : vector<1x1xf32> to vector<60x26xf32>
      %broadcast_in_dim3A_208 = vector.broadcast %jit3A_205 : f32 to vector<60x26xf32>
      %select_n3A_209 = arith.select %eq3A_203, %broadcast_in_dim3A_207, %broadcast_in_dim3A_208 : vector<60x26xi1>, vector<60x26xf32>
      %add3A_210 = arith.addf %add3A_200, %select_n3A_209 : vector<60x26xf32>
      %eq3A_211 = arith.constant 7 : i32
      %eq3A_212 = vector.broadcast %eq3A_211 : i32 to vector<60x26xi32>
      %eq3A_213 = arith.cmpi eq, %sub3A_138, %eq3A_212 : vector<60x26xi32>
      %slice3A_214 = vector.extract_strided_slice %get3A_30 {offsets = [0, 7], sizes = [1, 1], strides = [1, 1]} : vector<1x10xf32> to vector<1x1xf32>
      %jit3A_215 = arith.constant 0.000000e+00 : f32
      %broadcast_in_dim3A_216 = vector.shape_cast %slice3A_214 : vector<1x1xf32> to vector<1x1xf32>
      %broadcast_in_dim3A_217 = vector.broadcast %broadcast_in_dim3A_216 : vector<1x1xf32> to vector<60x26xf32>
      %broadcast_in_dim3A_218 = vector.broadcast %jit3A_215 : f32 to vector<60x26xf32>
      %select_n3A_219 = arith.select %eq3A_213, %broadcast_in_dim3A_217, %broadcast_in_dim3A_218 : vector<60x26xi1>, vector<60x26xf32>
      %add3A_220 = arith.addf %add3A_210, %select_n3A_219 : vector<60x26xf32>
      %eq3A_221 = arith.constant 8 : i32
      %eq3A_222 = vector.broadcast %eq3A_221 : i32 to vector<60x26xi32>
      %eq3A_223 = arith.cmpi eq, %sub3A_138, %eq3A_222 : vector<60x26xi32>
      %slice3A_224 = vector.extract_strided_slice %get3A_30 {offsets = [0, 8], sizes = [1, 1], strides = [1, 1]} : vector<1x10xf32> to vector<1x1xf32>
      %jit3A_225 = arith.constant 0.000000e+00 : f32
      %broadcast_in_dim3A_226 = vector.shape_cast %slice3A_224 : vector<1x1xf32> to vector<1x1xf32>
      %broadcast_in_dim3A_227 = vector.broadcast %broadcast_in_dim3A_226 : vector<1x1xf32> to vector<60x26xf32>
      %broadcast_in_dim3A_228 = vector.broadcast %jit3A_225 : f32 to vector<60x26xf32>
      %select_n3A_229 = arith.select %eq3A_223, %broadcast_in_dim3A_227, %broadcast_in_dim3A_228 : vector<60x26xi1>, vector<60x26xf32>
      %add3A_230 = arith.addf %add3A_220, %select_n3A_229 : vector<60x26xf32>
      %eq3A_231 = arith.constant 9 : i32
      %eq3A_232 = vector.broadcast %eq3A_231 : i32 to vector<60x26xi32>
      %eq3A_233 = arith.cmpi eq, %sub3A_138, %eq3A_232 : vector<60x26xi32>
      %slice3A_234 = vector.extract_strided_slice %get3A_30 {offsets = [0, 9], sizes = [1, 1], strides = [1, 1]} : vector<1x10xf32> to vector<1x1xf32>
      %jit3A_235 = arith.constant 0.000000e+00 : f32
      %broadcast_in_dim3A_236 = vector.shape_cast %slice3A_234 : vector<1x1xf32> to vector<1x1xf32>
      %broadcast_in_dim3A_237 = vector.broadcast %broadcast_in_dim3A_236 : vector<1x1xf32> to vector<60x26xf32>
      %broadcast_in_dim3A_238 = vector.broadcast %jit3A_235 : f32 to vector<60x26xf32>
      %select_n3A_239 = arith.select %eq3A_233, %broadcast_in_dim3A_237, %broadcast_in_dim3A_238 : vector<60x26xi1>, vector<60x26xf32>
      %add3A_240 = arith.addf %add3A_230, %select_n3A_239 : vector<60x26xf32>
      %iota3A_241 = tpu.iota {dimensions = array<i32: 0>} : vector<26x9xi32>
      %iota3A_242 = tpu.iota {dimensions = array<i32: 1>} : vector<26x9xi32>
      %mul3A_243 = arith.constant 2 : i32
      %mul3A_244 = vector.broadcast %mul3A_243 : i32 to vector<26x9xi32>
      %mul3A_245 = arith.muli %mul3A_244, %iota3A_242 : vector<26x9xi32>
      %sub3A_246 = arith.subi %iota3A_241, %mul3A_245 : vector<26x9xi32>
      %broadcast_in_dim3A_247 = arith.constant 0.000000e+00 : f32
      %broadcast_in_dim3A_248 = vector.broadcast %broadcast_in_dim3A_247 : f32 to vector<26x9xf32>
      %eq3A_249 = arith.constant 0 : i32
      %eq3A_250 = vector.broadcast %eq3A_249 : i32 to vector<26x9xi32>
      %eq3A_251 = arith.cmpi eq, %sub3A_246, %eq3A_250 : vector<26x9xi32>
      %slice3A_252 = vector.extract_strided_slice %get3A_30 {offsets = [0, 0], sizes = [1, 1], strides = [1, 1]} : vector<1x10xf32> to vector<1x1xf32>
      %jit3A_253 = arith.constant 0.000000e+00 : f32
      %broadcast_in_dim3A_254 = vector.shape_cast %slice3A_252 : vector<1x1xf32> to vector<1x1xf32>
      %broadcast_in_dim3A_255 = vector.broadcast %broadcast_in_dim3A_254 : vector<1x1xf32> to vector<26x9xf32>
      %broadcast_in_dim3A_256 = vector.broadcast %jit3A_253 : f32 to vector<26x9xf32>
      %select_n3A_257 = arith.select %eq3A_251, %broadcast_in_dim3A_255, %broadcast_in_dim3A_256 : vector<26x9xi1>, vector<26x9xf32>
      %add3A_258 = arith.addf %broadcast_in_dim3A_248, %select_n3A_257 : vector<26x9xf32>
      %eq3A_259 = arith.constant 1 : i32
      %eq3A_260 = vector.broadcast %eq3A_259 : i32 to vector<26x9xi32>
      %eq3A_261 = arith.cmpi eq, %sub3A_246, %eq3A_260 : vector<26x9xi32>
      %slice3A_262 = vector.extract_strided_slice %get3A_30 {offsets = [0, 1], sizes = [1, 1], strides = [1, 1]} : vector<1x10xf32> to vector<1x1xf32>
      %jit3A_263 = arith.constant 0.000000e+00 : f32
      %broadcast_in_dim3A_264 = vector.shape_cast %slice3A_262 : vector<1x1xf32> to vector<1x1xf32>
      %broadcast_in_dim3A_265 = vector.broadcast %broadcast_in_dim3A_264 : vector<1x1xf32> to vector<26x9xf32>
      %broadcast_in_dim3A_266 = vector.broadcast %jit3A_263 : f32 to vector<26x9xf32>
      %select_n3A_267 = arith.select %eq3A_261, %broadcast_in_dim3A_265, %broadcast_in_dim3A_266 : vector<26x9xi1>, vector<26x9xf32>
      %add3A_268 = arith.addf %add3A_258, %select_n3A_267 : vector<26x9xf32>
      %eq3A_269 = arith.constant 2 : i32
      %eq3A_270 = vector.broadcast %eq3A_269 : i32 to vector<26x9xi32>
      %eq3A_271 = arith.cmpi eq, %sub3A_246, %eq3A_270 : vector<26x9xi32>
      %slice3A_272 = vector.extract_strided_slice %get3A_30 {offsets = [0, 2], sizes = [1, 1], strides = [1, 1]} : vector<1x10xf32> to vector<1x1xf32>
      %jit3A_273 = arith.constant 0.000000e+00 : f32
      %broadcast_in_dim3A_274 = vector.shape_cast %slice3A_272 : vector<1x1xf32> to vector<1x1xf32>
      %broadcast_in_dim3A_275 = vector.broadcast %broadcast_in_dim3A_274 : vector<1x1xf32> to vector<26x9xf32>
      %broadcast_in_dim3A_276 = vector.broadcast %jit3A_273 : f32 to vector<26x9xf32>
      %select_n3A_277 = arith.select %eq3A_271, %broadcast_in_dim3A_275, %broadcast_in_dim3A_276 : vector<26x9xi1>, vector<26x9xf32>
      %add3A_278 = arith.addf %add3A_268, %select_n3A_277 : vector<26x9xf32>
      %eq3A_279 = arith.constant 3 : i32
      %eq3A_280 = vector.broadcast %eq3A_279 : i32 to vector<26x9xi32>
      %eq3A_281 = arith.cmpi eq, %sub3A_246, %eq3A_280 : vector<26x9xi32>
      %slice3A_282 = vector.extract_strided_slice %get3A_30 {offsets = [0, 3], sizes = [1, 1], strides = [1, 1]} : vector<1x10xf32> to vector<1x1xf32>
      %jit3A_283 = arith.constant 0.000000e+00 : f32
      %broadcast_in_dim3A_284 = vector.shape_cast %slice3A_282 : vector<1x1xf32> to vector<1x1xf32>
      %broadcast_in_dim3A_285 = vector.broadcast %broadcast_in_dim3A_284 : vector<1x1xf32> to vector<26x9xf32>
      %broadcast_in_dim3A_286 = vector.broadcast %jit3A_283 : f32 to vector<26x9xf32>
      %select_n3A_287 = arith.select %eq3A_281, %broadcast_in_dim3A_285, %broadcast_in_dim3A_286 : vector<26x9xi1>, vector<26x9xf32>
      %add3A_288 = arith.addf %add3A_278, %select_n3A_287 : vector<26x9xf32>
      %eq3A_289 = arith.constant 4 : i32
      %eq3A_290 = vector.broadcast %eq3A_289 : i32 to vector<26x9xi32>
      %eq3A_291 = arith.cmpi eq, %sub3A_246, %eq3A_290 : vector<26x9xi32>
      %slice3A_292 = vector.extract_strided_slice %get3A_30 {offsets = [0, 4], sizes = [1, 1], strides = [1, 1]} : vector<1x10xf32> to vector<1x1xf32>
      %jit3A_293 = arith.constant 0.000000e+00 : f32
      %broadcast_in_dim3A_294 = vector.shape_cast %slice3A_292 : vector<1x1xf32> to vector<1x1xf32>
      %broadcast_in_dim3A_295 = vector.broadcast %broadcast_in_dim3A_294 : vector<1x1xf32> to vector<26x9xf32>
      %broadcast_in_dim3A_296 = vector.broadcast %jit3A_293 : f32 to vector<26x9xf32>
      %select_n3A_297 = arith.select %eq3A_291, %broadcast_in_dim3A_295, %broadcast_in_dim3A_296 : vector<26x9xi1>, vector<26x9xf32>
      %add3A_298 = arith.addf %add3A_288, %select_n3A_297 : vector<26x9xf32>
      %eq3A_299 = arith.constant 5 : i32
      %eq3A_300 = vector.broadcast %eq3A_299 : i32 to vector<26x9xi32>
      %eq3A_301 = arith.cmpi eq, %sub3A_246, %eq3A_300 : vector<26x9xi32>
      %slice3A_302 = vector.extract_strided_slice %get3A_30 {offsets = [0, 5], sizes = [1, 1], strides = [1, 1]} : vector<1x10xf32> to vector<1x1xf32>
      %jit3A_303 = arith.constant 0.000000e+00 : f32
      %broadcast_in_dim3A_304 = vector.shape_cast %slice3A_302 : vector<1x1xf32> to vector<1x1xf32>
      %broadcast_in_dim3A_305 = vector.broadcast %broadcast_in_dim3A_304 : vector<1x1xf32> to vector<26x9xf32>
      %broadcast_in_dim3A_306 = vector.broadcast %jit3A_303 : f32 to vector<26x9xf32>
      %select_n3A_307 = arith.select %eq3A_301, %broadcast_in_dim3A_305, %broadcast_in_dim3A_306 : vector<26x9xi1>, vector<26x9xf32>
      %add3A_308 = arith.addf %add3A_298, %select_n3A_307 : vector<26x9xf32>
      %eq3A_309 = arith.constant 6 : i32
      %eq3A_310 = vector.broadcast %eq3A_309 : i32 to vector<26x9xi32>
      %eq3A_311 = arith.cmpi eq, %sub3A_246, %eq3A_310 : vector<26x9xi32>
      %slice3A_312 = vector.extract_strided_slice %get3A_30 {offsets = [0, 6], sizes = [1, 1], strides = [1, 1]} : vector<1x10xf32> to vector<1x1xf32>
      %jit3A_313 = arith.constant 0.000000e+00 : f32
      %broadcast_in_dim3A_314 = vector.shape_cast %slice3A_312 : vector<1x1xf32> to vector<1x1xf32>
      %broadcast_in_dim3A_315 = vector.broadcast %broadcast_in_dim3A_314 : vector<1x1xf32> to vector<26x9xf32>
      %broadcast_in_dim3A_316 = vector.broadcast %jit3A_313 : f32 to vector<26x9xf32>
      %select_n3A_317 = arith.select %eq3A_311, %broadcast_in_dim3A_315, %broadcast_in_dim3A_316 : vector<26x9xi1>, vector<26x9xf32>
      %add3A_318 = arith.addf %add3A_308, %select_n3A_317 : vector<26x9xf32>
      %eq3A_319 = arith.constant 7 : i32
      %eq3A_320 = vector.broadcast %eq3A_319 : i32 to vector<26x9xi32>
      %eq3A_321 = arith.cmpi eq, %sub3A_246, %eq3A_320 : vector<26x9xi32>
      %slice3A_322 = vector.extract_strided_slice %get3A_30 {offsets = [0, 7], sizes = [1, 1], strides = [1, 1]} : vector<1x10xf32> to vector<1x1xf32>
      %jit3A_323 = arith.constant 0.000000e+00 : f32
      %broadcast_in_dim3A_324 = vector.shape_cast %slice3A_322 : vector<1x1xf32> to vector<1x1xf32>
      %broadcast_in_dim3A_325 = vector.broadcast %broadcast_in_dim3A_324 : vector<1x1xf32> to vector<26x9xf32>
      %broadcast_in_dim3A_326 = vector.broadcast %jit3A_323 : f32 to vector<26x9xf32>
      %select_n3A_327 = arith.select %eq3A_321, %broadcast_in_dim3A_325, %broadcast_in_dim3A_326 : vector<26x9xi1>, vector<26x9xf32>
      %add3A_328 = arith.addf %add3A_318, %select_n3A_327 : vector<26x9xf32>
      %eq3A_329 = arith.constant 8 : i32
      %eq3A_330 = vector.broadcast %eq3A_329 : i32 to vector<26x9xi32>
      %eq3A_331 = arith.cmpi eq, %sub3A_246, %eq3A_330 : vector<26x9xi32>
      %slice3A_332 = vector.extract_strided_slice %get3A_30 {offsets = [0, 8], sizes = [1, 1], strides = [1, 1]} : vector<1x10xf32> to vector<1x1xf32>
      %jit3A_333 = arith.constant 0.000000e+00 : f32
      %broadcast_in_dim3A_334 = vector.shape_cast %slice3A_332 : vector<1x1xf32> to vector<1x1xf32>
      %broadcast_in_dim3A_335 = vector.broadcast %broadcast_in_dim3A_334 : vector<1x1xf32> to vector<26x9xf32>
      %broadcast_in_dim3A_336 = vector.broadcast %jit3A_333 : f32 to vector<26x9xf32>
      %select_n3A_337 = arith.select %eq3A_331, %broadcast_in_dim3A_335, %broadcast_in_dim3A_336 : vector<26x9xi1>, vector<26x9xf32>
      %add3A_338 = arith.addf %add3A_328, %select_n3A_337 : vector<26x9xf32>
      %eq3A_339 = arith.constant 9 : i32
      %eq3A_340 = vector.broadcast %eq3A_339 : i32 to vector<26x9xi32>
      %eq3A_341 = arith.cmpi eq, %sub3A_246, %eq3A_340 : vector<26x9xi32>
      %slice3A_342 = vector.extract_strided_slice %get3A_30 {offsets = [0, 9], sizes = [1, 1], strides = [1, 1]} : vector<1x10xf32> to vector<1x1xf32>
      %jit3A_343 = arith.constant 0.000000e+00 : f32
      %broadcast_in_dim3A_344 = vector.shape_cast %slice3A_342 : vector<1x1xf32> to vector<1x1xf32>
      %broadcast_in_dim3A_345 = vector.broadcast %broadcast_in_dim3A_344 : vector<1x1xf32> to vector<26x9xf32>
      %broadcast_in_dim3A_346 = vector.broadcast %jit3A_343 : f32 to vector<26x9xf32>
      %select_n3A_347 = arith.select %eq3A_341, %broadcast_in_dim3A_345, %broadcast_in_dim3A_346 : vector<26x9xi1>, vector<26x9xf32>
      %add3A_348 = arith.addf %add3A_338, %select_n3A_347 : vector<26x9xf32>
      %dot_general3A_349 = arith.constant dense<0.000000e+00> : vector<128x26xf32>
      %dot_general3A_350 = tpu.matmul %add3A_132, %add3A_240, %dot_general3A_349 {dimension_numbers = #tpu.dot_dimension_numbers<[1], [0], [0], [1], [0, 0, 1, 1], [], []>, transpose_lhs_hint = false} : vector<128x60xf32>, vector<60x26xf32>, vector<128x26xf32> -> vector<128x26xf32>
      %dot_general3A_351 = arith.constant dense<0.000000e+00> : vector<128x9xf32>
      %dot_general3A_352 = tpu.matmul %dot_general3A_350, %add3A_348, %dot_general3A_351 {dimension_numbers = #tpu.dot_dimension_numbers<[1], [0], [0], [1], [0, 0, 1, 1], [], []>, transpose_lhs_hint = false} : vector<128x26xf32>, vector<26x9xf32>, vector<128x9xf32> -> vector<128x9xf32>
      %get3A_353 = arith.constant 0 : index
      %get3A_354 = arith.constant 0 : index
      %get3A_355 = vector.load %arg6[%get3A_353, %get3A_354] : memref<9x64xf32, #tpu.memory_space<vmem>>, vector<9x64xf32>
      %dot_general3A_356 = arith.constant dense<0.000000e+00> : vector<128x64xf32>
      %dot_general3A_357 = tpu.matmul %dot_general3A_352, %get3A_355, %dot_general3A_356 {dimension_numbers = #tpu.dot_dimension_numbers<[1], [0], [0], [1], [0, 0, 1, 1], [], []>, transpose_lhs_hint = false} : vector<128x9xf32>, vector<9x64xf32>, vector<128x64xf32> -> vector<128x64xf32>
      %swap3A_358 = arith.constant 0 : index
      %swap3A_359 = arith.constant 0 : index
      %swap3A_360 = vector.load %arg9[%swap3A_358, %swap3A_359] : memref<128x64xf32, #tpu.memory_space<vmem>>, vector<128x64xf32>
      tpu.vector_store %arg9[%swap3A_358, %swap3A_359], %dot_general3A_357 {strides = array<i32>} : memref<128x64xf32, #tpu.memory_space<vmem>>, vector<128x64xf32>,
      %reduce_sum3A = vector.shape_cast %get3A_30 : vector<1x10xf32> to vector<1x1x10xf32>
      %reduce_sum3A_361 = arith.constant dense<0.000000e+00> : vector<1xf32>
      %reduce_sum3A_362 = vector.multi_reduction <add>, %reduce_sum3A, %reduce_sum3A_361 [1, 2] : vector<1x1x10xf32> to vector<1xf32>
      %reduce_sum3A_363 = vector.shape_cast %reduce_sum3A_362 : vector<1xf32> to vector<1x1x1xf32>
      %reduce_sum3A_364 = vector.extract %reduce_sum3A_363[0, 0, 0] : f32 from vector<1x1x1xf32>
      %broadcast_in_dim3A_365 = vector.broadcast %reduce_sum3A_364 : f32 to vector<1x1xf32>
      %get3A_366 = arith.constant 0 : index
      %get3A_367 = arith.constant 0 : index
      %get3A_368 = vector.load %arg5[%get3A_366, %get3A_367] : memref<1x1xf32, #tpu.memory_space<vmem>>, vector<1x1xf32>
      %mul3A_369 = arith.mulf %broadcast_in_dim3A_365, %broadcast_in_dim3A_365 : vector<1x1xf32>
      %add3A_370 = arith.addf %mul3A_369, %broadcast_in_dim3A_365 : vector<1x1xf32>
      %add3A_371 = arith.constant 1.000000e+00 : f32
      %add3A_372 = vector.broadcast %add3A_371 : f32 to vector<1x1xf32>
      %add3A_373 = arith.addf %add3A_370, %add3A_372 : vector<1x1xf32>
      %mul3A_374 = arith.mulf %get3A_368, %add3A_373 : vector<1x1xf32>
      %get3A_375 = arith.constant 0 : index
      %get3A_376 = arith.constant 0 : index
      %get3A_377 = vector.load %arg6[%get3A_375, %get3A_376] : memref<9x64xf32, #tpu.memory_space<vmem>>, vector<9x64xf32>
      %reduce_sum3A_378 = arith.constant dense<0.000000e+00> : vector<64xf32>
      %reduce_sum3A_379 = vector.multi_reduction <add>, %get3A_377, %reduce_sum3A_378 [0] : vector<9x64xf32> to vector<64xf32>
      %broadcast_in_dim3A_380 = vector.shape_cast %reduce_sum3A_379 : vector<64xf32> to vector<1x64xf32>
      %mul3A_381 = vector.broadcast %mul3A_374 : vector<1x1xf32> to vector<1x64xf32>
      %mul3A_382 = arith.mulf %mul3A_381, %broadcast_in_dim3A_380 : vector<1x64xf32>
      %swap3A_383 = arith.constant 0 : index
      %swap3A_384 = arith.constant 0 : index
      %swap3A_385 = vector.load %arg10[%swap3A_383, %swap3A_384] : memref<1x64xf32, #tpu.memory_space<vmem>>, vector<1x64xf32>
      tpu.vector_store %arg10[%swap3A_383, %swap3A_384], %mul3A_382 {strides = array<i32>} : memref<1x64xf32, #tpu.memory_space<vmem>>, vector<1x64xf32>,
    } else {
    }
    %get3A = arith.constant 0 : index
    %get3A_2 = arith.constant 0 : index
    %get3A_3 = vector.load %arg2[%get3A, %get3A_2] : memref<2000x16xf32, #tpu.memory_space<vmem>>, vector<2000x1xf32>
    %get3A_4 = arith.constant 0 : index
    %get3A_5 = arith.constant 0 : index
    %get3A_6 = vector.load %arg3[%get3A_4, %get3A_5] : memref<2000x16xf32, #tpu.memory_space<vmem>>, vector<2000x1xf32>
    %add3A = arith.addf %get3A_3, %get3A_6 : vector<2000x1xf32>
    %add3A_7 = arith.constant 1.000000e+00 : f32
    %add3A_8 = vector.broadcast %add3A_7 : f32 to vector<2000x1xf32>
    %add3A_9 = arith.addf %add3A, %add3A_8 : vector<2000x1xf32>
    %rsqrt3A = math.rsqrt %add3A_9 : vector<2000x1xf32>
    %swap3A = arith.constant 0 : index
    %swap3A_10 = arith.constant 0 : index
    %swap3A_11 = vector.load %arg8[%swap3A, %swap3A_10] : memref<2000x1xf32, #tpu.memory_space<vmem>>, vector<2000x1xf32>
    tpu.vector_store %arg8[%swap3A, %swap3A_10], %rsqrt3A {strides = array<i32>} : memref<2000x1xf32, #tpu.memory_space<vmem>>, vector<2000x1xf32>,
    %get3A_12 = arith.constant 0 : index
    %get3A_13 = arith.constant 0 : index
    %get3A_14 = vector.load %arg1[%get3A_12, %get3A_13] : memref<2000x128xf32, #tpu.memory_space<vmem>>, vector<2000x128xf32>
    %get3A_15 = arith.constant 0 : index
    %get3A_16 = arith.constant 0 : index
    %get3A_17 = vector.load %arg9[%get3A_15, %get3A_16] : memref<128x64xf32, #tpu.memory_space<vmem>>, vector<128x64xf32>
    %dot_general3A = arith.constant dense<0.000000e+00> : vector<2000x64xf32>
    %dot_general3A_18 = tpu.matmul %get3A_14, %get3A_17, %dot_general3A {dimension_numbers = #tpu.dot_dimension_numbers<[1], [0], [0], [1], [0, 0, 1, 1], [], []>, transpose_lhs_hint = false} : vector<2000x128xf32>, vector<128x64xf32>, vector<2000x64xf32> -> vector<2000x64xf32>
    %get3A_19 = arith.constant 0 : index
    %get3A_20 = arith.constant 0 : index
    %get3A_21 = vector.load %arg10[%get3A_19, %get3A_20] : memref<1x64xf32, #tpu.memory_space<vmem>>, vector<1x64xf32>
    %add3A_22 = vector.broadcast %get3A_21 : vector<1x64xf32> to vector<2000x64xf32>
    %add3A_23 = arith.addf %dot_general3A_18, %add3A_22 : vector<2000x64xf32>
    %mul3A = vector.broadcast %rsqrt3A : vector<2000x1xf32> to vector<2000x64xf32>
    %mul3A_24 = arith.mulf %mul3A, %add3A_23 : vector<2000x64xf32>
    %swap3A_25 = arith.constant 0 : index
    %swap3A_26 = arith.constant 0 : index
    %swap3A_27 = vector.load %arg7[%swap3A_25, %swap3A_26] : memref<2000x64xf32, #tpu.memory_space<vmem>>, vector<2000x64xf32>
    tpu.vector_store %arg7[%swap3A_25, %swap3A_26], %mul3A_24 {strides = array<i32>} : memref<2000x64xf32, #tpu.memory_space<vmem>>, vector<2000x64xf32>,
    return
  }
  func.func @transform_0(%arg0: i32) -> (i32, i32) {
    %c0_i32 = arith.constant 0 : i32
    %c0_i32_0 = arith.constant 0 : i32
    return %arg0, %c0_i32 : i32, i32
  }
  func.func @transform_1(%arg0: i32) -> (i32, i32) {
    %c0_i32 = arith.constant 0 : i32
    %c0_i32_0 = arith.constant 0 : i32
    return %arg0, %c0_i32 : i32, i32
  }
  func.func @transform_2(%arg0: i32) -> (i32, i32) {
    %add3A = arith.constant 5 : i32
    %add3A_0 = arith.addi %arg0, %add3A : i32
    %c0_i32 = arith.constant 0 : i32
    %c0_i32_1 = arith.constant 0 : i32
    return %add3A_0, %c0_i32 : i32, i32
  }
  func.func @transform_3(%arg0: i32) -> (i32, i32) {
    %c0_i32 = arith.constant 0 : i32
    %c0_i32_0 = arith.constant 0 : i32
    %c0_i32_1 = arith.constant 0 : i32
    return %c0_i32, %c0_i32_0 : i32, i32
  }
  func.func @transform_4(%arg0: i32) -> (i32, i32) {
    %c0_i32 = arith.constant 0 : i32
    %c0_i32_0 = arith.constant 0 : i32
    %c0_i32_1 = arith.constant 0 : i32
    return %c0_i32, %c0_i32_0 : i32, i32
  }
  func.func @transform_5(%arg0: i32) -> (i32, i32) {
    %c0_i32 = arith.constant 0 : i32
    %c0_i32_0 = arith.constant 0 : i32
    %c0_i32_1 = arith.constant 0 : i32
    return %c0_i32, %c0_i32_0 : i32, i32
  }
  func.func @transform_6(%arg0: i32) -> (i32, i32) {
    %c0_i32 = arith.constant 0 : i32
    %c0_i32_0 = arith.constant 0 : i32
    return %arg0, %c0_i32 : i32, i32
  }
  func.func @transform_7(%arg0: i32) -> (i32, i32) {
    %c0_i32 = arith.constant 0 : i32
    %c0_i32_0 = arith.constant 0 : i32
    return %arg0, %c0_i32 : i32, i32
  }
}

module attributes {stable_mosaic.version = 14 : i64} {
  func.func @body(%arg0: i32, %arg1: memref<2000x128xf32, #tpu.memory_space<vmem>>, %arg2: memref<2000x64xf32, #tpu.memory_space<vmem>>, %arg3: memref<2000x1xf32, #tpu.memory_space<vmem>>, %arg4: memref<1x64xf32, #tpu.memory_space<vmem>>, %arg5: memref<64x64xf32, #tpu.memory_space<vmem>>, %arg6: memref<2000x64xf32, #tpu.memory_space<vmem>>) attributes {dimension_semantics = [#tpu.dimension_semantics<arbitrary>], iteration_bounds = array<i64: 5>, scalar_prefetch = 0 : i64, scratch_operands = 0 : i64, tpu.core_type = #tpu.core_type<tc>, window_params = [{transform_indices = @transform_0, window_bounds = array<i64: 2000, 128>}, {transform_indices = @transform_1, window_bounds = array<i64: 2000, 64>}, {transform_indices = @transform_2, window_bounds = array<i64: 2000, 1>}, {pipeline_mode = #tpu.pipeline_mode<synchronous>, transform_indices = @transform_3, window_bounds = array<i64: 1, 64>}, {pipeline_mode = #tpu.pipeline_mode<synchronous>, transform_indices = @transform_4, window_bounds = array<i64: 64, 64>}, {transform_indices = @transform_5, window_bounds = array<i64: 2000, 64>}]} {
    %get3A = arith.constant 0 : index
    %get3A_0 = arith.constant 0 : index
    %get3A_1 = vector.load %arg3[%get3A, %get3A_0] : memref<2000x1xf32, #tpu.memory_space<vmem>>, vector<2000x1xf32>
    %get3A_2 = arith.constant 0 : index
    %get3A_3 = arith.constant 0 : index
    %get3A_4 = vector.load %arg1[%get3A_2, %get3A_3] : memref<2000x128xf32, #tpu.memory_space<vmem>>, vector<2000x64xf32>
    %get3A_5 = arith.constant 0 : index
    %get3A_6 = arith.constant 64 : index
    %get3A_7 = vector.load %arg1[%get3A_5, %get3A_6] : memref<2000x128xf32, #tpu.memory_space<vmem>>, vector<2000x64xf32>
    %add3A = arith.addf %get3A_4, %get3A_7 : vector<2000x64xf32>
    %get3A_8 = arith.constant 0 : index
    %get3A_9 = arith.constant 0 : index
    %get3A_10 = vector.load %arg2[%get3A_8, %get3A_9] : memref<2000x64xf32, #tpu.memory_space<vmem>>, vector<2000x64xf32>
    %sub3A = arith.subf %add3A, %get3A_10 : vector<2000x64xf32>
    %mul3A = vector.broadcast %get3A_1 : vector<2000x1xf32> to vector<2000x64xf32>
    %mul3A_11 = arith.mulf %mul3A, %sub3A : vector<2000x64xf32>
    %get3A_12 = arith.constant 0 : index
    %get3A_13 = arith.constant 0 : index
    %get3A_14 = vector.load %arg4[%get3A_12, %get3A_13] : memref<1x64xf32, #tpu.memory_space<vmem>>, vector<1x64xf32>
    %add3A_15 = vector.broadcast %get3A_14 : vector<1x64xf32> to vector<2000x64xf32>
    %add3A_16 = arith.addf %mul3A_11, %add3A_15 : vector<2000x64xf32>
    %max3A = arith.constant 0.000000e+00 : f32
    %max3A_17 = vector.broadcast %max3A : f32 to vector<2000x64xf32>
    %max3A_18 = arith.maximumf %add3A_16, %max3A_17 : vector<2000x64xf32>
    %get3A_19 = arith.constant 0 : index
    %get3A_20 = arith.constant 0 : index
    %get3A_21 = vector.load %arg5[%get3A_19, %get3A_20] : memref<64x64xf32, #tpu.memory_space<vmem>>, vector<64x64xf32>
    %dot_general3A = arith.constant dense<0.000000e+00> : vector<2000x64xf32>
    %dot_general3A_22 = tpu.matmul %max3A_18, %get3A_21, %dot_general3A {dimension_numbers = #tpu.dot_dimension_numbers<[1], [0], [0], [1], [0, 0, 1, 1], [], []>, transpose_lhs_hint = false} : vector<2000x64xf32>, vector<64x64xf32>, vector<2000x64xf32> -> vector<2000x64xf32>
    %mul3A_23 = vector.broadcast %get3A_1 : vector<2000x1xf32> to vector<2000x64xf32>
    %mul3A_24 = arith.mulf %mul3A_23, %dot_general3A_22 : vector<2000x64xf32>
    %swap3A = arith.constant 0 : index
    %swap3A_25 = arith.constant 0 : index
    %swap3A_26 = vector.load %arg6[%swap3A, %swap3A_25] : memref<2000x64xf32, #tpu.memory_space<vmem>>, vector<2000x64xf32>
    tpu.vector_store %arg6[%swap3A, %swap3A_25], %mul3A_24 {strides = array<i32>} : memref<2000x64xf32, #tpu.memory_space<vmem>>, vector<2000x64xf32>,
    return
  }
  func.func @transform_0(%arg0: i32) -> (i32, i32) {
    %c0_i32 = arith.constant 0 : i32
    %c0_i32_0 = arith.constant 0 : i32
    return %arg0, %c0_i32 : i32, i32
  }
  func.func @transform_1(%arg0: i32) -> (i32, i32) {
    %c0_i32 = arith.constant 0 : i32
    %c0_i32_0 = arith.constant 0 : i32
    return %arg0, %c0_i32 : i32, i32
  }
  func.func @transform_2(%arg0: i32) -> (i32, i32) {
    %c0_i32 = arith.constant 0 : i32
    %c0_i32_0 = arith.constant 0 : i32
    return %arg0, %c0_i32 : i32, i32
  }
  func.func @transform_3(%arg0: i32) -> (i32, i32) {
    %c0_i32 = arith.constant 0 : i32
    %c0_i32_0 = arith.constant 0 : i32
    %c0_i32_1 = arith.constant 0 : i32
    return %c0_i32, %c0_i32_0 : i32, i32
  }
  func.func @transform_4(%arg0: i32) -> (i32, i32) {
    %c0_i32 = arith.constant 0 : i32
    %c0_i32_0 = arith.constant 0 : i32
    %c0_i32_1 = arith.constant 0 : i32
    return %c0_i32, %c0_i32_0 : i32, i32
  }
  func.func @transform_5(%arg0: i32) -> (i32, i32) {
    %c0_i32 = arith.constant 0 : i32
    %c0_i32_0 = arith.constant 0 : i32
    return %arg0, %c0_i32 : i32, i32
  }
}

module attributes {stable_mosaic.version = 14 : i64} {
  func.func @body(%arg0: i32, %arg1: memref<2000x128xf32, #tpu.memory_space<vmem>>, %arg2: memref<2000x64xf32, #tpu.memory_space<vmem>>, %arg3: memref<2000x1xf32, #tpu.memory_space<vmem>>, %arg4: memref<1x64xf32, #tpu.memory_space<vmem>>, %arg5: memref<2000x1xi32, #tpu.memory_space<vmem>>, %arg6: memref<32x64xf32, #tpu.memory_space<vmem>>, %arg7: memref<1x32xf32, #tpu.memory_space<vmem>>, %arg8: memref<1x32xf32, #tpu.memory_space<vmem>>, %arg9: memref<1x1xf32, #tpu.memory_space<vmem>>, %arg10: memref<64x1xf32, #tpu.memory_space<vmem>>, %arg11: memref<64x64xf32, #tpu.memory_space<vmem>>, %arg12: memref<64x1xf32, #tpu.memory_space<vmem>>) attributes {dimension_semantics = [#tpu.dimension_semantics<arbitrary>], iteration_bounds = array<i64: 5>, scalar_prefetch = 0 : i64, scratch_operands = 2 : i64, tpu.core_type = #tpu.core_type<tc>, window_params = [{transform_indices = @transform_0, window_bounds = array<i64: 2000, 128>}, {transform_indices = @transform_1, window_bounds = array<i64: 2000, 64>}, {transform_indices = @transform_2, window_bounds = array<i64: 2000, 1>}, {pipeline_mode = #tpu.pipeline_mode<synchronous>, transform_indices = @transform_3, window_bounds = array<i64: 1, 64>}, {transform_indices = @transform_4, window_bounds = array<i64: 2000, 1>}, {pipeline_mode = #tpu.pipeline_mode<synchronous>, transform_indices = @transform_5, window_bounds = array<i64: 32, 64>}, {pipeline_mode = #tpu.pipeline_mode<synchronous>, transform_indices = @transform_6, window_bounds = array<i64: 1, 32>}, {pipeline_mode = #tpu.pipeline_mode<synchronous>, transform_indices = @transform_7, window_bounds = array<i64: 1, 32>}, {pipeline_mode = #tpu.pipeline_mode<synchronous>, transform_indices = @transform_8, window_bounds = array<i64: 1, 1>}, {pipeline_mode = #tpu.pipeline_mode<synchronous>, transform_indices = @transform_9, window_bounds = array<i64: 64, 1>}]} {
    %get3A = arith.constant 0 : index
    %get3A_0 = arith.constant 0 : index
    %get3A_1 = vector.load %arg3[%get3A, %get3A_0] : memref<2000x1xf32, #tpu.memory_space<vmem>>, vector<2000x1xf32>
    %get3A_2 = arith.constant 0 : index
    %get3A_3 = arith.constant 0 : index
    %get3A_4 = vector.load %arg1[%get3A_2, %get3A_3] : memref<2000x128xf32, #tpu.memory_space<vmem>>, vector<2000x64xf32>
    %get3A_5 = arith.constant 0 : index
    %get3A_6 = arith.constant 64 : index
    %get3A_7 = vector.load %arg1[%get3A_5, %get3A_6] : memref<2000x128xf32, #tpu.memory_space<vmem>>, vector<2000x64xf32>
    %add3A = arith.addf %get3A_4, %get3A_7 : vector<2000x64xf32>
    %get3A_8 = arith.constant 0 : index
    %get3A_9 = arith.constant 0 : index
    %get3A_10 = vector.load %arg2[%get3A_8, %get3A_9] : memref<2000x64xf32, #tpu.memory_space<vmem>>, vector<2000x64xf32>
    %sub3A = arith.subf %add3A, %get3A_10 : vector<2000x64xf32>
    %mul3A = vector.broadcast %get3A_1 : vector<2000x1xf32> to vector<2000x64xf32>
    %mul3A_11 = arith.mulf %mul3A, %sub3A : vector<2000x64xf32>
    %get3A_12 = arith.constant 0 : index
    %get3A_13 = arith.constant 0 : index
    %get3A_14 = vector.load %arg4[%get3A_12, %get3A_13] : memref<1x64xf32, #tpu.memory_space<vmem>>, vector<1x64xf32>
    %add3A_15 = vector.broadcast %get3A_14 : vector<1x64xf32> to vector<2000x64xf32>
    %add3A_16 = arith.addf %mul3A_11, %add3A_15 : vector<2000x64xf32>
    %iota3A = tpu.iota {dimensions = array<i32: 1>} : vector<1x64xi32>
    %get3A_17 = arith.constant 0 : index
    %get3A_18 = arith.constant 0 : index
    %get3A_19 = vector.load %arg5[%get3A_17, %get3A_18] : memref<2000x1xi32, #tpu.memory_space<vmem>>, vector<2000x1xi32>
    %eq3A = vector.broadcast %get3A_19 : vector<2000x1xi32> to vector<2000x64xi32>
    %eq3A_20 = vector.broadcast %iota3A : vector<1x64xi32> to vector<2000x64xi32>
    %eq3A_21 = arith.cmpi eq, %eq3A, %eq3A_20 : vector<2000x64xi32>
    %convert_element_type3A = arith.extui %eq3A_21 : vector<2000x64xi1> to vector<2000x64xi32>
    %convert_element_type3A_22 = arith.sitofp %convert_element_type3A : vector<2000x64xi32> to vector<2000x64xf32>
    %dot_general3A = arith.constant dense<0.000000e+00> : vector<64x64xf32>
    %dot_general3A_23 = tpu.matmul %convert_element_type3A_22, %add3A_16, %dot_general3A {dimension_numbers = #tpu.dot_dimension_numbers<[0], [0], [1], [1], [0, 1, 1, 1], [], []>, transpose_lhs_hint = false} : vector<2000x64xf32>, vector<2000x64xf32>, vector<64x64xf32> -> vector<64x64xf32>
    %broadcast_in_dim3A = arith.constant 1.000000e+00 : f32
    %broadcast_in_dim3A_24 = vector.broadcast %broadcast_in_dim3A : f32 to vector<2000x1xf32>
    %dot_general3A_25 = arith.constant dense<0.000000e+00> : vector<64x1xf32>
    %dot_general3A_26 = tpu.matmul %convert_element_type3A_22, %broadcast_in_dim3A_24, %dot_general3A_25 {dimension_numbers = #tpu.dot_dimension_numbers<[0], [0], [1], [1], [0, 1, 1, 1], [], []>, transpose_lhs_hint = false} : vector<2000x64xf32>, vector<2000x1xf32>, vector<64x1xf32> -> vector<64x1xf32>
    %eq3A_27 = arith.constant 0 : i32
    %eq3A_28 = arith.cmpi eq, %arg0, %eq3A_27 : i32
    %convert_element_type3A_29 = arith.extui %eq3A_28 : i1 to i32
    %cond3A = arith.constant 0 : i32
    %cond3A_30 = arith.cmpi ne, %convert_element_type3A_29, %cond3A : i32
    scf.if %cond3A_30 {
      %swap3A = arith.constant 0 : index
      %swap3A_40 = arith.constant 0 : index
      %swap3A_41 = vector.load %arg11[%swap3A, %swap3A_40] : memref<64x64xf32, #tpu.memory_space<vmem>>, vector<64x64xf32>
      tpu.vector_store %arg11[%swap3A, %swap3A_40], %dot_general3A_23 {strides = array<i32>} : memref<64x64xf32, #tpu.memory_space<vmem>>, vector<64x64xf32>,
      %swap3A_42 = arith.constant 0 : index
      %swap3A_43 = arith.constant 0 : index
      %swap3A_44 = vector.load %arg12[%swap3A_42, %swap3A_43] : memref<64x1xf32, #tpu.memory_space<vmem>>, vector<64x1xf32>
      tpu.vector_store %arg12[%swap3A_42, %swap3A_43], %dot_general3A_26 {strides = array<i32>} : memref<64x1xf32, #tpu.memory_space<vmem>>, vector<64x1xf32>,
    } else {
    }
    %gt3A = arith.constant 0 : i32
    %gt3A_31 = arith.cmpi sgt, %arg0, %gt3A : i32
    %convert_element_type3A_32 = arith.extui %gt3A_31 : i1 to i32
    %cond3A_33 = arith.constant 0 : i32
    %cond3A_34 = arith.cmpi ne, %convert_element_type3A_32, %cond3A_33 : i32
    scf.if %cond3A_34 {
      %get3A_40 = arith.constant 0 : index
      %get3A_41 = arith.constant 0 : index
      %get3A_42 = vector.load %arg11[%get3A_40, %get3A_41] : memref<64x64xf32, #tpu.memory_space<vmem>>, vector<64x64xf32>
      %add3A_43 = arith.addf %get3A_42, %dot_general3A_23 : vector<64x64xf32>
      %swap3A = arith.constant 0 : index
      %swap3A_44 = arith.constant 0 : index
      %swap3A_45 = vector.load %arg11[%swap3A, %swap3A_44] : memref<64x64xf32, #tpu.memory_space<vmem>>, vector<64x64xf32>
      tpu.vector_store %arg11[%swap3A, %swap3A_44], %add3A_43 {strides = array<i32>} : memref<64x64xf32, #tpu.memory_space<vmem>>, vector<64x64xf32>,
      %get3A_46 = arith.constant 0 : index
      %get3A_47 = arith.constant 0 : index
      %get3A_48 = vector.load %arg12[%get3A_46, %get3A_47] : memref<64x1xf32, #tpu.memory_space<vmem>>, vector<64x1xf32>
      %add3A_49 = arith.addf %get3A_48, %dot_general3A_26 : vector<64x1xf32>
      %swap3A_50 = arith.constant 0 : index
      %swap3A_51 = arith.constant 0 : index
      %swap3A_52 = vector.load %arg12[%swap3A_50, %swap3A_51] : memref<64x1xf32, #tpu.memory_space<vmem>>, vector<64x1xf32>
      tpu.vector_store %arg12[%swap3A_50, %swap3A_51], %add3A_49 {strides = array<i32>} : memref<64x1xf32, #tpu.memory_space<vmem>>, vector<64x1xf32>,
    } else {
    }
    %eq3A_35 = arith.constant 4 : i32
    %eq3A_36 = arith.cmpi eq, %arg0, %eq3A_35 : i32
    %convert_element_type3A_37 = arith.extui %eq3A_36 : i1 to i32
    %cond3A_38 = arith.constant 0 : i32
    %cond3A_39 = arith.cmpi ne, %convert_element_type3A_37, %cond3A_38 : i32
    scf.if %cond3A_39 {
      %get3A_40 = arith.constant 0 : index
      %get3A_41 = arith.constant 0 : index
      %get3A_42 = vector.load %arg11[%get3A_40, %get3A_41] : memref<64x64xf32, #tpu.memory_space<vmem>>, vector<64x64xf32>
      %get3A_43 = arith.constant 0 : index
      %get3A_44 = arith.constant 0 : index
      %get3A_45 = vector.load %arg12[%get3A_43, %get3A_44] : memref<64x1xf32, #tpu.memory_space<vmem>>, vector<64x1xf32>
      %max3A = arith.constant 1.000000e+00 : f32
      %max3A_46 = vector.broadcast %max3A : f32 to vector<64x1xf32>
      %max3A_47 = arith.maximumf %get3A_45, %max3A_46 : vector<64x1xf32>
      %div3A = vector.broadcast %max3A_47 : vector<64x1xf32> to vector<64x64xf32>
      %div3A_48 = arith.divf %get3A_42, %div3A : vector<64x64xf32>
      %get3A_49 = arith.constant 0 : index
      %get3A_50 = arith.constant 0 : index
      %get3A_51 = vector.load %arg6[%get3A_49, %get3A_50] : memref<32x64xf32, #tpu.memory_space<vmem>>, vector<32x64xf32>
      %dot_general3A_52 = arith.constant dense<0.000000e+00> : vector<64x32xf32>
      %dot_general3A_53 = tpu.matmul %div3A_48, %get3A_51, %dot_general3A_52 {dimension_numbers = #tpu.dot_dimension_numbers<[1], [1], [0], [0], [0, 0, 1, 0], [], []>, transpose_lhs_hint = false} : vector<64x64xf32>, vector<32x64xf32>, vector<64x32xf32> -> vector<64x32xf32>
      %get3A_54 = arith.constant 0 : index
      %get3A_55 = arith.constant 0 : index
      %get3A_56 = vector.load %arg7[%get3A_54, %get3A_55] : memref<1x32xf32, #tpu.memory_space<vmem>>, vector<1x32xf32>
      %add3A_57 = vector.broadcast %get3A_56 : vector<1x32xf32> to vector<64x32xf32>
      %add3A_58 = arith.addf %dot_general3A_53, %add3A_57 : vector<64x32xf32>
      %max3A_59 = arith.constant 0.000000e+00 : f32
      %max3A_60 = vector.broadcast %max3A_59 : f32 to vector<64x32xf32>
      %max3A_61 = arith.maximumf %add3A_58, %max3A_60 : vector<64x32xf32>
      %get3A_62 = arith.constant 0 : index
      %get3A_63 = arith.constant 0 : index
      %get3A_64 = vector.load %arg8[%get3A_62, %get3A_63] : memref<1x32xf32, #tpu.memory_space<vmem>>, vector<1x32xf32>
      %mul3A_65 = vector.broadcast %get3A_64 : vector<1x32xf32> to vector<64x32xf32>
      %mul3A_66 = arith.mulf %max3A_61, %mul3A_65 : vector<64x32xf32>
      %reduce_sum3A = arith.constant dense<0.000000e+00> : vector<64xf32>
      %reduce_sum3A_67 = vector.multi_reduction <add>, %mul3A_66, %reduce_sum3A [1] : vector<64x32xf32> to vector<64xf32>
      %broadcast_in_dim3A_68 = vector.shape_cast %reduce_sum3A_67 : vector<64xf32> to vector<64x1xf32>
      %get3A_69 = arith.constant 0 : index
      %get3A_70 = arith.constant 0 : index
      %get3A_71 = vector.load %arg9[%get3A_69, %get3A_70] : memref<1x1xf32, #tpu.memory_space<vmem>>, vector<1x1xf32>
      %get3A_72 = vector.extract %get3A_71[0, 0] : f32 from vector<1x1xf32>
      %add3A_73 = vector.broadcast %get3A_72 : f32 to vector<64x1xf32>
      %add3A_74 = arith.addf %broadcast_in_dim3A_68, %add3A_73 : vector<64x1xf32>
      %logistic3A = arith.negf %add3A_74 : vector<64x1xf32>
      %logistic3A_75 = math.exp %logistic3A : vector<64x1xf32>
      %logistic3A_76 = arith.constant 1.000000e+00 : f32
      %logistic3A_77 = vector.broadcast %logistic3A_76 : f32 to vector<64x1xf32>
      %logistic3A_78 = arith.addf %logistic3A_77, %logistic3A_75 : vector<64x1xf32>
      %logistic3A_79 = arith.divf %logistic3A_77, %logistic3A_78 : vector<64x1xf32>
      %swap3A = arith.constant 0 : index
      %swap3A_80 = arith.constant 0 : index
      %swap3A_81 = vector.load %arg10[%swap3A, %swap3A_80] : memref<64x1xf32, #tpu.memory_space<vmem>>, vector<64x1xf32>
      tpu.vector_store %arg10[%swap3A, %swap3A_80], %logistic3A_79 {strides = array<i32>} : memref<64x1xf32, #tpu.memory_space<vmem>>, vector<64x1xf32>,
    } else {
    }
    return
  }
  func.func @transform_0(%arg0: i32) -> (i32, i32) {
    %c0_i32 = arith.constant 0 : i32
    %c0_i32_0 = arith.constant 0 : i32
    return %arg0, %c0_i32 : i32, i32
  }
  func.func @transform_1(%arg0: i32) -> (i32, i32) {
    %c0_i32 = arith.constant 0 : i32
    %c0_i32_0 = arith.constant 0 : i32
    return %arg0, %c0_i32 : i32, i32
  }
  func.func @transform_2(%arg0: i32) -> (i32, i32) {
    %c0_i32 = arith.constant 0 : i32
    %c0_i32_0 = arith.constant 0 : i32
    return %arg0, %c0_i32 : i32, i32
  }
  func.func @transform_3(%arg0: i32) -> (i32, i32) {
    %c0_i32 = arith.constant 0 : i32
    %c0_i32_0 = arith.constant 0 : i32
    %c0_i32_1 = arith.constant 0 : i32
    return %c0_i32, %c0_i32_0 : i32, i32
  }
  func.func @transform_4(%arg0: i32) -> (i32, i32) {
    %c0_i32 = arith.constant 0 : i32
    %c0_i32_0 = arith.constant 0 : i32
    return %arg0, %c0_i32 : i32, i32
  }
  func.func @transform_5(%arg0: i32) -> (i32, i32) {
    %c0_i32 = arith.constant 0 : i32
    %c0_i32_0 = arith.constant 0 : i32
    %c0_i32_1 = arith.constant 0 : i32
    return %c0_i32, %c0_i32_0 : i32, i32
  }
  func.func @transform_6(%arg0: i32) -> (i32, i32) {
    %c0_i32 = arith.constant 0 : i32
    %c0_i32_0 = arith.constant 0 : i32
    %c0_i32_1 = arith.constant 0 : i32
    return %c0_i32, %c0_i32_0 : i32, i32
  }
  func.func @transform_7(%arg0: i32) -> (i32, i32) {
    %c0_i32 = arith.constant 0 : i32
    %c0_i32_0 = arith.constant 0 : i32
    %c0_i32_1 = arith.constant 0 : i32
    return %c0_i32, %c0_i32_0 : i32, i32
  }
  func.func @transform_8(%arg0: i32) -> (i32, i32) {
    %c0_i32 = arith.constant 0 : i32
    %c0_i32_0 = arith.constant 0 : i32
    %c0_i32_1 = arith.constant 0 : i32
    return %c0_i32, %c0_i32_0 : i32, i32
  }
  func.func @transform_9(%arg0: i32) -> (i32, i32) {
    %c0_i32 = arith.constant 0 : i32
    %c0_i32_0 = arith.constant 0 : i32
    %c0_i32_1 = arith.constant 0 : i32
    return %c0_i32, %c0_i32_0 : i32, i32
  }
}

</mosaic_0001>

<sc_bundles>
// kernel: kernel.10.cloned.1.call-start
scs
__scs_entry_jumppad:
0x0: {  	(pc) =	sbr.rel $0x88, $3  }
0x1: {  	(tag) =	ssettag $0x0;
	lr =	simm.s32 $0x1  }
0x2: {  	[smem:$0x3F92] =	sst lr;
	_ =	strace $0xD0000000  }
0x3: {  	_ = 	snop  }
0x4: {  	_ = 	snop  }
0x5: {  	_ = 	snop  }
0x6: {  	_ = 	snop  }
0x7: {  	_ = 	snop  }
__scs_overlays_trampoline_lowered:
0x8: {  	[smem:$0x3FA1] =	sst s0  }
0x9: {  	[smem:$0x3FA2] =	sst s1  }
0xa: {  	[smem:$0x3FA3] =	sst s2  }
0xb: {  	[smem:$0x3FA4] =	sst s3  }
0xc: {  	[smem:$0x3FA5] =	sst s4  }
0xd: {  	[smem:$0x3FA6] =	sst s5  }
0xe: {  	[smem:$0x3FA7] =	sst s6  }
0xf: {  	[smem:$0x3FA8] =	sst s7  }
0x10: {  	[smem:$0x3FA9] =	sst s8  }
0x11: {  	[smem:$0x3FAA] =	sst s9;
	s0 =	simm.s32 @!p0 $0x0  }
0x12: {  	s1 =	sld [smem:$0x3F90];
	s0 =	simm.s32 @p0 $0x1  }
0x13: {  	[smem:$0x3FAB] =	sst s0;
	s0 =	simm.s32 @!p1 $0x0  }
0x14: {  	s2 =	sld [smem:$0x3F8F];
	s0 =	simm.s32 @p1 $0x1  }
0x15: {  	[smem:$0x3FAC] =	sst s0;
	s0 =	simm.s32 @!p2 $0x0  }
0x16: {  	s3 =	sld [smem:$0x3FDB];
	s0 =	simm.s32 @p2 $0x1  }
0x17: {  	s4 =	simm.s32 $0x1BF5;
	[smem:$0x3FAE] =	sst s0  }
0x18: {  	s0 =	sld [smem:$0x3F91];
	_ =	swait.ge [sflag:s4], $0x0  }
0x19: {  	s7 =	sld [smem:$0x3F92]  }
0x1a: {  	s8 =	sadd.s32 $0xFFFFE003, lr  }
0x1b: {  	s9 =	sadd.s32 $0xFFFFFEF7, lr;
	s5 =	simm.s32 $0xFFFFFFFF;
	p2 =	slt.u32 s8, $0xFFFFF086  }
0x1c: {  	p1 =	slt.u32 s9, $0xF7A;
	s5 =	simm.s32 @!p2 $0x0  }
0x1d: {  	s5 =	simm.s32 @p1 $0x1;
	p0 =	seq.s32 s7, s2  }
0x1e: {  	s7 =	smul.u32 @!p0 $0xF7A, s2;
	p2 =	seq.s32 @!p0 s5, $0x0  }
0x1f: {  	s9 =	smul.u32 $0xF7A, s1;
	s8 =	simm.s32 @!p0 $0x1BF5;
	p2 =	por !p2, p0  }
0x20: {  	[sflag:s8] =	ssyncset.s32 @!p0 $0xFFFFF086;
	s6 =	sadd.s32 @!p0 s3, s7;
	s7 =	simm.s32 @!p0 $0x108  }
0x21: {  	s3 =	sadd.s32 s3, s9;
	s6 =	sadd.s32 @!p0 $0x88, s6;
	s7 =	simm.s32 @p2 $0x1082  }
0x22: {  	[simem:s7], [sflag:s8] =	dma.local @!p0 [hbm:s6], $0xF7A  }
0x23: {  	s9 =	sor.u32 $0xD0000000, s2;
	s6 =	simm.s32 $0x108;
	_ =	swait.ge @!p0 [sflag:s8], $0x0  }
0x24: {  	s3 =	sadd.s32 $0x88, s3;
	s6 =	simm.s32 @!p1 $0x1082;
	[sflag:s4] =	ssyncset.s32 $0xFFFFF086  }
0x25: {  	[simem:s6], [sflag:s4] =	dma.local [hbm:s3], $0xF7A  }
0x26: {  	[smem:$0x3F92] =	sst s1;
	(tag) =	ssettag s2;
	_ =	strace s9  }
0x27: {  	s1 =	sld [smem:$0x3FA2]  }
0x28: {  	s2 =	sld [smem:$0x3FA3]  }
0x29: {  	s4 =	sld [smem:$0x3FA5]  }
0x2a: {  	p0 =	seq.s32 s5, $0x0;
	s5 =	sld [smem:$0x3FA6]  }
0x2b: {  	s6 =	sld [smem:$0x3FA7]  }
0x2c: {  	s7 =	sld [smem:$0x3FA8]  }
0x2d: {  	s3 =	simm.s32 $0x108;
	s8 =	sld [smem:$0x3FA9]  }
0x2e: {  	s3 =	simm.s32 @!p0 $0x1082;
	s9 =	sld [smem:$0x3FAA]  }
0x2f: {  	lr =	sadd.s32 s0, s3;
	s0 =	sld [smem:$0x3FA1]  }
0x30: {  	s3 =	sld [smem:$0x3FA4]  }
0x31: {  	[smem:$0x3FAD] =	sst s10  }
0x32: {  	s10 =	sld [smem:$0x3FAB];
	_ =	sdelay $0x3  }
0x33: {  	p0 =	seq.s32 s10, $0x1;
	s10 =	sld [smem:$0x3FAD];
	_ =	sdelay $0x3  }
0x34: {  	[smem:$0x3FAD] =	sst s10  }
0x35: {  	s10 =	sld [smem:$0x3FAC];
	_ =	sdelay $0x3  }
0x36: {  	p1 =	seq.s32 s10, $0x1;
	s10 =	sld [smem:$0x3FAD];
	_ =	sdelay $0x3  }
0x37: {  	[smem:$0x3FAD] =	sst s10  }
0x38: {  	s10 =	sld [smem:$0x3FAE]  }
0x39: {  	_ = 	snop;
	(pc) =	sbr.ind lr, $3  }
0x3a: {  	_ = 	snop  }
0x3b: {  	_ = 	snop  }
0x3c: {  	p2 =	seq.s32 s10, $0x1;
	s10 =	sld [smem:$0x3FAD]  }
0x3d: {  	_ =	shalt  }
0x3e: {  	_ =	shalt  }
0x3f: {  	_ =	shalt  }
0x40: {  	_ =	shalt  }
0x41: {  	_ =	shalt  }
0x42: {  	_ =	shalt  }
0x43: {  	_ =	shalt  }
0x44: {  	_ =	shalt  }
0x45: {  	_ =	shalt  }
0x46: {  	_ =	shalt  }
0x47: {  	_ =	shalt  }
0x48: {  	_ =	shalt  }
0x49: {  	_ =	shalt  }
0x4a: {  	_ =	shalt  }
0x4b: {  	_ =	shalt  }
0x4c: {  	_ =	shalt  }
0x4d: {  	_ =	shalt  }
0x4e: {  	_ =	shalt  }
0x4f: {  	_ =	shalt  }
0x50: {  	_ =	shalt  }
0x51: {  	_ =	shalt  }
0x52: {  	_ =	shalt  }
0x53: {  	_ =	shalt  }
0x54: {  	_ =	shalt  }
0x55: {  	_ =	shalt  }
0x56: {  	_ =	shalt  }
0x57: {  	_ =	shalt  }
0x58: {  	_ =	shalt  }
0x59: {  	_ =	shalt  }
0x5a: {  	_ =	shalt  }
0x5b: {  	_ =	shalt  }
0x5c: {  	_ =	shalt  }
0x5d: {  	_ =	shalt  }
0x5e: {  	_ =	shalt  }
0x5f: {  	_ =	shalt  }
0x60: {  	_ =	shalt  }
0x61: {  	_ =	shalt  }
0x62: {  	_ =	shalt  }
0x63: {  	_ =	shalt  }
0x64: {  	_ =	shalt  }
0x65: {  	_ =	shalt  }
0x66: {  	_ =	shalt  }
0x67: {  	_ =	shalt  }
0x68: {  	_ =	shalt  }
0x69: {  	_ =	shalt  }
0x6a: {  	_ =	shalt  }
0x6b: {  	_ =	shalt  }
0x6c: {  	_ =	shalt  }
0x6d: {  	_ =	shalt  }
0x6e: {  	_ =	shalt  }
0x6f: {  	_ =	shalt  }
0x70: {  	_ =	shalt  }
0x71: {  	_ =	shalt  }
0x72: {  	_ =	shalt  }
0x73: {  	_ =	shalt  }
0x74: {  	_ =	shalt  }
0x75: {  	_ =	shalt  }
0x76: {  	_ =	shalt  }
0x77: {  	_ =	shalt  }
0x78: {  	_ =	shalt  }
0x79: {  	_ =	shalt  }
0x7a: {  	_ =	shalt  }
0x7b: {  	_ =	shalt  }
0x7c: {  	_ =	shalt  }
0x7d: {  	_ =	shalt  }
0x7e: {  	_ =	shalt  }
0x7f: {  	_ =	shalt  }
0x80: {  	_ =	shalt  }
0x81: {  	_ =	shalt  }
0x82: {  	_ =	shalt  }
0x83: {  	_ =	shalt  }
0x84: {  	_ =	shalt  }
0x85: {  	_ =	shalt  }
0x86: {  	_ =	shalt  }
0x87: {  	_ =	shalt  }
.Lfunc_end0:
.L_simem_size_0:
called_computation_lowered:
.L_overlay_start_0:
0x88: {  	s2 =	sld [smem:$0x3FD9]  }
0x89: {  	s3 =	sld [smem:$0x3FFE];
	_ =	sdelay $0x1  }
0x8a: {  	s1 =	srdreg.scid  }
0x8b: {  	s0 =	sand.u32 $0x1, s1  }
0x8c: {  	s16 =	sshll.u32 s0, $0xA;
	s2 =	sadd.s32 s3, s2  }
0x8d: {  	s2 =	sadd.s32 s2, s16  }
0x8e: {  	[smem:$0x3FB9] =	sst s2  }
0x8f: {  	_ = 	snop  }
0x90: {  	(tm) =	ssettm $0x1  }
0x91: {  	s17 =	sld [smem:$0x3FFB];
	_ =	sdelay $0x3  }
0x92: {  	_ =	strace s17  }
0x93: {  	s2 =	sld [smem:$0x3FFC];
	_ =	sdelay $0x3  }
0x94: {  	_ =	strace s2  }
0x95: {  	s2 =	sld [smem:$0x3FFD];
	_ =	sdelay $0x3  }
0x96: {  	_ =	strace s2  }
0x97: {  	_ =	strace $0x8FFFFFFF  }
0x98: {  	s18 =	sld [smem:$0x3FDB];
	_ =	sdelay $0x1  }
0x99: {  	s19 =	simm.s32 $_scs_section_size  }
0x9a: {  	s4 =	simm.s32 $_size__tile_overlayer_lowered;
	s5 =	simm.s32 $_tile_overlayer_lowered  }
0x9b: {  	s22 =	simm.s32 $0x1BFF;
	s21 =	sshll.u32 s5, $0x1;
	s2 =	sadd.s32 s19, s18  }
0x9c: {  	s6 =	simm.s32 $0x0;
	s20 =	sshll.u32 s4, $0x1;
	s4 =	sadd.s32 s21, s2  }
0x9d: {  	[timem:s6], [sflag:s22] =	dma.local [hbm:s4], s20  }
0x9e: {  	_ =	swait.ge [sflag:s22], s20  }
0x9f: {  	s3 =	ssub.s32 $0x0, s20;
	[sflag:s22] =	ssyncset.done $0x0  }
0xa0: {  	[sflag:s22] =	ssyncadd.s32 s3;
	_ =	sdelay $0x1  }
0xa1: {  	s23 =	simm.s32 $0x1B8B  }
0xa2: {  	_ =	swait.ge [sflag:s23], $0x1  }
0xa3: {  	[sflag:s23] =	ssyncset.done $0x0  }
0xa4: {  	s25 =	simm.s32 $0x1B8E;
	s24 =	sld [smem:$0x3FFE];
	[sflag:s23] =	ssyncadd.s32 $0xFFFFFFFF  }
0xa5: {  	s26 =	simm.s32 $execute0_lowered;
	[smem:$0x3FD2] =	sst s25  }
0xa6: {  	s4 =	sshll.u32 s26, $0x1;
	_ =	strace $0x80000046;
	[dreg:$0x1] =	wrdreg $0xFFFFFFFF  }
0xa7: {  	s28 =	simm.s32 $_size_execute0_lowered;
	s2 =	sadd.s32 s2, s4;
	[dreg:$0x0] =	wrdreg $0x0  }
0xa8: {  	s4 =	sshll.u32 s28, $0x1;
	[dreg:$0x2] =	wrdreg s2  }
0xa9: {  	[dreg:$0x3] =	wrdreg s4  }
0xaa: {  	[dreg:$0x4] =	wrdreg $0xC0  }
0xab: {  	_ =	task [dreg:s6], $0x5FFFF  }
0xac: {  	[dreg:$0x1] =	wrdreg $0xFFFFFFFF  }
0xad: {  	[dreg:$0x0] =	wrdreg $0x60  }
0xae: {  	[dreg:$0x2] =	wrdreg s24  }
0xaf: {  	[dreg:$0x3] =	wrdreg $0x57100  }
0xb0: {  	[dreg:$0x4] =	wrdreg $0x9  }
0xb1: {  	_ =	task.clear_ibuf [dreg:s6], $0x5FFFF;
	_ =	strace $0x90000046  }
0xb2: {  	s29 =	simm.s32 $0x9;
	_ =	strace $0x80000048  }
0xb3: {  	_ =	swait.ge [sflag:s29], $0x1  }
0xb4: {  	[sflag:s29] =	ssyncadd.s32 $0xFFFFFFFF  }
0xb5: {  	_ =	strace $0x90000048  }
0xb6: {  	_ =	sfence  }
0xb7: {  	s30 =	sld [smem:$0x0];
	_ =	sdelay $0x2  }
0xb8: {  	s31 =	sshll.u32 s1, $0xD;
	s1 =	sshrl.u32 s1, $0x2  }
0xb9: {  	s3 =	sand.u32 $0x4000, s31;
	s1 =	sadd.s32 s1, s30  }
0xba: {  	s0 =	sor.u32 s3, s0;
	s1 =	sshll.u32 s1, $0x11  }
0xbb: {  	s0 =	sor.u32 s1, s0  }
0xbc: {  	s0 =	sadd.s32 $0x8F2B, s0  }
0xbd: {  	[sflag:s0] =	ssyncadd.remote.s32 $0x1  }
0xbe: {  	_ =	sfence.sel $0xFFFF  }
0xbf: {  	[dreg:$0x0] =	wrdreg $0xFFFFFFFF;
	(pc) =	sbr.abs _section_cstart, $3  }
0xc0: {  	[dreg:$0x1] =	wrdreg $0xFFFFFFFF  }
0xc1: {  	_ =	task.clear_ibuf [dreg:s6], $0x2FFFF;
	_ =	strace $0x9FFFFFFF  }
0xc2: {  	(tm) =	ssettm $0x7FFFFFFF  }
0xc3: {  	_ =	shalt  }
tec
execute0_lowered:
.L_overlay_start_1:
0x0: {  	(tag) =	ssettag $0x1  }
0x1: {  	s1 =	srdreg.scid  }
0x2: {  	s0 =	stileid.u32;
	s5 =	rddreg [dreg:$0x0]  }
0x3: {  	s2 =	rddreg [dreg:$0x1];
	s3 =	simm.s32 $0x0;
	s10 =	simm.s32 $0x80  }
0x4: {  	s11 =	simm.s32 $0x2800;
	s4 =	sand.u32 $0x1, s1;
	s8 =	smul.u32 $0x4E2, s0  }
0x5: {  	s28 =	sshll.u32 s0, $0x1;
	[smem:$0x7FF] =	sst s3;
	s9 =	smul.u32 $0x9C40, s0  }
0x6: {  	s12 =	sshll.u32 s0, $0x6;
	s1 =	sor.u32 s4, s28;
	s7 =	smul.u32 $0x4E20, s4  }
0x7: {  	s4 =	ssub.s32 $0x2, s4;
	s12 =	sor.u32 $0x1C01, s12;
	s6 =	smul.u32 $0x500, s1  }
0x8: {  	s1 =	rddreg [dreg:$0x2];
	_ =	strace $0x80000047;
	s29 =	sshrl.u32 s4, $0x1  }
0x9: {  	s30 =	sshrl.u32 s9, $0x2;
	s9 =	simm.s32 $0x3000;
	s7 =	sadd.s32 s8, s7  }
0xa: {  	s31 =	ssub.s32 s4, s29;
	s8 =	simm.s32 $0x1;
	s6 =	sadd.s32 s6, s5  }
0xb: {  	s7 =	sadd.s32 s7, s5;
	s5 =	sadd.s32 s30, s2;
	s4 =	sadd.s32 $0x3000, s6  }
0xc: {  	v0 =	vimm.f32 $1.000000000e+00;
	v1 =	vimm.f32 $0.0e+00;
	s6 =	sadd.s32 $0x17000, s7;
	s7 =	smax.u32 s31, $0x1;
	s13 =	sshrl.u32 s5, $0x3  }
.LBB2_1:
0xd: {  	s14 =	simm.s32 $0x40;
	s15 =	simm.s32 $0x0  }
.LBB2_2:
0xe: {  	p0 =	sne.s32 s14, $0x1FC0;
	[tilespmem:s15+$0x2800] =	vst v0;
	s15 =	smov.u32 s14;
	s14 =	sadd.s32 $0x40, s14  }
.Ltmp0:
0xf: {  	(pc) =	sbr.rel @p0 .LBB2_2-.Ltmp0, $2  }
0x10: {  	_ =	sdelay $0x2  }
0x11: {  	s15 =	sshra.s32 s15, $0x2  }
0x12: {  	[tilespmem:s15+$0x2800] =	vst v0;
	s14 =	simm.s32 $0x0  }
0x13: {  	[tilespmem:s14], [sflag:$0x1] =	stream.linear.gather [hbm4b:s4+s14], $0x2800, $0x38;
	[tilespmem:$0x8220] =	vst v63  }
0x14: {  	_ =	swait.ge [sflag:s8], $0x2800  }
0x15: {  	[sflag:s8] =	ssyncset.done $0x0  }
0x16: {  	s15 =	simm.s32 $0x0;
	s14 =	simm.s32 $0x40;
	[sflag:s8] =	ssyncadd.s32 $0xFFFFD800  }
.LBB2_4:
0x17: {  	p0 =	sne.s32 s14, $0x9C00;
	[tilespmem:s15+$0x3000] =	vst v1;
	s15 =	smov.u32 s14;
	s14 =	sadd.s32 $0x40, s14  }
.Ltmp1:
0x18: {  	(pc) =	sbr.rel @p0 .LBB2_4-.Ltmp1, $2  }
0x19: {  	_ =	sdelay $0x2  }
0x1a: {  	s15 =	sshra.s32 s15, $0x2  }
0x1b: {  	[tilespmem:s15+$0x3000] =	vst v1  }
0x1c: {  	[spmem:s5] =	stream.linear.scatter [tilespmem:s9], [sflag:$0x1], $0x2710, $0x38;
	[tilespmem:$0x8220] =	vst v63  }
0x1d: {  	_ =	swait.ge [sflag:s8], $0x2710  }
0x1e: {  	[sflag:s8] =	ssyncset.done $0x0  }
0x1f: {  	[sflag:s8] =	ssyncadd.s32 $0xFFFFD8F0  }
0x20: {  	s14 =	simm.s32 $0x0;
	[bflag:$0x0] =	sbarrier.arrive $0xFFFF  }
0x21: {  	[spmem:s2] =	stream.indirect.scatter.add.f32 [tilespmem:s11], [sflag:$0x1], $0x10, s14, s10, $0xb8;
	[tilespmem:$0x8220] =	vst v63  }
0x22: {  	_ =	swait.ge [sflag:s8], $0x800  }
0x23: {  	s14 =	simm.s32 $0x200;
	[sflag:s8] =	ssyncset.done $0x0  }
.LBB2_6:
0x24: {  	s15 =	sshra.s32 s14, $0x2;
	[sflag:s8] =	ssyncadd.s32 $0xFFFFF800;
	p0 =	sne.s32 s14, $0x9E00  }
0x25: {  	[spmem:s2] =	stream.indirect.scatter.add.f32 [tilespmem:s11], [sflag:$0x1], $0x10, s15, s10, $0xb8;
	[tilespmem:$0x8220] =	vst v63  }
.Ltmp2:
0x26: {  	_ = 	snop;
	(pc) =	sbr.rel @p0 .LBB2_6-.Ltmp2, $4  }
0x27: {  	_ = 	snop  }
0x28: {  	s14 =	sadd.s32 $0x200, s14  }
0x29: {  	_ =	swait.ge [sflag:s8], $0x800  }
0x2a: {  	[sflag:s8] =	ssyncset.done $0x0  }
0x2b: {  	s3 =	sadd.s32 $0x1, s3  }
0x2c: {  	[sflag:s8] =	ssyncadd.s32 $0xFFFFF800;
	p0 =	sne.s32 s3, s7  }
.Ltmp3:
0x2d: {  	[bflag:$0x0] =	sbarrier.arrive $0xFFFF;
	(pc) =	sbr.rel @p0 .LBB2_1-.Ltmp3, $4  }
0x2e: {  	[hbm:s6], [sflag:s12] =	dma.local [spmem:s13], $0x4E2  }
0x2f: {  	_ =	swait.ge [sflag:s8], $0x4E2  }
0x30: {  	[sflag:s8] =	ssyncset.done $0x0  }
0x31: {  	[sflag:s8] =	ssyncadd.s32 $0xFFFFFB1E  }
0x32: {  	_ =	sfence.sel $0x180000  }
0x33: {  	[bflag:$0x0] =	sbarrier.arrive $0xFFFF  }
0x34: {  	p0 =	sne.s32 s0, $0x0;
	_ =	strace $0x90000047  }
0x35: {  	s0 =	sadd.s32 @!p0 $0x100000, s1;
	[bflag:$0x2] =	sbarrier.arrive $0xFFFF  }
0x36: {  	[sflag:s0] =	ssyncadd.tile.s32 @!p0 $0x1;
	_ =	shalt  }
.Lfunc_end2:
_tile_overlayer_lowered:
.L_overlay_start_2:
0x37: {  	(tag) =	ssettag $0x2  }
0x38: {  	s0 =	rddreg [dreg:$0x0];
	s2 =	stileid.u32  }
0x39: {  	s1 =	rddreg [dreg:$0x1];
	p0 =	sne.s32 s2, $0x0  }
0x3a: {  	s3 =	rddreg [dreg:$0x2];
	[bflag:$0x3] =	sbarrier.arrive $0xFFFF;
	s2 =	simm.s32 @!p0 $0x1C01  }
0x3b: {  	[timem:s3], [sflag:s2] =	dma.local @!p0 [hbm:s0], s1  }
0x3c: {  	s0 =	simm.s32 @!p0 $0x1  }
0x3d: {  	_ =	swait.ge @!p0 [sflag:s0], s1  }
0x3e: {  	s1 =	ssub.s32 @!p0 $0x0, s1;
	[sflag:s0] =	ssyncset.done @!p0 $0x0  }
0x3f: {  	[sflag:s0] =	ssyncadd.s32 @!p0 s1  }
0x40: {  	[bflag:$0x3] =	sbarrier.arrive $0xFFFF  }
0x41: {  	_ =	shalt  }

// kernel: kernel.13.cloned.1.call-start
scs
__scs_entry_jumppad:
0x0: {  	(pc) =	sbr.rel $0x88, $3  }
0x1: {  	(tag) =	ssettag $0x0;
	lr =	simm.s32 $0x1  }
0x2: {  	[smem:$0x3F92] =	sst lr;
	_ =	strace $0xD0000000  }
0x3: {  	_ = 	snop  }
0x4: {  	_ = 	snop  }
0x5: {  	_ = 	snop  }
0x6: {  	_ = 	snop  }
0x7: {  	_ = 	snop  }
__scs_overlays_trampoline_lowered:
0x8: {  	[smem:$0x3FA1] =	sst s0  }
0x9: {  	[smem:$0x3FA2] =	sst s1  }
0xa: {  	[smem:$0x3FA3] =	sst s2  }
0xb: {  	[smem:$0x3FA4] =	sst s3  }
0xc: {  	[smem:$0x3FA5] =	sst s4  }
0xd: {  	[smem:$0x3FA6] =	sst s5  }
0xe: {  	[smem:$0x3FA7] =	sst s6  }
0xf: {  	[smem:$0x3FA8] =	sst s7  }
0x10: {  	[smem:$0x3FA9] =	sst s8  }
0x11: {  	[smem:$0x3FAA] =	sst s9;
	s0 =	simm.s32 @!p0 $0x0  }
0x12: {  	s1 =	sld [smem:$0x3F90];
	s0 =	simm.s32 @p0 $0x1  }
0x13: {  	[smem:$0x3FAB] =	sst s0;
	s0 =	simm.s32 @!p1 $0x0  }
0x14: {  	s2 =	sld [smem:$0x3F8F];
	s0 =	simm.s32 @p1 $0x1  }
0x15: {  	[smem:$0x3FAC] =	sst s0;
	s0 =	simm.s32 @!p2 $0x0  }
0x16: {  	s3 =	sld [smem:$0x3FDB];
	s0 =	simm.s32 @p2 $0x1  }
0x17: {  	s4 =	simm.s32 $0x1BF5;
	[smem:$0x3FAE] =	sst s0  }
0x18: {  	s0 =	sld [smem:$0x3F91];
	_ =	swait.ge [sflag:s4], $0x0  }
0x19: {  	s7 =	sld [smem:$0x3F92]  }
0x1a: {  	s8 =	sadd.s32 $0xFFFFE003, lr  }
0x1b: {  	s9 =	sadd.s32 $0xFFFFFEF7, lr;
	s5 =	simm.s32 $0xFFFFFFFF;
	p2 =	slt.u32 s8, $0xFFFFF086  }
0x1c: {  	p1 =	slt.u32 s9, $0xF7A;
	s5 =	simm.s32 @!p2 $0x0  }
0x1d: {  	s5 =	simm.s32 @p1 $0x1;
	p0 =	seq.s32 s7, s2  }
0x1e: {  	s7 =	smul.u32 @!p0 $0xF7A, s2;
	p2 =	seq.s32 @!p0 s5, $0x0  }
0x1f: {  	s9 =	smul.u32 $0xF7A, s1;
	s8 =	simm.s32 @!p0 $0x1BF5;
	p2 =	por !p2, p0  }
0x20: {  	[sflag:s8] =	ssyncset.s32 @!p0 $0xFFFFF086;
	s6 =	sadd.s32 @!p0 s3, s7;
	s7 =	simm.s32 @!p0 $0x108  }
0x21: {  	s3 =	sadd.s32 s3, s9;
	s6 =	sadd.s32 @!p0 $0x88, s6;
	s7 =	simm.s32 @p2 $0x1082  }
0x22: {  	[simem:s7], [sflag:s8] =	dma.local @!p0 [hbm:s6], $0xF7A  }
0x23: {  	s9 =	sor.u32 $0xD0000000, s2;
	s6 =	simm.s32 $0x108;
	_ =	swait.ge @!p0 [sflag:s8], $0x0  }
0x24: {  	s3 =	sadd.s32 $0x88, s3;
	s6 =	simm.s32 @!p1 $0x1082;
	[sflag:s4] =	ssyncset.s32 $0xFFFFF086  }
0x25: {  	[simem:s6], [sflag:s4] =	dma.local [hbm:s3], $0xF7A  }
0x26: {  	[smem:$0x3F92] =	sst s1;
	(tag) =	ssettag s2;
	_ =	strace s9  }
0x27: {  	s1 =	sld [smem:$0x3FA2]  }
0x28: {  	s2 =	sld [smem:$0x3FA3]  }
0x29: {  	s4 =	sld [smem:$0x3FA5]  }
0x2a: {  	p0 =	seq.s32 s5, $0x0;
	s5 =	sld [smem:$0x3FA6]  }
0x2b: {  	s6 =	sld [smem:$0x3FA7]  }
0x2c: {  	s7 =	sld [smem:$0x3FA8]  }
0x2d: {  	s3 =	simm.s32 $0x108;
	s8 =	sld [smem:$0x3FA9]  }
0x2e: {  	s3 =	simm.s32 @!p0 $0x1082;
	s9 =	sld [smem:$0x3FAA]  }
0x2f: {  	lr =	sadd.s32 s0, s3;
	s0 =	sld [smem:$0x3FA1]  }
0x30: {  	s3 =	sld [smem:$0x3FA4]  }
0x31: {  	[smem:$0x3FAD] =	sst s10  }
0x32: {  	s10 =	sld [smem:$0x3FAB];
	_ =	sdelay $0x3  }
0x33: {  	p0 =	seq.s32 s10, $0x1;
	s10 =	sld [smem:$0x3FAD];
	_ =	sdelay $0x3  }
0x34: {  	[smem:$0x3FAD] =	sst s10  }
0x35: {  	s10 =	sld [smem:$0x3FAC];
	_ =	sdelay $0x3  }
0x36: {  	p1 =	seq.s32 s10, $0x1;
	s10 =	sld [smem:$0x3FAD];
	_ =	sdelay $0x3  }
0x37: {  	[smem:$0x3FAD] =	sst s10  }
0x38: {  	s10 =	sld [smem:$0x3FAE]  }
0x39: {  	_ = 	snop;
	(pc) =	sbr.ind lr, $3  }
0x3a: {  	_ = 	snop  }
0x3b: {  	_ = 	snop  }
0x3c: {  	p2 =	seq.s32 s10, $0x1;
	s10 =	sld [smem:$0x3FAD]  }
0x3d: {  	_ =	shalt  }
0x3e: {  	_ =	shalt  }
0x3f: {  	_ =	shalt  }
0x40: {  	_ =	shalt  }
0x41: {  	_ =	shalt  }
0x42: {  	_ =	shalt  }
0x43: {  	_ =	shalt  }
0x44: {  	_ =	shalt  }
0x45: {  	_ =	shalt  }
0x46: {  	_ =	shalt  }
0x47: {  	_ =	shalt  }
0x48: {  	_ =	shalt  }
0x49: {  	_ =	shalt  }
0x4a: {  	_ =	shalt  }
0x4b: {  	_ =	shalt  }
0x4c: {  	_ =	shalt  }
0x4d: {  	_ =	shalt  }
0x4e: {  	_ =	shalt  }
0x4f: {  	_ =	shalt  }
0x50: {  	_ =	shalt  }
0x51: {  	_ =	shalt  }
0x52: {  	_ =	shalt  }
0x53: {  	_ =	shalt  }
0x54: {  	_ =	shalt  }
0x55: {  	_ =	shalt  }
0x56: {  	_ =	shalt  }
0x57: {  	_ =	shalt  }
0x58: {  	_ =	shalt  }
0x59: {  	_ =	shalt  }
0x5a: {  	_ =	shalt  }
0x5b: {  	_ =	shalt  }
0x5c: {  	_ =	shalt  }
0x5d: {  	_ =	shalt  }
0x5e: {  	_ =	shalt  }
0x5f: {  	_ =	shalt  }
0x60: {  	_ =	shalt  }
0x61: {  	_ =	shalt  }
0x62: {  	_ =	shalt  }
0x63: {  	_ =	shalt  }
0x64: {  	_ =	shalt  }
0x65: {  	_ =	shalt  }
0x66: {  	_ =	shalt  }
0x67: {  	_ =	shalt  }
0x68: {  	_ =	shalt  }
0x69: {  	_ =	shalt  }
0x6a: {  	_ =	shalt  }
0x6b: {  	_ =	shalt  }
0x6c: {  	_ =	shalt  }
0x6d: {  	_ =	shalt  }
0x6e: {  	_ =	shalt  }
0x6f: {  	_ =	shalt  }
0x70: {  	_ =	shalt  }
0x71: {  	_ =	shalt  }
0x72: {  	_ =	shalt  }
0x73: {  	_ =	shalt  }
0x74: {  	_ =	shalt  }
0x75: {  	_ =	shalt  }
0x76: {  	_ =	shalt  }
0x77: {  	_ =	shalt  }
0x78: {  	_ =	shalt  }
0x79: {  	_ =	shalt  }
0x7a: {  	_ =	shalt  }
0x7b: {  	_ =	shalt  }
0x7c: {  	_ =	shalt  }
0x7d: {  	_ =	shalt  }
0x7e: {  	_ =	shalt  }
0x7f: {  	_ =	shalt  }
0x80: {  	_ =	shalt  }
0x81: {  	_ =	shalt  }
0x82: {  	_ =	shalt  }
0x83: {  	_ =	shalt  }
0x84: {  	_ =	shalt  }
0x85: {  	_ =	shalt  }
0x86: {  	_ =	shalt  }
0x87: {  	_ =	shalt  }
.Lfunc_end0:
.L_simem_size_0:
called_computation.1_lowered:
.L_overlay_start_0:
0x88: {  	s2 =	sld [smem:$0x3FD9]  }
0x89: {  	s3 =	sld [smem:$0x3FFE];
	_ =	sdelay $0x1  }
0x8a: {  	s1 =	srdreg.scid  }
0x8b: {  	s0 =	sand.u32 $0x1, s1  }
0x8c: {  	s16 =	sshll.u32 s0, $0xA;
	s2 =	sadd.s32 s3, s2  }
0x8d: {  	s2 =	sadd.s32 s2, s16  }
0x8e: {  	[smem:$0x3FB9] =	sst s2  }
0x8f: {  	_ = 	snop  }
0x90: {  	(tm) =	ssettm $0x1  }
0x91: {  	s17 =	sld [smem:$0x3FFB];
	_ =	sdelay $0x3  }
0x92: {  	_ =	strace s17  }
0x93: {  	s2 =	sld [smem:$0x3FFC];
	_ =	sdelay $0x3  }
0x94: {  	_ =	strace s2  }
0x95: {  	s2 =	sld [smem:$0x3FFD];
	_ =	sdelay $0x3  }
0x96: {  	_ =	strace s2  }
0x97: {  	_ =	strace $0x8FFFFFFF  }
0x98: {  	s18 =	sld [smem:$0x3FDB];
	_ =	sdelay $0x1  }
0x99: {  	s19 =	simm.s32 $_scs_section_size  }
0x9a: {  	s4 =	simm.s32 $_size__tile_overlayer_lowered;
	s5 =	simm.s32 $_tile_overlayer_lowered  }
0x9b: {  	s22 =	simm.s32 $0x1BFF;
	s21 =	sshll.u32 s5, $0x1;
	s2 =	sadd.s32 s19, s18  }
0x9c: {  	s6 =	simm.s32 $0x0;
	s20 =	sshll.u32 s4, $0x1;
	s4 =	sadd.s32 s21, s2  }
0x9d: {  	[timem:s6], [sflag:s22] =	dma.local [hbm:s4], s20  }
0x9e: {  	_ =	swait.ge [sflag:s22], s20  }
0x9f: {  	s3 =	ssub.s32 $0x0, s20;
	[sflag:s22] =	ssyncset.done $0x0  }
0xa0: {  	[sflag:s22] =	ssyncadd.s32 s3;
	_ =	sdelay $0x1  }
0xa1: {  	s23 =	simm.s32 $0x1B8B  }
0xa2: {  	_ =	swait.ge [sflag:s23], $0x1  }
0xa3: {  	[sflag:s23] =	ssyncset.done $0x0  }
0xa4: {  	s25 =	simm.s32 $0x1B8E;
	s24 =	sld [smem:$0x3FFE];
	[sflag:s23] =	ssyncadd.s32 $0xFFFFFFFF  }
0xa5: {  	s26 =	simm.s32 $execute0_lowered;
	[smem:$0x3FD2] =	sst s25  }
0xa6: {  	s4 =	sshll.u32 s26, $0x1;
	_ =	strace $0x80000049;
	[dreg:$0x1] =	wrdreg $0xFFFFFFFF  }
0xa7: {  	s28 =	simm.s32 $_size_execute0_lowered;
	s2 =	sadd.s32 s2, s4;
	[dreg:$0x0] =	wrdreg $0x0  }
0xa8: {  	s4 =	sshll.u32 s28, $0x1;
	[dreg:$0x2] =	wrdreg s2  }
0xa9: {  	[dreg:$0x3] =	wrdreg s4  }
0xaa: {  	[dreg:$0x4] =	wrdreg $0xC0  }
0xab: {  	_ =	task [dreg:s6], $0x5FFFF  }
0xac: {  	[dreg:$0x1] =	wrdreg $0xFFFFFFFF  }
0xad: {  	[dreg:$0x0] =	wrdreg $0x60  }
0xae: {  	[dreg:$0x2] =	wrdreg s24  }
0xaf: {  	[dreg:$0x3] =	wrdreg $0xF0000  }
0xb0: {  	[dreg:$0x4] =	wrdreg $0x9  }
0xb1: {  	_ =	task.clear_ibuf [dreg:s6], $0x5FFFF;
	_ =	strace $0x90000049  }
0xb2: {  	s29 =	simm.s32 $0x9;
	_ =	strace $0x8000004B  }
0xb3: {  	_ =	swait.ge [sflag:s29], $0x1  }
0xb4: {  	[sflag:s29] =	ssyncadd.s32 $0xFFFFFFFF  }
0xb5: {  	_ =	strace $0x9000004B  }
0xb6: {  	_ =	sfence  }
0xb7: {  	s30 =	sld [smem:$0x0];
	_ =	sdelay $0x2  }
0xb8: {  	s31 =	sshll.u32 s1, $0xD;
	s1 =	sshrl.u32 s1, $0x2  }
0xb9: {  	s3 =	sand.u32 $0x4000, s31;
	s1 =	sadd.s32 s1, s30  }
0xba: {  	s0 =	sor.u32 s3, s0;
	s1 =	sshll.u32 s1, $0x11  }
0xbb: {  	s0 =	sor.u32 s1, s0  }
0xbc: {  	s0 =	sadd.s32 $0x8F2B, s0  }
0xbd: {  	[sflag:s0] =	ssyncadd.remote.s32 $0x1  }
0xbe: {  	_ =	sfence.sel $0xFFFF  }
0xbf: {  	[dreg:$0x0] =	wrdreg $0xFFFFFFFF;
	(pc) =	sbr.abs _section_cstart, $3  }
0xc0: {  	[dreg:$0x1] =	wrdreg $0xFFFFFFFF  }
0xc1: {  	_ =	task.clear_ibuf [dreg:s6], $0x2FFFF;
	_ =	strace $0x9FFFFFFF  }
0xc2: {  	(tm) =	ssettm $0x7FFFFFFF  }
0xc3: {  	_ =	shalt  }
tec
execute0_lowered:
.L_overlay_start_1:
0x0: {  	(tag) =	ssettag $0x1  }
0x1: {  	s0 =	rddreg [dreg:$0x0]  }
0x2: {  	s2 =	rddreg [dreg:$0x1]  }
0x3: {  	s1 =	srdreg.scid;
	s10 =	stileid.u32;
	s3 =	simm.s32 $0x0  }
0x4: {  	s14 =	simm.s32 $0x80;
	s15 =	simm.s32 $0x5000;
	s16 =	simm.s32 $0x7000  }
0x5: {  	s18 =	simm.s32 $0x9000;
	s20 =	simm.s32 $0xB000;
	s22 =	simm.s32 $0xD000  }
0x6: {  	s28 =	simm.s32 $0x4E00;
	s29 =	simm.s32 $0x4E80;
	s30 =	simm.s32 $0x4F00  }
0x7: {  	s31 =	simm.s32 $0x4F80;
	s1 =	sand.u32 $0x1, s1;
	s5 =	smul.u32 $0x13880, s10  }
0x8: {  	s4 =	sshll.u32 s10, $0x1;
	[smem:$0x7FF] =	sst s3;
	s24 =	smul.u32 $0x9C40, s10  }
0x9: {  	s9 =	smul.u32 $0x27100, s10;
	s26 =	sshll.u32 s10, $0x6;
	s10 =	simm.s32 $0x3  }
0xa: {  	s4 =	sor.u32 s1, s4;
	s7 =	sshll.u32 s1, $0x6;
	_ =	strace $0x8000004A  }
0xb: {  	s1 =	ssub.s32 $0x2, s1;
	s12 =	sor.u32 $0x1C03, s26;
	s26 =	simm.s32 $0x4D80  }
0xc: {  	s6 =	smul.u32 $0x500, s4;
	s4 =	sadd.s32 $0x17000, s0;
	s5 =	sor.u32 s7, s5  }
0xd: {  	s23 =	sshrl.u32 s1, $0x1;
	s11 =	sadd.s32 s24, s2;
	s7 =	sshrl.u32 s24, $0x3  }
0xe: {  	s25 =	sshrl.u32 s9, $0x2;
	s24 =	simm.s32 $0x2;
	s5 =	sshrl.u32 s5, $0x3  }
0xf: {  	s1 =	ssub.s32 s1, s23;
	s7 =	sadd.s32 s4, s7;
	s13 =	sshrl.u32 s11, $0x3  }
0x10: {  	s23 =	simm.s32 $0x1;
	s11 =	simm.s32 $0x0;
	s6 =	sadd.s32 s6, s0  }
0x11: {  	s0 =	sadd.s32 s5, s0;
	s9 =	smax.u32 s1, $0x1;
	s1 =	simm.s32 $0x8  }
0x12: {  	s5 =	sadd.s32 $0xD000, s6;
	s8 =	sadd.s32 $0x2AA00, s0;
	s0 =	sadd.s32 s25, s2  }
0x13: {  	s6 =	sadd.s32 $0x3000, s6;
	s25 =	sshrl.u32 s0, $0x3;
	s0 =	simm.s32 $0x10  }
.LBB2_1:
0x14: {  	[tilespmem:s3], [sflag:$0x3] =	stream.linear.gather [hbm4b:s5+s3], $0x2800, $0x38;
	[tilespmem:$0x19C40] =	vst v63  }
0x15: {  	_ =	swait.ge [sflag:s10], $0x2800  }
0x16: {  	[sflag:s10] =	ssyncset.done $0x0  }
0x17: {  	s17 =	simm.s32 $0x2800;
	[sflag:s10] =	ssyncadd.s32 $0xFFFFD800  }
0x18: {  	[tilespmem:s17], [sflag:$0x3] =	stream.linear.gather [hbm4b:s6+s3], $0x2800, $0x38;
	[tilespmem:$0x19C40] =	vst v63  }
0x19: {  	_ =	swait.ge [sflag:s10], $0x2800  }
0x1a: {  	[sflag:s10] =	ssyncset.done $0x0  }
0x1b: {  	[sflag:s10] =	ssyncadd.s32 $0xFFFFD800  }
0x1c: {  	[spmem:s13], [sflag:s12] =	dma.local [hbm:s7], $0x1388  }
0x1d: {  	_ =	swait.ge [sflag:s10], $0x1388  }
0x1e: {  	[sflag:s10] =	ssyncset.done $0x0  }
0x1f: {  	[sflag:s10] =	ssyncadd.s32 $0xFFFFEC78  }
0x20: {  	[bflag:$0x0] =	sbarrier.arrive $0xFFFF  }
0x21: {  	[tilespmem:s15], [sflag:$0x1] =	stream.indirect.gather [hbm4b:s4+s14], $0x40, s3, s14, $0xb8;
	[tilespmem:$0x19C40] =	vst v63  }
0x22: {  	_ = 	snop  }
0x23: {  	[tilespmem:s16], [sflag:$0x1] =	stream.indirect.gather [hbm4b:s4+s14], $0x40, s14, s14, $0xb8;
	[tilespmem:$0x19C40] =	vst v63  }
0x24: {  	s19 =	simm.s32 $0x100  }
0x25: {  	[tilespmem:s18], [sflag:$0x1] =	stream.indirect.gather [hbm4b:s4+s14], $0x40, s19, s14, $0xb8;
	[tilespmem:$0x19C40] =	vst v63  }
0x26: {  	s21 =	simm.s32 $0x180  }
0x27: {  	[tilespmem:s20], [sflag:$0x1] =	stream.indirect.gather [hbm4b:s4+s14], $0x40, s21, s14, $0xb8;
	[tilespmem:$0x19C40] =	vst v63  }
0x28: {  	s19 =	simm.s32 $0x200  }
0x29: {  	[tilespmem:s22], [sflag:$0x1] =	stream.indirect.gather [hbm4b:s4+s14], $0x40, s19, s14, $0xb8;
	[tilespmem:$0x19C40] =	vst v63  }
0x2a: {  	_ =	swait.ge [sflag:s23], $0x2000  }
0x2b: {  	[sflag:s23] =	ssyncset.done $0x0  }
0x2c: {  	s21 =	simm.s32 $0x2800;
	[sflag:s23] =	ssyncadd.s32 $0xFFFFE000  }
0x2d: {  	[spmem:s2] =	stream.indirect.scatter.add.f32 [tilespmem:s15], [sflag:$0x2], $0x40, s21, s14, $0xb8;
	[tilespmem:$0x19C40] =	vst v63  }
0x2e: {  	_ =	swait.ge [sflag:s23], $0x2000  }
0x2f: {  	[sflag:s23] =	ssyncset.done $0x0  }
0x30: {  	s19 =	simm.s32 $0x2880;
	[sflag:s23] =	ssyncadd.s32 $0xFFFFE000  }
0x31: {  	[spmem:s2] =	stream.indirect.scatter.add.f32 [tilespmem:s16], [sflag:$0x2], $0x40, s19, s14, $0xb8;
	[tilespmem:$0x19C40] =	vst v63  }
0x32: {  	_ =	swait.ge [sflag:s23], $0x2000  }
0x33: {  	[sflag:s23] =	ssyncset.done $0x0  }
0x34: {  	s21 =	simm.s32 $0x2900;
	[sflag:s23] =	ssyncadd.s32 $0xFFFFE000  }
0x35: {  	[spmem:s2] =	stream.indirect.scatter.add.f32 [tilespmem:s18], [sflag:$0x2], $0x40, s21, s14, $0xb8;
	[tilespmem:$0x19C40] =	vst v63  }
0x36: {  	_ =	swait.ge [sflag:s23], $0x2000  }
0x37: {  	[sflag:s23] =	ssyncset.done $0x0  }
0x38: {  	s19 =	simm.s32 $0x2980;
	[sflag:s23] =	ssyncadd.s32 $0xFFFFE000  }
0x39: {  	[spmem:s2] =	stream.indirect.scatter.add.f32 [tilespmem:s20], [sflag:$0x2], $0x40, s19, s14, $0xb8;
	[tilespmem:$0x19C40] =	vst v63  }
0x3a: {  	_ =	swait.ge [sflag:s23], $0x2000  }
0x3b: {  	[sflag:s23] =	ssyncset.done $0x0  }
0x3c: {  	s21 =	simm.s32 $0x2A00;
	[sflag:s23] =	ssyncadd.s32 $0xFFFFE000  }
0x3d: {  	[spmem:s2] =	stream.indirect.scatter.add.f32 [tilespmem:s22], [sflag:$0x2], $0x40, s21, s14, $0xb8;
	[tilespmem:$0x19C40] =	vst v63  }
0x3e: {  	_ =	swait.ge [sflag:s24], $0x2000  }
0x3f: {  	[sflag:s24] =	ssyncset.done $0x0  }
0x40: {  	s19 =	simm.s32 $0x280;
	[sflag:s24] =	ssyncadd.s32 $0xFFFFE000  }
0x41: {  	[tilespmem:s15], [sflag:$0x1] =	stream.indirect.gather [hbm4b:s4+s14], $0x40, s19, s14, $0xb8;
	[tilespmem:$0x19C40] =	vst v63  }
0x42: {  	_ =	swait.ge [sflag:s24], $0x2000  }
0x43: {  	[sflag:s24] =	ssyncset.done $0x0  }
0x44: {  	s21 =	simm.s32 $0x300;
	[sflag:s24] =	ssyncadd.s32 $0xFFFFE000  }
0x45: {  	[tilespmem:s16], [sflag:$0x1] =	stream.indirect.gather [hbm4b:s4+s14], $0x40, s21, s14, $0xb8;
	[tilespmem:$0x19C40] =	vst v63  }
0x46: {  	_ =	swait.ge [sflag:s24], $0x2000  }
0x47: {  	[sflag:s24] =	ssyncset.done $0x0  }
0x48: {  	s19 =	simm.s32 $0x380;
	[sflag:s24] =	ssyncadd.s32 $0xFFFFE000  }
0x49: {  	[tilespmem:s18], [sflag:$0x1] =	stream.indirect.gather [hbm4b:s4+s14], $0x40, s19, s14, $0xb8;
	[tilespmem:$0x19C40] =	vst v63  }
0x4a: {  	_ =	swait.ge [sflag:s24], $0x2000  }
0x4b: {  	[sflag:s24] =	ssyncset.done $0x0  }
0x4c: {  	s21 =	simm.s32 $0x400;
	[sflag:s24] =	ssyncadd.s32 $0xFFFFE000  }
0x4d: {  	[tilespmem:s20], [sflag:$0x1] =	stream.indirect.gather [hbm4b:s4+s14], $0x40, s21, s14, $0xb8;
	[tilespmem:$0x19C40] =	vst v63  }
0x4e: {  	_ =	swait.ge [sflag:s24], $0x2000  }
0x4f: {  	[sflag:s24] =	ssyncset.done $0x0  }
0x50: {  	s17 =	simm.s32 $0xA00;
	s19 =	simm.s32 $0x480;
	[sflag:s24] =	ssyncadd.s32 $0xFFFFE000  }
.LBB2_2:
0x51: {  	[tilespmem:s22], [sflag:$0x1] =	stream.indirect.gather [hbm4b:s4+s14], $0x40, s19, s14, $0xb8;
	[tilespmem:$0x19C40] =	vst v63  }
0x52: {  	s19 =	smov.u32 s17  }
0x53: {  	p0 =	sne.s32 s17, $0x8C00;
	s17 =	sadd.s32 $0xA00, s17;
	_ =	swait.ge [sflag:s23], $0x2000  }
0x54: {  	s19 =	sshra.s32 s19, $0x2;
	[sflag:s23] =	ssyncset.done $0x0  }
0x55: {  	s21 =	sadd.s32 $0x2800, s19;
	[sflag:s23] =	ssyncadd.s32 $0xFFFFE000  }
0x56: {  	[spmem:s2] =	stream.indirect.scatter.add.f32 [tilespmem:s15], [sflag:$0x2], $0x40, s21, s14, $0xb8;
	[tilespmem:$0x19C40] =	vst v63  }
0x57: {  	_ =	swait.ge [sflag:s23], $0x2000  }
0x58: {  	[sflag:s23] =	ssyncset.done $0x0  }
0x59: {  	s21 =	sadd.s32 $0x2880, s19;
	[sflag:s23] =	ssyncadd.s32 $0xFFFFE000  }
0x5a: {  	[spmem:s2] =	stream.indirect.scatter.add.f32 [tilespmem:s16], [sflag:$0x2], $0x40, s21, s14, $0xb8;
	[tilespmem:$0x19C40] =	vst v63  }
0x5b: {  	_ =	swait.ge [sflag:s23], $0x2000  }
0x5c: {  	[sflag:s23] =	ssyncset.done $0x0  }
0x5d: {  	s21 =	sadd.s32 $0x2900, s19;
	[sflag:s23] =	ssyncadd.s32 $0xFFFFE000  }
0x5e: {  	[spmem:s2] =	stream.indirect.scatter.add.f32 [tilespmem:s18], [sflag:$0x2], $0x40, s21, s14, $0xb8;
	[tilespmem:$0x19C40] =	vst v63  }
0x5f: {  	_ =	swait.ge [sflag:s23], $0x2000  }
0x60: {  	[sflag:s23] =	ssyncset.done $0x0  }
0x61: {  	s21 =	sadd.s32 $0x2980, s19;
	[sflag:s23] =	ssyncadd.s32 $0xFFFFE000  }
0x62: {  	[spmem:s2] =	stream.indirect.scatter.add.f32 [tilespmem:s20], [sflag:$0x2], $0x40, s21, s14, $0xb8;
	[tilespmem:$0x19C40] =	vst v63  }
0x63: {  	_ =	swait.ge [sflag:s23], $0x2000  }
0x64: {  	[sflag:s23] =	ssyncset.done $0x0  }
0x65: {  	s21 =	sadd.s32 $0x2A00, s19;
	[sflag:s23] =	ssyncadd.s32 $0xFFFFE000  }
0x66: {  	[spmem:s2] =	stream.indirect.scatter.add.f32 [tilespmem:s22], [sflag:$0x2], $0x40, s21, s14, $0xb8;
	[tilespmem:$0x19C40] =	vst v63  }
0x67: {  	_ =	swait.ge [sflag:s24], $0x2000  }
0x68: {  	[sflag:s24] =	ssyncset.done $0x0  }
0x69: {  	s21 =	sadd.s32 $0x280, s19;
	[sflag:s24] =	ssyncadd.s32 $0xFFFFE000  }
0x6a: {  	[tilespmem:s15], [sflag:$0x1] =	stream.indirect.gather [hbm4b:s4+s14], $0x40, s21, s14, $0xb8;
	[tilespmem:$0x19C40] =	vst v63  }
0x6b: {  	_ =	swait.ge [sflag:s24], $0x2000  }
0x6c: {  	[sflag:s24] =	ssyncset.done $0x0  }
0x6d: {  	s21 =	sadd.s32 $0x300, s19;
	[sflag:s24] =	ssyncadd.s32 $0xFFFFE000  }
0x6e: {  	[tilespmem:s16], [sflag:$0x1] =	stream.indirect.gather [hbm4b:s4+s14], $0x40, s21, s14, $0xb8;
	[tilespmem:$0x19C40] =	vst v63  }
0x6f: {  	_ =	swait.ge [sflag:s24], $0x2000  }
0x70: {  	[sflag:s24] =	ssyncset.done $0x0  }
0x71: {  	s21 =	sadd.s32 $0x380, s19;
	[sflag:s24] =	ssyncadd.s32 $0xFFFFE000  }
0x72: {  	[tilespmem:s18], [sflag:$0x1] =	stream.indirect.gather [hbm4b:s4+s14], $0x40, s21, s14, $0xb8;
	[tilespmem:$0x19C40] =	vst v63  }
0x73: {  	_ =	swait.ge [sflag:s24], $0x2000  }
0x74: {  	[sflag:s24] =	ssyncset.done $0x0  }
.Ltmp0:
0x75: {  	s21 =	sadd.s32 $0x400, s19;
	[sflag:s24] =	ssyncadd.s32 $0xFFFFE000;
	(pc) =	sbr.rel @p0 .LBB2_2-.Ltmp0, $4  }
0x76: {  	[tilespmem:s20], [sflag:$0x1] =	stream.indirect.gather [hbm4b:s4+s14], $0x40, s21, s14, $0xb8;
	[tilespmem:$0x19C40] =	vst v63  }
0x77: {  	_ =	swait.ge [sflag:s24], $0x2000  }
0x78: {  	[sflag:s24] =	ssyncset.done $0x0  }
0x79: {  	s19 =	sadd.s32 $0x480, s19;
	[sflag:s24] =	ssyncadd.s32 $0xFFFFE000  }
0x7a: {  	[tilespmem:s22], [sflag:$0x1] =	stream.indirect.gather [hbm4b:s4+s14], $0x40, s19, s14, $0xb8;
	[tilespmem:$0x19C40] =	vst v63  }
0x7b: {  	_ =	swait.ge [sflag:s23], $0x2000  }
0x7c: {  	[sflag:s23] =	ssyncset.done $0x0  }
0x7d: {  	[sflag:s23] =	ssyncadd.s32 $0xFFFFE000  }
0x7e: {  	[spmem:s2] =	stream.indirect.scatter.add.f32 [tilespmem:s15], [sflag:$0x2], $0x40, s26, s14, $0xb8;
	[tilespmem:$0x19C40] =	vst v63  }
0x7f: {  	_ =	swait.ge [sflag:s23], $0x2000  }
0x80: {  	[sflag:s23] =	ssyncset.done $0x0  }
0x81: {  	[sflag:s23] =	ssyncadd.s32 $0xFFFFE000  }
0x82: {  	[spmem:s2] =	stream.indirect.scatter.add.f32 [tilespmem:s16], [sflag:$0x2], $0x40, s28, s14, $0xb8;
	[tilespmem:$0x19C40] =	vst v63  }
0x83: {  	_ =	swait.ge [sflag:s23], $0x2000  }
0x84: {  	[sflag:s23] =	ssyncset.done $0x0  }
0x85: {  	[sflag:s23] =	ssyncadd.s32 $0xFFFFE000  }
0x86: {  	[spmem:s2] =	stream.indirect.scatter.add.f32 [tilespmem:s18], [sflag:$0x2], $0x40, s29, s14, $0xb8;
	[tilespmem:$0x19C40] =	vst v63  }
0x87: {  	_ =	swait.ge [sflag:s23], $0x2000  }
0x88: {  	[sflag:s23] =	ssyncset.done $0x0  }
0x89: {  	[sflag:s23] =	ssyncadd.s32 $0xFFFFE000  }
0x8a: {  	[spmem:s2] =	stream.indirect.scatter.add.f32 [tilespmem:s20], [sflag:$0x2], $0x40, s30, s14, $0xb8;
	[tilespmem:$0x19C40] =	vst v63  }
0x8b: {  	_ =	swait.ge [sflag:s23], $0x2000  }
0x8c: {  	[sflag:s23] =	ssyncset.done $0x0  }
0x8d: {  	[sflag:s23] =	ssyncadd.s32 $0xFFFFE000  }
0x8e: {  	[spmem:s2] =	stream.indirect.scatter.add.f32 [tilespmem:s22], [sflag:$0x2], $0x40, s31, s14, $0xb8;
	[tilespmem:$0x19C40] =	vst v63  }
0x8f: {  	_ =	swait.ge [sflag:s24], $0x2000  }
0x90: {  	[sflag:s24] =	ssyncset.done $0x0  }
0x91: {  	[sflag:s24] =	ssyncadd.s32 $0xFFFFE000  }
0x92: {  	_ =	swait.ge [sflag:s24], $0x2000  }
0x93: {  	[sflag:s24] =	ssyncset.done $0x0  }
0x94: {  	[sflag:s24] =	ssyncadd.s32 $0xFFFFE000  }
0x95: {  	_ =	swait.ge [sflag:s24], $0x2000  }
0x96: {  	[sflag:s24] =	ssyncset.done $0x0  }
0x97: {  	[sflag:s24] =	ssyncadd.s32 $0xFFFFE000  }
0x98: {  	_ =	swait.ge [sflag:s24], $0x2000  }
0x99: {  	[sflag:s24] =	ssyncset.done $0x0  }
0x9a: {  	[sflag:s24] =	ssyncadd.s32 $0xFFFFE000  }
0x9b: {  	_ =	swait.ge [sflag:s24], $0x2000  }
0x9c: {  	s11 =	sadd.s32 $0x1, s11;
	[sflag:s24] =	ssyncset.done $0x0  }
0x9d: {  	p0 =	sne.s32 s11, s9;
	[sflag:s24] =	ssyncadd.s32 $0xFFFFE000  }
.Ltmp1:
0x9e: {  	[bflag:$0x0] =	sbarrier.arrive $0xFFFF;
	(pc) =	sbr.rel @p0 .LBB2_1-.Ltmp1, $4  }
0x9f: {  	[hbm:s8@s0], [sflag:s12] =	dma.strided [spmem:s25@s1], $0x1388, s23, $0x8   }
0xa0: {  	_ =	swait.ge [sflag:s10], $0x1388  }
0xa1: {  	[sflag:s10] =	ssyncset.done $0x0  }
0xa2: {  	[sflag:s10] =	ssyncadd.s32 $0xFFFFEC78  }
0xa3: {  	_ =	sfence.sel $0x180000  }
0xa4: {  	[bflag:$0x0] =	sbarrier.arrive $0xFFFF  }
0xa5: {  	_ =	strace $0x9000004A  }
0xa6: {  	s0 =	stileid.u32;
	[bflag:$0x2] =	sbarrier.arrive $0xFFFF  }
0xa7: {  	p0 =	sne.s32 s0, $0x0;
	s0 =	rddreg [dreg:$0x2]  }
0xa8: {  	s0 =	sadd.s32 @!p0 $0x100000, s0  }
0xa9: {  	[sflag:s0] =	ssyncadd.tile.s32 @!p0 $0x1;
	_ =	shalt  }
.Lfunc_end2:
_tile_overlayer_lowered:
.L_overlay_start_2:
0xaa: {  	(tag) =	ssettag $0x2  }
0xab: {  	s0 =	rddreg [dreg:$0x0];
	s2 =	stileid.u32  }
0xac: {  	s1 =	rddreg [dreg:$0x1];
	p0 =	sne.s32 s2, $0x0  }
0xad: {  	s3 =	rddreg [dreg:$0x2];
	[bflag:$0x3] =	sbarrier.arrive $0xFFFF;
	s2 =	simm.s32 @!p0 $0x1C03  }
0xae: {  	[timem:s3], [sflag:s2] =	dma.local @!p0 [hbm:s0], s1  }
0xaf: {  	s0 =	simm.s32 @!p0 $0x3  }
0xb0: {  	_ =	swait.ge @!p0 [sflag:s0], s1  }
0xb1: {  	s1 =	ssub.s32 @!p0 $0x0, s1;
	[sflag:s0] =	ssyncset.done @!p0 $0x0  }
0xb2: {  	[sflag:s0] =	ssyncadd.s32 @!p0 s1  }
0xb3: {  	[bflag:$0x3] =	sbarrier.arrive $0xFFFF  }
0xb4: {  	_ =	shalt  }

// kernel: kernel.16.cloned.1.call-start
scs
__scs_entry_jumppad:
0x0: {  	(pc) =	sbr.rel $0x88, $3  }
0x1: {  	(tag) =	ssettag $0x0;
	lr =	simm.s32 $0x1  }
0x2: {  	[smem:$0x3F92] =	sst lr;
	_ =	strace $0xD0000000  }
0x3: {  	_ = 	snop  }
0x4: {  	_ = 	snop  }
0x5: {  	_ = 	snop  }
0x6: {  	_ = 	snop  }
0x7: {  	_ = 	snop  }
__scs_overlays_trampoline_lowered:
0x8: {  	[smem:$0x3FA1] =	sst s0  }
0x9: {  	[smem:$0x3FA2] =	sst s1  }
0xa: {  	[smem:$0x3FA3] =	sst s2  }
0xb: {  	[smem:$0x3FA4] =	sst s3  }
0xc: {  	[smem:$0x3FA5] =	sst s4  }
0xd: {  	[smem:$0x3FA6] =	sst s5  }
0xe: {  	[smem:$0x3FA7] =	sst s6  }
0xf: {  	[smem:$0x3FA8] =	sst s7  }
0x10: {  	[smem:$0x3FA9] =	sst s8  }
0x11: {  	[smem:$0x3FAA] =	sst s9;
	s0 =	simm.s32 @!p0 $0x0  }
0x12: {  	s1 =	sld [smem:$0x3F90];
	s0 =	simm.s32 @p0 $0x1  }
0x13: {  	[smem:$0x3FAB] =	sst s0;
	s0 =	simm.s32 @!p1 $0x0  }
0x14: {  	s2 =	sld [smem:$0x3F8F];
	s0 =	simm.s32 @p1 $0x1  }
0x15: {  	[smem:$0x3FAC] =	sst s0;
	s0 =	simm.s32 @!p2 $0x0  }
0x16: {  	s3 =	sld [smem:$0x3FDB];
	s0 =	simm.s32 @p2 $0x1  }
0x17: {  	s4 =	simm.s32 $0x1BF5;
	[smem:$0x3FAE] =	sst s0  }
0x18: {  	s0 =	sld [smem:$0x3F91];
	_ =	swait.ge [sflag:s4], $0x0  }
0x19: {  	s7 =	sld [smem:$0x3F92]  }
0x1a: {  	s8 =	sadd.s32 $0xFFFFE003, lr  }
0x1b: {  	s9 =	sadd.s32 $0xFFFFFEF7, lr;
	s5 =	simm.s32 $0xFFFFFFFF;
	p2 =	slt.u32 s8, $0xFFFFF086  }
0x1c: {  	p1 =	slt.u32 s9, $0xF7A;
	s5 =	simm.s32 @!p2 $0x0  }
0x1d: {  	s5 =	simm.s32 @p1 $0x1;
	p0 =	seq.s32 s7, s2  }
0x1e: {  	s7 =	smul.u32 @!p0 $0xF7A, s2;
	p2 =	seq.s32 @!p0 s5, $0x0  }
0x1f: {  	s9 =	smul.u32 $0xF7A, s1;
	s8 =	simm.s32 @!p0 $0x1BF5;
	p2 =	por !p2, p0  }
0x20: {  	[sflag:s8] =	ssyncset.s32 @!p0 $0xFFFFF086;
	s6 =	sadd.s32 @!p0 s3, s7;
	s7 =	simm.s32 @!p0 $0x108  }
0x21: {  	s3 =	sadd.s32 s3, s9;
	s6 =	sadd.s32 @!p0 $0x88, s6;
	s7 =	simm.s32 @p2 $0x1082  }
0x22: {  	[simem:s7], [sflag:s8] =	dma.local @!p0 [hbm:s6], $0xF7A  }
0x23: {  	s9 =	sor.u32 $0xD0000000, s2;
	s6 =	simm.s32 $0x108;
	_ =	swait.ge @!p0 [sflag:s8], $0x0  }
0x24: {  	s3 =	sadd.s32 $0x88, s3;
	s6 =	simm.s32 @!p1 $0x1082;
	[sflag:s4] =	ssyncset.s32 $0xFFFFF086  }
0x25: {  	[simem:s6], [sflag:s4] =	dma.local [hbm:s3], $0xF7A  }
0x26: {  	[smem:$0x3F92] =	sst s1;
	(tag) =	ssettag s2;
	_ =	strace s9  }
0x27: {  	s1 =	sld [smem:$0x3FA2]  }
0x28: {  	s2 =	sld [smem:$0x3FA3]  }
0x29: {  	s4 =	sld [smem:$0x3FA5]  }
0x2a: {  	p0 =	seq.s32 s5, $0x0;
	s5 =	sld [smem:$0x3FA6]  }
0x2b: {  	s6 =	sld [smem:$0x3FA7]  }
0x2c: {  	s7 =	sld [smem:$0x3FA8]  }
0x2d: {  	s3 =	simm.s32 $0x108;
	s8 =	sld [smem:$0x3FA9]  }
0x2e: {  	s3 =	simm.s32 @!p0 $0x1082;
	s9 =	sld [smem:$0x3FAA]  }
0x2f: {  	lr =	sadd.s32 s0, s3;
	s0 =	sld [smem:$0x3FA1]  }
0x30: {  	s3 =	sld [smem:$0x3FA4]  }
0x31: {  	[smem:$0x3FAD] =	sst s10  }
0x32: {  	s10 =	sld [smem:$0x3FAB];
	_ =	sdelay $0x3  }
0x33: {  	p0 =	seq.s32 s10, $0x1;
	s10 =	sld [smem:$0x3FAD];
	_ =	sdelay $0x3  }
0x34: {  	[smem:$0x3FAD] =	sst s10  }
0x35: {  	s10 =	sld [smem:$0x3FAC];
	_ =	sdelay $0x3  }
0x36: {  	p1 =	seq.s32 s10, $0x1;
	s10 =	sld [smem:$0x3FAD];
	_ =	sdelay $0x3  }
0x37: {  	[smem:$0x3FAD] =	sst s10  }
0x38: {  	s10 =	sld [smem:$0x3FAE]  }
0x39: {  	_ = 	snop;
	(pc) =	sbr.ind lr, $3  }
0x3a: {  	_ = 	snop  }
0x3b: {  	_ = 	snop  }
0x3c: {  	p2 =	seq.s32 s10, $0x1;
	s10 =	sld [smem:$0x3FAD]  }
0x3d: {  	_ =	shalt  }
0x3e: {  	_ =	shalt  }
0x3f: {  	_ =	shalt  }
0x40: {  	_ =	shalt  }
0x41: {  	_ =	shalt  }
0x42: {  	_ =	shalt  }
0x43: {  	_ =	shalt  }
0x44: {  	_ =	shalt  }
0x45: {  	_ =	shalt  }
0x46: {  	_ =	shalt  }
0x47: {  	_ =	shalt  }
0x48: {  	_ =	shalt  }
0x49: {  	_ =	shalt  }
0x4a: {  	_ =	shalt  }
0x4b: {  	_ =	shalt  }
0x4c: {  	_ =	shalt  }
0x4d: {  	_ =	shalt  }
0x4e: {  	_ =	shalt  }
0x4f: {  	_ =	shalt  }
0x50: {  	_ =	shalt  }
0x51: {  	_ =	shalt  }
0x52: {  	_ =	shalt  }
0x53: {  	_ =	shalt  }
0x54: {  	_ =	shalt  }
0x55: {  	_ =	shalt  }
0x56: {  	_ =	shalt  }
0x57: {  	_ =	shalt  }
0x58: {  	_ =	shalt  }
0x59: {  	_ =	shalt  }
0x5a: {  	_ =	shalt  }
0x5b: {  	_ =	shalt  }
0x5c: {  	_ =	shalt  }
0x5d: {  	_ =	shalt  }
0x5e: {  	_ =	shalt  }
0x5f: {  	_ =	shalt  }
0x60: {  	_ =	shalt  }
0x61: {  	_ =	shalt  }
0x62: {  	_ =	shalt  }
0x63: {  	_ =	shalt  }
0x64: {  	_ =	shalt  }
0x65: {  	_ =	shalt  }
0x66: {  	_ =	shalt  }
0x67: {  	_ =	shalt  }
0x68: {  	_ =	shalt  }
0x69: {  	_ =	shalt  }
0x6a: {  	_ =	shalt  }
0x6b: {  	_ =	shalt  }
0x6c: {  	_ =	shalt  }
0x6d: {  	_ =	shalt  }
0x6e: {  	_ =	shalt  }
0x6f: {  	_ =	shalt  }
0x70: {  	_ =	shalt  }
0x71: {  	_ =	shalt  }
0x72: {  	_ =	shalt  }
0x73: {  	_ =	shalt  }
0x74: {  	_ =	shalt  }
0x75: {  	_ =	shalt  }
0x76: {  	_ =	shalt  }
0x77: {  	_ =	shalt  }
0x78: {  	_ =	shalt  }
0x79: {  	_ =	shalt  }
0x7a: {  	_ =	shalt  }
0x7b: {  	_ =	shalt  }
0x7c: {  	_ =	shalt  }
0x7d: {  	_ =	shalt  }
0x7e: {  	_ =	shalt  }
0x7f: {  	_ =	shalt  }
0x80: {  	_ =	shalt  }
0x81: {  	_ =	shalt  }
0x82: {  	_ =	shalt  }
0x83: {  	_ =	shalt  }
0x84: {  	_ =	shalt  }
0x85: {  	_ =	shalt  }
0x86: {  	_ =	shalt  }
0x87: {  	_ =	shalt  }
.Lfunc_end0:
.L_simem_size_0:
called_computation.2_lowered:
.L_overlay_start_0:
0x88: {  	s2 =	sld [smem:$0x3FD9]  }
0x89: {  	s3 =	sld [smem:$0x3FFE];
	_ =	sdelay $0x1  }
0x8a: {  	s1 =	srdreg.scid  }
0x8b: {  	s0 =	sand.u32 $0x1, s1  }
0x8c: {  	s16 =	sshll.u32 s0, $0xA;
	s2 =	sadd.s32 s3, s2  }
0x8d: {  	s2 =	sadd.s32 s2, s16  }
0x8e: {  	[smem:$0x3FB9] =	sst s2  }
0x8f: {  	_ = 	snop  }
0x90: {  	(tm) =	ssettm $0x1  }
0x91: {  	s17 =	sld [smem:$0x3FFB];
	_ =	sdelay $0x3  }
0x92: {  	_ =	strace s17  }
0x93: {  	s2 =	sld [smem:$0x3FFC];
	_ =	sdelay $0x3  }
0x94: {  	_ =	strace s2  }
0x95: {  	s2 =	sld [smem:$0x3FFD];
	_ =	sdelay $0x3  }
0x96: {  	_ =	strace s2  }
0x97: {  	_ =	strace $0x8FFFFFFF  }
0x98: {  	s18 =	sld [smem:$0x3FDB];
	_ =	sdelay $0x1  }
0x99: {  	s19 =	simm.s32 $_scs_section_size  }
0x9a: {  	s4 =	simm.s32 $_size__tile_overlayer_lowered;
	s5 =	simm.s32 $_tile_overlayer_lowered  }
0x9b: {  	s22 =	simm.s32 $0x1BFF;
	s21 =	sshll.u32 s5, $0x1;
	s2 =	sadd.s32 s19, s18  }
0x9c: {  	s6 =	simm.s32 $0x0;
	s20 =	sshll.u32 s4, $0x1;
	s4 =	sadd.s32 s21, s2  }
0x9d: {  	[timem:s6], [sflag:s22] =	dma.local [hbm:s4], s20  }
0x9e: {  	_ =	swait.ge [sflag:s22], s20  }
0x9f: {  	s3 =	ssub.s32 $0x0, s20;
	[sflag:s22] =	ssyncset.done $0x0  }
0xa0: {  	[sflag:s22] =	ssyncadd.s32 s3;
	_ =	sdelay $0x1  }
0xa1: {  	s23 =	simm.s32 $0x1B8B  }
0xa2: {  	_ =	swait.ge [sflag:s23], $0x1  }
0xa3: {  	[sflag:s23] =	ssyncset.done $0x0  }
0xa4: {  	s25 =	simm.s32 $0x1B8E;
	s24 =	sld [smem:$0x3FFE];
	[sflag:s23] =	ssyncadd.s32 $0xFFFFFFFF  }
0xa5: {  	s26 =	simm.s32 $execute0_lowered;
	[smem:$0x3FD2] =	sst s25  }
0xa6: {  	s4 =	sshll.u32 s26, $0x1;
	_ =	strace $0x8000004C;
	[dreg:$0x1] =	wrdreg $0xFFFFFFFF  }
0xa7: {  	s28 =	simm.s32 $_size_execute0_lowered;
	s2 =	sadd.s32 s2, s4;
	[dreg:$0x0] =	wrdreg $0x0  }
0xa8: {  	s4 =	sshll.u32 s28, $0x1;
	[dreg:$0x2] =	wrdreg s2  }
0xa9: {  	[dreg:$0x3] =	wrdreg s4  }
0xaa: {  	[dreg:$0x4] =	wrdreg $0xC0  }
0xab: {  	_ =	task [dreg:s6], $0x5FFFF  }
0xac: {  	[dreg:$0x1] =	wrdreg $0xFFFFFFFF  }
0xad: {  	[dreg:$0x0] =	wrdreg $0x60  }
0xae: {  	[dreg:$0x2] =	wrdreg s24  }
0xaf: {  	[dreg:$0x3] =	wrdreg $0xF0000  }
0xb0: {  	[dreg:$0x4] =	wrdreg $0x9  }
0xb1: {  	_ =	task.clear_ibuf [dreg:s6], $0x5FFFF;
	_ =	strace $0x9000004C  }
0xb2: {  	s29 =	simm.s32 $0x9;
	_ =	strace $0x8000004E  }
0xb3: {  	_ =	swait.ge [sflag:s29], $0x1  }
0xb4: {  	[sflag:s29] =	ssyncadd.s32 $0xFFFFFFFF  }
0xb5: {  	_ =	strace $0x9000004E  }
0xb6: {  	_ =	sfence  }
0xb7: {  	s30 =	sld [smem:$0x0];
	_ =	sdelay $0x2  }
0xb8: {  	s31 =	sshll.u32 s1, $0xD;
	s1 =	sshrl.u32 s1, $0x2  }
0xb9: {  	s3 =	sand.u32 $0x4000, s31;
	s1 =	sadd.s32 s1, s30  }
0xba: {  	s0 =	sor.u32 s3, s0;
	s1 =	sshll.u32 s1, $0x11  }
0xbb: {  	s0 =	sor.u32 s1, s0  }
0xbc: {  	s0 =	sadd.s32 $0x8F2B, s0  }
0xbd: {  	[sflag:s0] =	ssyncadd.remote.s32 $0x1  }
0xbe: {  	_ =	sfence.sel $0xFFFF  }
0xbf: {  	[dreg:$0x0] =	wrdreg $0xFFFFFFFF;
	(pc) =	sbr.abs _section_cstart, $3  }
0xc0: {  	[dreg:$0x1] =	wrdreg $0xFFFFFFFF  }
0xc1: {  	_ =	task.clear_ibuf [dreg:s6], $0x2FFFF;
	_ =	strace $0x9FFFFFFF  }
0xc2: {  	(tm) =	ssettm $0x7FFFFFFF  }
0xc3: {  	_ =	shalt  }
tec
execute0_lowered:
.L_overlay_start_1:
0x0: {  	(tag) =	ssettag $0x1  }
0x1: {  	s0 =	rddreg [dreg:$0x0]  }
0x2: {  	s2 =	rddreg [dreg:$0x1]  }
0x3: {  	s1 =	srdreg.scid;
	s10 =	stileid.u32;
	s3 =	simm.s32 $0x0  }
0x4: {  	s14 =	simm.s32 $0x80;
	s15 =	simm.s32 $0x5000;
	s16 =	simm.s32 $0x7000  }
0x5: {  	s18 =	simm.s32 $0x9000;
	s20 =	simm.s32 $0xB000;
	s22 =	simm.s32 $0xD000  }
0x6: {  	s28 =	simm.s32 $0x4E00;
	s29 =	simm.s32 $0x4E80;
	s30 =	simm.s32 $0x4F00  }
0x7: {  	s31 =	simm.s32 $0x4F80;
	s1 =	sand.u32 $0x1, s1;
	s5 =	smul.u32 $0x13880, s10  }
0x8: {  	s4 =	sshll.u32 s10, $0x1;
	[smem:$0x7FF] =	sst s3;
	s24 =	smul.u32 $0x9C40, s10  }
0x9: {  	s9 =	smul.u32 $0x27100, s10;
	s26 =	sshll.u32 s10, $0x6;
	s10 =	simm.s32 $0x3  }
0xa: {  	s4 =	sor.u32 s1, s4;
	s7 =	sshll.u32 s1, $0x6;
	_ =	strace $0x8000004D  }
0xb: {  	s1 =	ssub.s32 $0x2, s1;
	s12 =	sor.u32 $0x1C03, s26;
	s26 =	simm.s32 $0x4D80  }
0xc: {  	s6 =	smul.u32 $0x500, s4;
	s4 =	sadd.s32 $0x17000, s0;
	s5 =	sor.u32 s7, s5  }
0xd: {  	s23 =	sshrl.u32 s1, $0x1;
	s11 =	sadd.s32 s24, s2;
	s7 =	sshrl.u32 s24, $0x3  }
0xe: {  	s25 =	sshrl.u32 s9, $0x2;
	s24 =	simm.s32 $0x2;
	s5 =	sshrl.u32 s5, $0x3  }
0xf: {  	s1 =	ssub.s32 s1, s23;
	s7 =	sadd.s32 s4, s7;
	s13 =	sshrl.u32 s11, $0x3  }
0x10: {  	s23 =	simm.s32 $0x1;
	s11 =	simm.s32 $0x0;
	s6 =	sadd.s32 s6, s0  }
0x11: {  	s0 =	sadd.s32 s5, s0;
	s9 =	smax.u32 s1, $0x1;
	s1 =	simm.s32 $0x8  }
0x12: {  	s5 =	sadd.s32 $0xD000, s6;
	s8 =	sadd.s32 $0x2AA00, s0;
	s0 =	sadd.s32 s25, s2  }
0x13: {  	s6 =	sadd.s32 $0x3000, s6;
	s25 =	sshrl.u32 s0, $0x3;
	s0 =	simm.s32 $0x10  }
.LBB2_1:
0x14: {  	[tilespmem:s3], [sflag:$0x3] =	stream.linear.gather [hbm4b:s5+s3], $0x2800, $0x38;
	[tilespmem:$0x19C40] =	vst v63  }
0x15: {  	_ =	swait.ge [sflag:s10], $0x2800  }
0x16: {  	[sflag:s10] =	ssyncset.done $0x0  }
0x17: {  	s17 =	simm.s32 $0x2800;
	[sflag:s10] =	ssyncadd.s32 $0xFFFFD800  }
0x18: {  	[tilespmem:s17], [sflag:$0x3] =	stream.linear.gather [hbm4b:s6+s3], $0x2800, $0x38;
	[tilespmem:$0x19C40] =	vst v63  }
0x19: {  	_ =	swait.ge [sflag:s10], $0x2800  }
0x1a: {  	[sflag:s10] =	ssyncset.done $0x0  }
0x1b: {  	[sflag:s10] =	ssyncadd.s32 $0xFFFFD800  }
0x1c: {  	[spmem:s13], [sflag:s12] =	dma.local [hbm:s7], $0x1388  }
0x1d: {  	_ =	swait.ge [sflag:s10], $0x1388  }
0x1e: {  	[sflag:s10] =	ssyncset.done $0x0  }
0x1f: {  	[sflag:s10] =	ssyncadd.s32 $0xFFFFEC78  }
0x20: {  	[bflag:$0x0] =	sbarrier.arrive $0xFFFF  }
0x21: {  	[tilespmem:s15], [sflag:$0x1] =	stream.indirect.gather [hbm4b:s4+s14], $0x40, s3, s14, $0xb8;
	[tilespmem:$0x19C40] =	vst v63  }
0x22: {  	_ = 	snop  }
0x23: {  	[tilespmem:s16], [sflag:$0x1] =	stream.indirect.gather [hbm4b:s4+s14], $0x40, s14, s14, $0xb8;
	[tilespmem:$0x19C40] =	vst v63  }
0x24: {  	s19 =	simm.s32 $0x100  }
0x25: {  	[tilespmem:s18], [sflag:$0x1] =	stream.indirect.gather [hbm4b:s4+s14], $0x40, s19, s14, $0xb8;
	[tilespmem:$0x19C40] =	vst v63  }
0x26: {  	s21 =	simm.s32 $0x180  }
0x27: {  	[tilespmem:s20], [sflag:$0x1] =	stream.indirect.gather [hbm4b:s4+s14], $0x40, s21, s14, $0xb8;
	[tilespmem:$0x19C40] =	vst v63  }
0x28: {  	s19 =	simm.s32 $0x200  }
0x29: {  	[tilespmem:s22], [sflag:$0x1] =	stream.indirect.gather [hbm4b:s4+s14], $0x40, s19, s14, $0xb8;
	[tilespmem:$0x19C40] =	vst v63  }
0x2a: {  	_ =	swait.ge [sflag:s23], $0x2000  }
0x2b: {  	[sflag:s23] =	ssyncset.done $0x0  }
0x2c: {  	s21 =	simm.s32 $0x2800;
	[sflag:s23] =	ssyncadd.s32 $0xFFFFE000  }
0x2d: {  	[spmem:s2] =	stream.indirect.scatter.add.f32 [tilespmem:s15], [sflag:$0x2], $0x40, s21, s14, $0xb8;
	[tilespmem:$0x19C40] =	vst v63  }
0x2e: {  	_ =	swait.ge [sflag:s23], $0x2000  }
0x2f: {  	[sflag:s23] =	ssyncset.done $0x0  }
0x30: {  	s19 =	simm.s32 $0x2880;
	[sflag:s23] =	ssyncadd.s32 $0xFFFFE000  }
0x31: {  	[spmem:s2] =	stream.indirect.scatter.add.f32 [tilespmem:s16], [sflag:$0x2], $0x40, s19, s14, $0xb8;
	[tilespmem:$0x19C40] =	vst v63  }
0x32: {  	_ =	swait.ge [sflag:s23], $0x2000  }
0x33: {  	[sflag:s23] =	ssyncset.done $0x0  }
0x34: {  	s21 =	simm.s32 $0x2900;
	[sflag:s23] =	ssyncadd.s32 $0xFFFFE000  }
0x35: {  	[spmem:s2] =	stream.indirect.scatter.add.f32 [tilespmem:s18], [sflag:$0x2], $0x40, s21, s14, $0xb8;
	[tilespmem:$0x19C40] =	vst v63  }
0x36: {  	_ =	swait.ge [sflag:s23], $0x2000  }
0x37: {  	[sflag:s23] =	ssyncset.done $0x0  }
0x38: {  	s19 =	simm.s32 $0x2980;
	[sflag:s23] =	ssyncadd.s32 $0xFFFFE000  }
0x39: {  	[spmem:s2] =	stream.indirect.scatter.add.f32 [tilespmem:s20], [sflag:$0x2], $0x40, s19, s14, $0xb8;
	[tilespmem:$0x19C40] =	vst v63  }
0x3a: {  	_ =	swait.ge [sflag:s23], $0x2000  }
0x3b: {  	[sflag:s23] =	ssyncset.done $0x0  }
0x3c: {  	s21 =	simm.s32 $0x2A00;
	[sflag:s23] =	ssyncadd.s32 $0xFFFFE000  }
0x3d: {  	[spmem:s2] =	stream.indirect.scatter.add.f32 [tilespmem:s22], [sflag:$0x2], $0x40, s21, s14, $0xb8;
	[tilespmem:$0x19C40] =	vst v63  }
0x3e: {  	_ =	swait.ge [sflag:s24], $0x2000  }
0x3f: {  	[sflag:s24] =	ssyncset.done $0x0  }
0x40: {  	s19 =	simm.s32 $0x280;
	[sflag:s24] =	ssyncadd.s32 $0xFFFFE000  }
0x41: {  	[tilespmem:s15], [sflag:$0x1] =	stream.indirect.gather [hbm4b:s4+s14], $0x40, s19, s14, $0xb8;
	[tilespmem:$0x19C40] =	vst v63  }
0x42: {  	_ =	swait.ge [sflag:s24], $0x2000  }
0x43: {  	[sflag:s24] =	ssyncset.done $0x0  }
0x44: {  	s21 =	simm.s32 $0x300;
	[sflag:s24] =	ssyncadd.s32 $0xFFFFE000  }
0x45: {  	[tilespmem:s16], [sflag:$0x1] =	stream.indirect.gather [hbm4b:s4+s14], $0x40, s21, s14, $0xb8;
	[tilespmem:$0x19C40] =	vst v63  }
0x46: {  	_ =	swait.ge [sflag:s24], $0x2000  }
0x47: {  	[sflag:s24] =	ssyncset.done $0x0  }
0x48: {  	s19 =	simm.s32 $0x380;
	[sflag:s24] =	ssyncadd.s32 $0xFFFFE000  }
0x49: {  	[tilespmem:s18], [sflag:$0x1] =	stream.indirect.gather [hbm4b:s4+s14], $0x40, s19, s14, $0xb8;
	[tilespmem:$0x19C40] =	vst v63  }
0x4a: {  	_ =	swait.ge [sflag:s24], $0x2000  }
0x4b: {  	[sflag:s24] =	ssyncset.done $0x0  }
0x4c: {  	s21 =	simm.s32 $0x400;
	[sflag:s24] =	ssyncadd.s32 $0xFFFFE000  }
0x4d: {  	[tilespmem:s20], [sflag:$0x1] =	stream.indirect.gather [hbm4b:s4+s14], $0x40, s21, s14, $0xb8;
	[tilespmem:$0x19C40] =	vst v63  }
0x4e: {  	_ =	swait.ge [sflag:s24], $0x2000  }
0x4f: {  	[sflag:s24] =	ssyncset.done $0x0  }
0x50: {  	s17 =	simm.s32 $0xA00;
	s19 =	simm.s32 $0x480;
	[sflag:s24] =	ssyncadd.s32 $0xFFFFE000  }
.LBB2_2:
0x51: {  	[tilespmem:s22], [sflag:$0x1] =	stream.indirect.gather [hbm4b:s4+s14], $0x40, s19, s14, $0xb8;
	[tilespmem:$0x19C40] =	vst v63  }
0x52: {  	s19 =	smov.u32 s17  }
0x53: {  	p0 =	sne.s32 s17, $0x8C00;
	s17 =	sadd.s32 $0xA00, s17;
	_ =	swait.ge [sflag:s23], $0x2000  }
0x54: {  	s19 =	sshra.s32 s19, $0x2;
	[sflag:s23] =	ssyncset.done $0x0  }
0x55: {  	s21 =	sadd.s32 $0x2800, s19;
	[sflag:s23] =	ssyncadd.s32 $0xFFFFE000  }
0x56: {  	[spmem:s2] =	stream.indirect.scatter.add.f32 [tilespmem:s15], [sflag:$0x2], $0x40, s21, s14, $0xb8;
	[tilespmem:$0x19C40] =	vst v63  }
0x57: {  	_ =	swait.ge [sflag:s23], $0x2000  }
0x58: {  	[sflag:s23] =	ssyncset.done $0x0  }
0x59: {  	s21 =	sadd.s32 $0x2880, s19;
	[sflag:s23] =	ssyncadd.s32 $0xFFFFE000  }
0x5a: {  	[spmem:s2] =	stream.indirect.scatter.add.f32 [tilespmem:s16], [sflag:$0x2], $0x40, s21, s14, $0xb8;
	[tilespmem:$0x19C40] =	vst v63  }
0x5b: {  	_ =	swait.ge [sflag:s23], $0x2000  }
0x5c: {  	[sflag:s23] =	ssyncset.done $0x0  }
0x5d: {  	s21 =	sadd.s32 $0x2900, s19;
	[sflag:s23] =	ssyncadd.s32 $0xFFFFE000  }
0x5e: {  	[spmem:s2] =	stream.indirect.scatter.add.f32 [tilespmem:s18], [sflag:$0x2], $0x40, s21, s14, $0xb8;
	[tilespmem:$0x19C40] =	vst v63  }
0x5f: {  	_ =	swait.ge [sflag:s23], $0x2000  }
0x60: {  	[sflag:s23] =	ssyncset.done $0x0  }
0x61: {  	s21 =	sadd.s32 $0x2980, s19;
	[sflag:s23] =	ssyncadd.s32 $0xFFFFE000  }
0x62: {  	[spmem:s2] =	stream.indirect.scatter.add.f32 [tilespmem:s20], [sflag:$0x2], $0x40, s21, s14, $0xb8;
	[tilespmem:$0x19C40] =	vst v63  }
0x63: {  	_ =	swait.ge [sflag:s23], $0x2000  }
0x64: {  	[sflag:s23] =	ssyncset.done $0x0  }
0x65: {  	s21 =	sadd.s32 $0x2A00, s19;
	[sflag:s23] =	ssyncadd.s32 $0xFFFFE000  }
0x66: {  	[spmem:s2] =	stream.indirect.scatter.add.f32 [tilespmem:s22], [sflag:$0x2], $0x40, s21, s14, $0xb8;
	[tilespmem:$0x19C40] =	vst v63  }
0x67: {  	_ =	swait.ge [sflag:s24], $0x2000  }
0x68: {  	[sflag:s24] =	ssyncset.done $0x0  }
0x69: {  	s21 =	sadd.s32 $0x280, s19;
	[sflag:s24] =	ssyncadd.s32 $0xFFFFE000  }
0x6a: {  	[tilespmem:s15], [sflag:$0x1] =	stream.indirect.gather [hbm4b:s4+s14], $0x40, s21, s14, $0xb8;
	[tilespmem:$0x19C40] =	vst v63  }
0x6b: {  	_ =	swait.ge [sflag:s24], $0x2000  }
0x6c: {  	[sflag:s24] =	ssyncset.done $0x0  }
0x6d: {  	s21 =	sadd.s32 $0x300, s19;
	[sflag:s24] =	ssyncadd.s32 $0xFFFFE000  }
0x6e: {  	[tilespmem:s16], [sflag:$0x1] =	stream.indirect.gather [hbm4b:s4+s14], $0x40, s21, s14, $0xb8;
	[tilespmem:$0x19C40] =	vst v63  }
0x6f: {  	_ =	swait.ge [sflag:s24], $0x2000  }
0x70: {  	[sflag:s24] =	ssyncset.done $0x0  }
0x71: {  	s21 =	sadd.s32 $0x380, s19;
	[sflag:s24] =	ssyncadd.s32 $0xFFFFE000  }
0x72: {  	[tilespmem:s18], [sflag:$0x1] =	stream.indirect.gather [hbm4b:s4+s14], $0x40, s21, s14, $0xb8;
	[tilespmem:$0x19C40] =	vst v63  }
0x73: {  	_ =	swait.ge [sflag:s24], $0x2000  }
0x74: {  	[sflag:s24] =	ssyncset.done $0x0  }
.Ltmp0:
0x75: {  	s21 =	sadd.s32 $0x400, s19;
	[sflag:s24] =	ssyncadd.s32 $0xFFFFE000;
	(pc) =	sbr.rel @p0 .LBB2_2-.Ltmp0, $4  }
0x76: {  	[tilespmem:s20], [sflag:$0x1] =	stream.indirect.gather [hbm4b:s4+s14], $0x40, s21, s14, $0xb8;
	[tilespmem:$0x19C40] =	vst v63  }
0x77: {  	_ =	swait.ge [sflag:s24], $0x2000  }
0x78: {  	[sflag:s24] =	ssyncset.done $0x0  }
0x79: {  	s19 =	sadd.s32 $0x480, s19;
	[sflag:s24] =	ssyncadd.s32 $0xFFFFE000  }
0x7a: {  	[tilespmem:s22], [sflag:$0x1] =	stream.indirect.gather [hbm4b:s4+s14], $0x40, s19, s14, $0xb8;
	[tilespmem:$0x19C40] =	vst v63  }
0x7b: {  	_ =	swait.ge [sflag:s23], $0x2000  }
0x7c: {  	[sflag:s23] =	ssyncset.done $0x0  }
0x7d: {  	[sflag:s23] =	ssyncadd.s32 $0xFFFFE000  }
0x7e: {  	[spmem:s2] =	stream.indirect.scatter.add.f32 [tilespmem:s15], [sflag:$0x2], $0x40, s26, s14, $0xb8;
	[tilespmem:$0x19C40] =	vst v63  }
0x7f: {  	_ =	swait.ge [sflag:s23], $0x2000  }
0x80: {  	[sflag:s23] =	ssyncset.done $0x0  }
0x81: {  	[sflag:s23] =	ssyncadd.s32 $0xFFFFE000  }
0x82: {  	[spmem:s2] =	stream.indirect.scatter.add.f32 [tilespmem:s16], [sflag:$0x2], $0x40, s28, s14, $0xb8;
	[tilespmem:$0x19C40] =	vst v63  }
0x83: {  	_ =	swait.ge [sflag:s23], $0x2000  }
0x84: {  	[sflag:s23] =	ssyncset.done $0x0  }
0x85: {  	[sflag:s23] =	ssyncadd.s32 $0xFFFFE000  }
0x86: {  	[spmem:s2] =	stream.indirect.scatter.add.f32 [tilespmem:s18], [sflag:$0x2], $0x40, s29, s14, $0xb8;
	[tilespmem:$0x19C40] =	vst v63  }
0x87: {  	_ =	swait.ge [sflag:s23], $0x2000  }
0x88: {  	[sflag:s23] =	ssyncset.done $0x0  }
0x89: {  	[sflag:s23] =	ssyncadd.s32 $0xFFFFE000  }
0x8a: {  	[spmem:s2] =	stream.indirect.scatter.add.f32 [tilespmem:s20], [sflag:$0x2], $0x40, s30, s14, $0xb8;
	[tilespmem:$0x19C40] =	vst v63  }
0x8b: {  	_ =	swait.ge [sflag:s23], $0x2000  }
0x8c: {  	[sflag:s23] =	ssyncset.done $0x0  }
0x8d: {  	[sflag:s23] =	ssyncadd.s32 $0xFFFFE000  }
0x8e: {  	[spmem:s2] =	stream.indirect.scatter.add.f32 [tilespmem:s22], [sflag:$0x2], $0x40, s31, s14, $0xb8;
	[tilespmem:$0x19C40] =	vst v63  }
0x8f: {  	_ =	swait.ge [sflag:s24], $0x2000  }
0x90: {  	[sflag:s24] =	ssyncset.done $0x0  }
0x91: {  	[sflag:s24] =	ssyncadd.s32 $0xFFFFE000  }
0x92: {  	_ =	swait.ge [sflag:s24], $0x2000  }
0x93: {  	[sflag:s24] =	ssyncset.done $0x0  }
0x94: {  	[sflag:s24] =	ssyncadd.s32 $0xFFFFE000  }
0x95: {  	_ =	swait.ge [sflag:s24], $0x2000  }
0x96: {  	[sflag:s24] =	ssyncset.done $0x0  }
0x97: {  	[sflag:s24] =	ssyncadd.s32 $0xFFFFE000  }
0x98: {  	_ =	swait.ge [sflag:s24], $0x2000  }
0x99: {  	[sflag:s24] =	ssyncset.done $0x0  }
0x9a: {  	[sflag:s24] =	ssyncadd.s32 $0xFFFFE000  }
0x9b: {  	_ =	swait.ge [sflag:s24], $0x2000  }
0x9c: {  	s11 =	sadd.s32 $0x1, s11;
	[sflag:s24] =	ssyncset.done $0x0  }
0x9d: {  	p0 =	sne.s32 s11, s9;
	[sflag:s24] =	ssyncadd.s32 $0xFFFFE000  }
.Ltmp1:
0x9e: {  	[bflag:$0x0] =	sbarrier.arrive $0xFFFF;
	(pc) =	sbr.rel @p0 .LBB2_1-.Ltmp1, $4  }
0x9f: {  	[hbm:s8@s0], [sflag:s12] =	dma.strided [spmem:s25@s1], $0x1388, s23, $0x8   }
0xa0: {  	_ =	swait.ge [sflag:s10], $0x1388  }
0xa1: {  	[sflag:s10] =	ssyncset.done $0x0  }
0xa2: {  	[sflag:s10] =	ssyncadd.s32 $0xFFFFEC78  }
0xa3: {  	_ =	sfence.sel $0x180000  }
0xa4: {  	[bflag:$0x0] =	sbarrier.arrive $0xFFFF  }
0xa5: {  	_ =	strace $0x9000004D  }
0xa6: {  	s0 =	stileid.u32;
	[bflag:$0x2] =	sbarrier.arrive $0xFFFF  }
0xa7: {  	p0 =	sne.s32 s0, $0x0;
	s0 =	rddreg [dreg:$0x2]  }
0xa8: {  	s0 =	sadd.s32 @!p0 $0x100000, s0  }
0xa9: {  	[sflag:s0] =	ssyncadd.tile.s32 @!p0 $0x1;
	_ =	shalt  }
.Lfunc_end2:
_tile_overlayer_lowered:
.L_overlay_start_2:
0xaa: {  	(tag) =	ssettag $0x2  }
0xab: {  	s0 =	rddreg [dreg:$0x0];
	s2 =	stileid.u32  }
0xac: {  	s1 =	rddreg [dreg:$0x1];
	p0 =	sne.s32 s2, $0x0  }
0xad: {  	s3 =	rddreg [dreg:$0x2];
	[bflag:$0x3] =	sbarrier.arrive $0xFFFF;
	s2 =	simm.s32 @!p0 $0x1C03  }
0xae: {  	[timem:s3], [sflag:s2] =	dma.local @!p0 [hbm:s0], s1  }
0xaf: {  	s0 =	simm.s32 @!p0 $0x3  }
0xb0: {  	_ =	swait.ge @!p0 [sflag:s0], s1  }
0xb1: {  	s1 =	ssub.s32 @!p0 $0x0, s1;
	[sflag:s0] =	ssyncset.done @!p0 $0x0  }
0xb2: {  	[sflag:s0] =	ssyncadd.s32 @!p0 s1  }
0xb3: {  	[bflag:$0x3] =	sbarrier.arrive $0xFFFF  }
0xb4: {  	_ =	shalt  }

// kernel: kernel.19.cloned.1.call-start
scs
__scs_entry_jumppad:
0x0: {  	(pc) =	sbr.rel $0x88, $3  }
0x1: {  	(tag) =	ssettag $0x0;
	lr =	simm.s32 $0x1  }
0x2: {  	[smem:$0x3F92] =	sst lr;
	_ =	strace $0xD0000000  }
0x3: {  	_ = 	snop  }
0x4: {  	_ = 	snop  }
0x5: {  	_ = 	snop  }
0x6: {  	_ = 	snop  }
0x7: {  	_ = 	snop  }
__scs_overlays_trampoline_lowered:
0x8: {  	[smem:$0x3FA1] =	sst s0  }
0x9: {  	[smem:$0x3FA2] =	sst s1  }
0xa: {  	[smem:$0x3FA3] =	sst s2  }
0xb: {  	[smem:$0x3FA4] =	sst s3  }
0xc: {  	[smem:$0x3FA5] =	sst s4  }
0xd: {  	[smem:$0x3FA6] =	sst s5  }
0xe: {  	[smem:$0x3FA7] =	sst s6  }
0xf: {  	[smem:$0x3FA8] =	sst s7  }
0x10: {  	[smem:$0x3FA9] =	sst s8  }
0x11: {  	[smem:$0x3FAA] =	sst s9;
	s0 =	simm.s32 @!p0 $0x0  }
0x12: {  	s1 =	sld [smem:$0x3F90];
	s0 =	simm.s32 @p0 $0x1  }
0x13: {  	[smem:$0x3FAB] =	sst s0;
	s0 =	simm.s32 @!p1 $0x0  }
0x14: {  	s2 =	sld [smem:$0x3F8F];
	s0 =	simm.s32 @p1 $0x1  }
0x15: {  	[smem:$0x3FAC] =	sst s0;
	s0 =	simm.s32 @!p2 $0x0  }
0x16: {  	s3 =	sld [smem:$0x3FDB];
	s0 =	simm.s32 @p2 $0x1  }
0x17: {  	s4 =	simm.s32 $0x1BF5;
	[smem:$0x3FAE] =	sst s0  }
0x18: {  	s0 =	sld [smem:$0x3F91];
	_ =	swait.ge [sflag:s4], $0x0  }
0x19: {  	s7 =	sld [smem:$0x3F92]  }
0x1a: {  	s8 =	sadd.s32 $0xFFFFE003, lr  }
0x1b: {  	s9 =	sadd.s32 $0xFFFFFEF7, lr;
	s5 =	simm.s32 $0xFFFFFFFF;
	p2 =	slt.u32 s8, $0xFFFFF086  }
0x1c: {  	p1 =	slt.u32 s9, $0xF7A;
	s5 =	simm.s32 @!p2 $0x0  }
0x1d: {  	s5 =	simm.s32 @p1 $0x1;
	p0 =	seq.s32 s7, s2  }
0x1e: {  	s7 =	smul.u32 @!p0 $0xF7A, s2;
	p2 =	seq.s32 @!p0 s5, $0x0  }
0x1f: {  	s9 =	smul.u32 $0xF7A, s1;
	s8 =	simm.s32 @!p0 $0x1BF5;
	p2 =	por !p2, p0  }
0x20: {  	[sflag:s8] =	ssyncset.s32 @!p0 $0xFFFFF086;
	s6 =	sadd.s32 @!p0 s3, s7;
	s7 =	simm.s32 @!p0 $0x108  }
0x21: {  	s3 =	sadd.s32 s3, s9;
	s6 =	sadd.s32 @!p0 $0x88, s6;
	s7 =	simm.s32 @p2 $0x1082  }
0x22: {  	[simem:s7], [sflag:s8] =	dma.local @!p0 [hbm:s6], $0xF7A  }
0x23: {  	s9 =	sor.u32 $0xD0000000, s2;
	s6 =	simm.s32 $0x108;
	_ =	swait.ge @!p0 [sflag:s8], $0x0  }
0x24: {  	s3 =	sadd.s32 $0x88, s3;
	s6 =	simm.s32 @!p1 $0x1082;
	[sflag:s4] =	ssyncset.s32 $0xFFFFF086  }
0x25: {  	[simem:s6], [sflag:s4] =	dma.local [hbm:s3], $0xF7A  }
0x26: {  	[smem:$0x3F92] =	sst s1;
	(tag) =	ssettag s2;
	_ =	strace s9  }
0x27: {  	s1 =	sld [smem:$0x3FA2]  }
0x28: {  	s2 =	sld [smem:$0x3FA3]  }
0x29: {  	s4 =	sld [smem:$0x3FA5]  }
0x2a: {  	p0 =	seq.s32 s5, $0x0;
	s5 =	sld [smem:$0x3FA6]  }
0x2b: {  	s6 =	sld [smem:$0x3FA7]  }
0x2c: {  	s7 =	sld [smem:$0x3FA8]  }
0x2d: {  	s3 =	simm.s32 $0x108;
	s8 =	sld [smem:$0x3FA9]  }
0x2e: {  	s3 =	simm.s32 @!p0 $0x1082;
	s9 =	sld [smem:$0x3FAA]  }
0x2f: {  	lr =	sadd.s32 s0, s3;
	s0 =	sld [smem:$0x3FA1]  }
0x30: {  	s3 =	sld [smem:$0x3FA4]  }
0x31: {  	[smem:$0x3FAD] =	sst s10  }
0x32: {  	s10 =	sld [smem:$0x3FAB];
	_ =	sdelay $0x3  }
0x33: {  	p0 =	seq.s32 s10, $0x1;
	s10 =	sld [smem:$0x3FAD];
	_ =	sdelay $0x3  }
0x34: {  	[smem:$0x3FAD] =	sst s10  }
0x35: {  	s10 =	sld [smem:$0x3FAC];
	_ =	sdelay $0x3  }
0x36: {  	p1 =	seq.s32 s10, $0x1;
	s10 =	sld [smem:$0x3FAD];
	_ =	sdelay $0x3  }
0x37: {  	[smem:$0x3FAD] =	sst s10  }
0x38: {  	s10 =	sld [smem:$0x3FAE]  }
0x39: {  	_ = 	snop;
	(pc) =	sbr.ind lr, $3  }
0x3a: {  	_ = 	snop  }
0x3b: {  	_ = 	snop  }
0x3c: {  	p2 =	seq.s32 s10, $0x1;
	s10 =	sld [smem:$0x3FAD]  }
0x3d: {  	_ =	shalt  }
0x3e: {  	_ =	shalt  }
0x3f: {  	_ =	shalt  }
0x40: {  	_ =	shalt  }
0x41: {  	_ =	shalt  }
0x42: {  	_ =	shalt  }
0x43: {  	_ =	shalt  }
0x44: {  	_ =	shalt  }
0x45: {  	_ =	shalt  }
0x46: {  	_ =	shalt  }
0x47: {  	_ =	shalt  }
0x48: {  	_ =	shalt  }
0x49: {  	_ =	shalt  }
0x4a: {  	_ =	shalt  }
0x4b: {  	_ =	shalt  }
0x4c: {  	_ =	shalt  }
0x4d: {  	_ =	shalt  }
0x4e: {  	_ =	shalt  }
0x4f: {  	_ =	shalt  }
0x50: {  	_ =	shalt  }
0x51: {  	_ =	shalt  }
0x52: {  	_ =	shalt  }
0x53: {  	_ =	shalt  }
0x54: {  	_ =	shalt  }
0x55: {  	_ =	shalt  }
0x56: {  	_ =	shalt  }
0x57: {  	_ =	shalt  }
0x58: {  	_ =	shalt  }
0x59: {  	_ =	shalt  }
0x5a: {  	_ =	shalt  }
0x5b: {  	_ =	shalt  }
0x5c: {  	_ =	shalt  }
0x5d: {  	_ =	shalt  }
0x5e: {  	_ =	shalt  }
0x5f: {  	_ =	shalt  }
0x60: {  	_ =	shalt  }
0x61: {  	_ =	shalt  }
0x62: {  	_ =	shalt  }
0x63: {  	_ =	shalt  }
0x64: {  	_ =	shalt  }
0x65: {  	_ =	shalt  }
0x66: {  	_ =	shalt  }
0x67: {  	_ =	shalt  }
0x68: {  	_ =	shalt  }
0x69: {  	_ =	shalt  }
0x6a: {  	_ =	shalt  }
0x6b: {  	_ =	shalt  }
0x6c: {  	_ =	shalt  }
0x6d: {  	_ =	shalt  }
0x6e: {  	_ =	shalt  }
0x6f: {  	_ =	shalt  }
0x70: {  	_ =	shalt  }
0x71: {  	_ =	shalt  }
0x72: {  	_ =	shalt  }
0x73: {  	_ =	shalt  }
0x74: {  	_ =	shalt  }
0x75: {  	_ =	shalt  }
0x76: {  	_ =	shalt  }
0x77: {  	_ =	shalt  }
0x78: {  	_ =	shalt  }
0x79: {  	_ =	shalt  }
0x7a: {  	_ =	shalt  }
0x7b: {  	_ =	shalt  }
0x7c: {  	_ =	shalt  }
0x7d: {  	_ =	shalt  }
0x7e: {  	_ =	shalt  }
0x7f: {  	_ =	shalt  }
0x80: {  	_ =	shalt  }
0x81: {  	_ =	shalt  }
0x82: {  	_ =	shalt  }
0x83: {  	_ =	shalt  }
0x84: {  	_ =	shalt  }
0x85: {  	_ =	shalt  }
0x86: {  	_ =	shalt  }
0x87: {  	_ =	shalt  }
.Lfunc_end0:
.L_simem_size_0:
called_computation.3_lowered:
.L_overlay_start_0:
0x88: {  	s2 =	sld [smem:$0x3FD9]  }
0x89: {  	s3 =	sld [smem:$0x3FFE];
	_ =	sdelay $0x1  }
0x8a: {  	s1 =	srdreg.scid  }
0x8b: {  	s0 =	sand.u32 $0x1, s1  }
0x8c: {  	s16 =	sshll.u32 s0, $0xA;
	s2 =	sadd.s32 s3, s2  }
0x8d: {  	s2 =	sadd.s32 s2, s16  }
0x8e: {  	[smem:$0x3FB9] =	sst s2  }
0x8f: {  	_ = 	snop  }
0x90: {  	(tm) =	ssettm $0x1  }
0x91: {  	s17 =	sld [smem:$0x3FFB];
	_ =	sdelay $0x3  }
0x92: {  	_ =	strace s17  }
0x93: {  	s2 =	sld [smem:$0x3FFC];
	_ =	sdelay $0x3  }
0x94: {  	_ =	strace s2  }
0x95: {  	s2 =	sld [smem:$0x3FFD];
	_ =	sdelay $0x3  }
0x96: {  	_ =	strace s2  }
0x97: {  	_ =	strace $0x8FFFFFFF  }
0x98: {  	s18 =	sld [smem:$0x3FDB];
	_ =	sdelay $0x1  }
0x99: {  	s19 =	simm.s32 $_scs_section_size  }
0x9a: {  	s4 =	simm.s32 $_size__tile_overlayer_lowered;
	s5 =	simm.s32 $_tile_overlayer_lowered  }
0x9b: {  	s22 =	simm.s32 $0x1BFF;
	s21 =	sshll.u32 s5, $0x1;
	s2 =	sadd.s32 s19, s18  }
0x9c: {  	s6 =	simm.s32 $0x0;
	s20 =	sshll.u32 s4, $0x1;
	s4 =	sadd.s32 s21, s2  }
0x9d: {  	[timem:s6], [sflag:s22] =	dma.local [hbm:s4], s20  }
0x9e: {  	_ =	swait.ge [sflag:s22], s20  }
0x9f: {  	s3 =	ssub.s32 $0x0, s20;
	[sflag:s22] =	ssyncset.done $0x0  }
0xa0: {  	[sflag:s22] =	ssyncadd.s32 s3;
	_ =	sdelay $0x1  }
0xa1: {  	s23 =	simm.s32 $0x1B8B  }
0xa2: {  	_ =	swait.ge [sflag:s23], $0x1  }
0xa3: {  	[sflag:s23] =	ssyncset.done $0x0  }
0xa4: {  	s25 =	simm.s32 $0x1B8E;
	s24 =	sld [smem:$0x3FFE];
	[sflag:s23] =	ssyncadd.s32 $0xFFFFFFFF  }
0xa5: {  	s26 =	simm.s32 $execute0_lowered;
	[smem:$0x3FD2] =	sst s25  }
0xa6: {  	s4 =	sshll.u32 s26, $0x1;
	_ =	strace $0x8000004F;
	[dreg:$0x1] =	wrdreg $0xFFFFFFFF  }
0xa7: {  	s28 =	simm.s32 $_size_execute0_lowered;
	s2 =	sadd.s32 s2, s4;
	[dreg:$0x0] =	wrdreg $0x0  }
0xa8: {  	s4 =	sshll.u32 s28, $0x1;
	[dreg:$0x2] =	wrdreg s2  }
0xa9: {  	[dreg:$0x3] =	wrdreg s4  }
0xaa: {  	[dreg:$0x4] =	wrdreg $0xC0  }
0xab: {  	_ =	task [dreg:s6], $0x5FFFF  }
0xac: {  	[dreg:$0x1] =	wrdreg $0xFFFFFFFF  }
0xad: {  	[dreg:$0x0] =	wrdreg $0x60  }
0xae: {  	[dreg:$0x2] =	wrdreg s24  }
0xaf: {  	[dreg:$0x3] =	wrdreg $0xF0000  }
0xb0: {  	[dreg:$0x4] =	wrdreg $0x9  }
0xb1: {  	_ =	task.clear_ibuf [dreg:s6], $0x5FFFF;
	_ =	strace $0x9000004F  }
0xb2: {  	s29 =	simm.s32 $0x9;
	_ =	strace $0x80000051  }
0xb3: {  	_ =	swait.ge [sflag:s29], $0x1  }
0xb4: {  	[sflag:s29] =	ssyncadd.s32 $0xFFFFFFFF  }
0xb5: {  	_ =	strace $0x90000051  }
0xb6: {  	_ =	sfence  }
0xb7: {  	s30 =	sld [smem:$0x0];
	_ =	sdelay $0x2  }
0xb8: {  	s31 =	sshll.u32 s1, $0xD;
	s1 =	sshrl.u32 s1, $0x2  }
0xb9: {  	s3 =	sand.u32 $0x4000, s31;
	s1 =	sadd.s32 s1, s30  }
0xba: {  	s0 =	sor.u32 s3, s0;
	s1 =	sshll.u32 s1, $0x11  }
0xbb: {  	s0 =	sor.u32 s1, s0  }
0xbc: {  	s0 =	sadd.s32 $0x8F2B, s0  }
0xbd: {  	[sflag:s0] =	ssyncadd.remote.s32 $0x1  }
0xbe: {  	_ =	sfence.sel $0xFFFF  }
0xbf: {  	[dreg:$0x0] =	wrdreg $0xFFFFFFFF;
	(pc) =	sbr.abs _section_cstart, $3  }
0xc0: {  	[dreg:$0x1] =	wrdreg $0xFFFFFFFF  }
0xc1: {  	_ =	task.clear_ibuf [dreg:s6], $0x2FFFF;
	_ =	strace $0x9FFFFFFF  }
0xc2: {  	(tm) =	ssettm $0x7FFFFFFF  }
0xc3: {  	_ =	shalt  }
tec
execute0_lowered:
.L_overlay_start_1:
0x0: {  	(tag) =	ssettag $0x1  }
0x1: {  	s0 =	rddreg [dreg:$0x0]  }
0x2: {  	s2 =	rddreg [dreg:$0x1]  }
0x3: {  	s1 =	srdreg.scid;
	s10 =	stileid.u32;
	s3 =	simm.s32 $0x0  }
0x4: {  	s14 =	simm.s32 $0x80;
	s15 =	simm.s32 $0x5000;
	s16 =	simm.s32 $0x7000  }
0x5: {  	s18 =	simm.s32 $0x9000;
	s20 =	simm.s32 $0xB000;
	s22 =	simm.s32 $0xD000  }
0x6: {  	s28 =	simm.s32 $0x4E00;
	s29 =	simm.s32 $0x4E80;
	s30 =	simm.s32 $0x4F00  }
0x7: {  	s31 =	simm.s32 $0x4F80;
	s1 =	sand.u32 $0x1, s1;
	s5 =	smul.u32 $0x13880, s10  }
0x8: {  	s4 =	sshll.u32 s10, $0x1;
	[smem:$0x7FF] =	sst s3;
	s24 =	smul.u32 $0x9C40, s10  }
0x9: {  	s9 =	smul.u32 $0x27100, s10;
	s26 =	sshll.u32 s10, $0x6;
	s10 =	simm.s32 $0x3  }
0xa: {  	s4 =	sor.u32 s1, s4;
	s7 =	sshll.u32 s1, $0x6;
	_ =	strace $0x80000050  }
0xb: {  	s1 =	ssub.s32 $0x2, s1;
	s12 =	sor.u32 $0x1C03, s26;
	s26 =	simm.s32 $0x4D80  }
0xc: {  	s6 =	smul.u32 $0x500, s4;
	s4 =	sadd.s32 $0x17000, s0;
	s5 =	sor.u32 s7, s5  }
0xd: {  	s23 =	sshrl.u32 s1, $0x1;
	s11 =	sadd.s32 s24, s2;
	s7 =	sshrl.u32 s24, $0x3  }
0xe: {  	s25 =	sshrl.u32 s9, $0x2;
	s24 =	simm.s32 $0x2;
	s5 =	sshrl.u32 s5, $0x3  }
0xf: {  	s1 =	ssub.s32 s1, s23;
	s7 =	sadd.s32 s4, s7;
	s13 =	sshrl.u32 s11, $0x3  }
0x10: {  	s23 =	simm.s32 $0x1;
	s11 =	simm.s32 $0x0;
	s6 =	sadd.s32 s6, s0  }
0x11: {  	s0 =	sadd.s32 s5, s0;
	s9 =	smax.u32 s1, $0x1;
	s1 =	simm.s32 $0x8  }
0x12: {  	s5 =	sadd.s32 $0xD000, s6;
	s8 =	sadd.s32 $0x2AA00, s0;
	s0 =	sadd.s32 s25, s2  }
0x13: {  	s6 =	sadd.s32 $0x3000, s6;
	s25 =	sshrl.u32 s0, $0x3;
	s0 =	simm.s32 $0x10  }
.LBB2_1:
0x14: {  	[tilespmem:s3], [sflag:$0x3] =	stream.linear.gather [hbm4b:s5+s3], $0x2800, $0x38;
	[tilespmem:$0x19C40] =	vst v63  }
0x15: {  	_ =	swait.ge [sflag:s10], $0x2800  }
0x16: {  	[sflag:s10] =	ssyncset.done $0x0  }
0x17: {  	s17 =	simm.s32 $0x2800;
	[sflag:s10] =	ssyncadd.s32 $0xFFFFD800  }
0x18: {  	[tilespmem:s17], [sflag:$0x3] =	stream.linear.gather [hbm4b:s6+s3], $0x2800, $0x38;
	[tilespmem:$0x19C40] =	vst v63  }
0x19: {  	_ =	swait.ge [sflag:s10], $0x2800  }
0x1a: {  	[sflag:s10] =	ssyncset.done $0x0  }
0x1b: {  	[sflag:s10] =	ssyncadd.s32 $0xFFFFD800  }
0x1c: {  	[spmem:s13], [sflag:s12] =	dma.local [hbm:s7], $0x1388  }
0x1d: {  	_ =	swait.ge [sflag:s10], $0x1388  }
0x1e: {  	[sflag:s10] =	ssyncset.done $0x0  }
0x1f: {  	[sflag:s10] =	ssyncadd.s32 $0xFFFFEC78  }
0x20: {  	[bflag:$0x0] =	sbarrier.arrive $0xFFFF  }
0x21: {  	[tilespmem:s15], [sflag:$0x1] =	stream.indirect.gather [hbm4b:s4+s14], $0x40, s3, s14, $0xb8;
	[tilespmem:$0x19C40] =	vst v63  }
0x22: {  	_ = 	snop  }
0x23: {  	[tilespmem:s16], [sflag:$0x1] =	stream.indirect.gather [hbm4b:s4+s14], $0x40, s14, s14, $0xb8;
	[tilespmem:$0x19C40] =	vst v63  }
0x24: {  	s19 =	simm.s32 $0x100  }
0x25: {  	[tilespmem:s18], [sflag:$0x1] =	stream.indirect.gather [hbm4b:s4+s14], $0x40, s19, s14, $0xb8;
	[tilespmem:$0x19C40] =	vst v63  }
0x26: {  	s21 =	simm.s32 $0x180  }
0x27: {  	[tilespmem:s20], [sflag:$0x1] =	stream.indirect.gather [hbm4b:s4+s14], $0x40, s21, s14, $0xb8;
	[tilespmem:$0x19C40] =	vst v63  }
0x28: {  	s19 =	simm.s32 $0x200  }
0x29: {  	[tilespmem:s22], [sflag:$0x1] =	stream.indirect.gather [hbm4b:s4+s14], $0x40, s19, s14, $0xb8;
	[tilespmem:$0x19C40] =	vst v63  }
0x2a: {  	_ =	swait.ge [sflag:s23], $0x2000  }
0x2b: {  	[sflag:s23] =	ssyncset.done $0x0  }
0x2c: {  	s21 =	simm.s32 $0x2800;
	[sflag:s23] =	ssyncadd.s32 $0xFFFFE000  }
0x2d: {  	[spmem:s2] =	stream.indirect.scatter.add.f32 [tilespmem:s15], [sflag:$0x2], $0x40, s21, s14, $0xb8;
	[tilespmem:$0x19C40] =	vst v63  }
0x2e: {  	_ =	swait.ge [sflag:s23], $0x2000  }
0x2f: {  	[sflag:s23] =	ssyncset.done $0x0  }
0x30: {  	s19 =	simm.s32 $0x2880;
	[sflag:s23] =	ssyncadd.s32 $0xFFFFE000  }
0x31: {  	[spmem:s2] =	stream.indirect.scatter.add.f32 [tilespmem:s16], [sflag:$0x2], $0x40, s19, s14, $0xb8;
	[tilespmem:$0x19C40] =	vst v63  }
0x32: {  	_ =	swait.ge [sflag:s23], $0x2000  }
0x33: {  	[sflag:s23] =	ssyncset.done $0x0  }
0x34: {  	s21 =	simm.s32 $0x2900;
	[sflag:s23] =	ssyncadd.s32 $0xFFFFE000  }
0x35: {  	[spmem:s2] =	stream.indirect.scatter.add.f32 [tilespmem:s18], [sflag:$0x2], $0x40, s21, s14, $0xb8;
	[tilespmem:$0x19C40] =	vst v63  }
0x36: {  	_ =	swait.ge [sflag:s23], $0x2000  }
0x37: {  	[sflag:s23] =	ssyncset.done $0x0  }
0x38: {  	s19 =	simm.s32 $0x2980;
	[sflag:s23] =	ssyncadd.s32 $0xFFFFE000  }
0x39: {  	[spmem:s2] =	stream.indirect.scatter.add.f32 [tilespmem:s20], [sflag:$0x2], $0x40, s19, s14, $0xb8;
	[tilespmem:$0x19C40] =	vst v63  }
0x3a: {  	_ =	swait.ge [sflag:s23], $0x2000  }
0x3b: {  	[sflag:s23] =	ssyncset.done $0x0  }
0x3c: {  	s21 =	simm.s32 $0x2A00;
	[sflag:s23] =	ssyncadd.s32 $0xFFFFE000  }
0x3d: {  	[spmem:s2] =	stream.indirect.scatter.add.f32 [tilespmem:s22], [sflag:$0x2], $0x40, s21, s14, $0xb8;
	[tilespmem:$0x19C40] =	vst v63  }
0x3e: {  	_ =	swait.ge [sflag:s24], $0x2000  }
0x3f: {  	[sflag:s24] =	ssyncset.done $0x0  }
0x40: {  	s19 =	simm.s32 $0x280;
	[sflag:s24] =	ssyncadd.s32 $0xFFFFE000  }
0x41: {  	[tilespmem:s15], [sflag:$0x1] =	stream.indirect.gather [hbm4b:s4+s14], $0x40, s19, s14, $0xb8;
	[tilespmem:$0x19C40] =	vst v63  }
0x42: {  	_ =	swait.ge [sflag:s24], $0x2000  }
0x43: {  	[sflag:s24] =	ssyncset.done $0x0  }
0x44: {  	s21 =	simm.s32 $0x300;
	[sflag:s24] =	ssyncadd.s32 $0xFFFFE000  }
0x45: {  	[tilespmem:s16], [sflag:$0x1] =	stream.indirect.gather [hbm4b:s4+s14], $0x40, s21, s14, $0xb8;
	[tilespmem:$0x19C40] =	vst v63  }
0x46: {  	_ =	swait.ge [sflag:s24], $0x2000  }
0x47: {  	[sflag:s24] =	ssyncset.done $0x0  }
0x48: {  	s19 =	simm.s32 $0x380;
	[sflag:s24] =	ssyncadd.s32 $0xFFFFE000  }
0x49: {  	[tilespmem:s18], [sflag:$0x1] =	stream.indirect.gather [hbm4b:s4+s14], $0x40, s19, s14, $0xb8;
	[tilespmem:$0x19C40] =	vst v63  }
0x4a: {  	_ =	swait.ge [sflag:s24], $0x2000  }
0x4b: {  	[sflag:s24] =	ssyncset.done $0x0  }
0x4c: {  	s21 =	simm.s32 $0x400;
	[sflag:s24] =	ssyncadd.s32 $0xFFFFE000  }
0x4d: {  	[tilespmem:s20], [sflag:$0x1] =	stream.indirect.gather [hbm4b:s4+s14], $0x40, s21, s14, $0xb8;
	[tilespmem:$0x19C40] =	vst v63  }
0x4e: {  	_ =	swait.ge [sflag:s24], $0x2000  }
0x4f: {  	[sflag:s24] =	ssyncset.done $0x0  }
0x50: {  	s17 =	simm.s32 $0xA00;
	s19 =	simm.s32 $0x480;
	[sflag:s24] =	ssyncadd.s32 $0xFFFFE000  }
.LBB2_2:
0x51: {  	[tilespmem:s22], [sflag:$0x1] =	stream.indirect.gather [hbm4b:s4+s14], $0x40, s19, s14, $0xb8;
	[tilespmem:$0x19C40] =	vst v63  }
0x52: {  	s19 =	smov.u32 s17  }
0x53: {  	p0 =	sne.s32 s17, $0x8C00;
	s17 =	sadd.s32 $0xA00, s17;
	_ =	swait.ge [sflag:s23], $0x2000  }
0x54: {  	s19 =	sshra.s32 s19, $0x2;
	[sflag:s23] =	ssyncset.done $0x0  }
0x55: {  	s21 =	sadd.s32 $0x2800, s19;
	[sflag:s23] =	ssyncadd.s32 $0xFFFFE000  }
0x56: {  	[spmem:s2] =	stream.indirect.scatter.add.f32 [tilespmem:s15], [sflag:$0x2], $0x40, s21, s14, $0xb8;
	[tilespmem:$0x19C40] =	vst v63  }
0x57: {  	_ =	swait.ge [sflag:s23], $0x2000  }
0x58: {  	[sflag:s23] =	ssyncset.done $0x0  }
0x59: {  	s21 =	sadd.s32 $0x2880, s19;
	[sflag:s23] =	ssyncadd.s32 $0xFFFFE000  }
0x5a: {  	[spmem:s2] =	stream.indirect.scatter.add.f32 [tilespmem:s16], [sflag:$0x2], $0x40, s21, s14, $0xb8;
	[tilespmem:$0x19C40] =	vst v63  }
0x5b: {  	_ =	swait.ge [sflag:s23], $0x2000  }
0x5c: {  	[sflag:s23] =	ssyncset.done $0x0  }
0x5d: {  	s21 =	sadd.s32 $0x2900, s19;
	[sflag:s23] =	ssyncadd.s32 $0xFFFFE000  }
0x5e: {  	[spmem:s2] =	stream.indirect.scatter.add.f32 [tilespmem:s18], [sflag:$0x2], $0x40, s21, s14, $0xb8;
	[tilespmem:$0x19C40] =	vst v63  }
0x5f: {  	_ =	swait.ge [sflag:s23], $0x2000  }
0x60: {  	[sflag:s23] =	ssyncset.done $0x0  }
0x61: {  	s21 =	sadd.s32 $0x2980, s19;
	[sflag:s23] =	ssyncadd.s32 $0xFFFFE000  }
0x62: {  	[spmem:s2] =	stream.indirect.scatter.add.f32 [tilespmem:s20], [sflag:$0x2], $0x40, s21, s14, $0xb8;
	[tilespmem:$0x19C40] =	vst v63  }
0x63: {  	_ =	swait.ge [sflag:s23], $0x2000  }
0x64: {  	[sflag:s23] =	ssyncset.done $0x0  }
0x65: {  	s21 =	sadd.s32 $0x2A00, s19;
	[sflag:s23] =	ssyncadd.s32 $0xFFFFE000  }
0x66: {  	[spmem:s2] =	stream.indirect.scatter.add.f32 [tilespmem:s22], [sflag:$0x2], $0x40, s21, s14, $0xb8;
	[tilespmem:$0x19C40] =	vst v63  }
0x67: {  	_ =	swait.ge [sflag:s24], $0x2000  }
0x68: {  	[sflag:s24] =	ssyncset.done $0x0  }
0x69: {  	s21 =	sadd.s32 $0x280, s19;
	[sflag:s24] =	ssyncadd.s32 $0xFFFFE000  }
0x6a: {  	[tilespmem:s15], [sflag:$0x1] =	stream.indirect.gather [hbm4b:s4+s14], $0x40, s21, s14, $0xb8;
	[tilespmem:$0x19C40] =	vst v63  }
0x6b: {  	_ =	swait.ge [sflag:s24], $0x2000  }
0x6c: {  	[sflag:s24] =	ssyncset.done $0x0  }
0x6d: {  	s21 =	sadd.s32 $0x300, s19;
	[sflag:s24] =	ssyncadd.s32 $0xFFFFE000  }
0x6e: {  	[tilespmem:s16], [sflag:$0x1] =	stream.indirect.gather [hbm4b:s4+s14], $0x40, s21, s14, $0xb8;
	[tilespmem:$0x19C40] =	vst v63  }
0x6f: {  	_ =	swait.ge [sflag:s24], $0x2000  }
0x70: {  	[sflag:s24] =	ssyncset.done $0x0  }
0x71: {  	s21 =	sadd.s32 $0x380, s19;
	[sflag:s24] =	ssyncadd.s32 $0xFFFFE000  }
0x72: {  	[tilespmem:s18], [sflag:$0x1] =	stream.indirect.gather [hbm4b:s4+s14], $0x40, s21, s14, $0xb8;
	[tilespmem:$0x19C40] =	vst v63  }
0x73: {  	_ =	swait.ge [sflag:s24], $0x2000  }
0x74: {  	[sflag:s24] =	ssyncset.done $0x0  }
.Ltmp0:
0x75: {  	s21 =	sadd.s32 $0x400, s19;
	[sflag:s24] =	ssyncadd.s32 $0xFFFFE000;
	(pc) =	sbr.rel @p0 .LBB2_2-.Ltmp0, $4  }
0x76: {  	[tilespmem:s20], [sflag:$0x1] =	stream.indirect.gather [hbm4b:s4+s14], $0x40, s21, s14, $0xb8;
	[tilespmem:$0x19C40] =	vst v63  }
0x77: {  	_ =	swait.ge [sflag:s24], $0x2000  }
0x78: {  	[sflag:s24] =	ssyncset.done $0x0  }
0x79: {  	s19 =	sadd.s32 $0x480, s19;
	[sflag:s24] =	ssyncadd.s32 $0xFFFFE000  }
0x7a: {  	[tilespmem:s22], [sflag:$0x1] =	stream.indirect.gather [hbm4b:s4+s14], $0x40, s19, s14, $0xb8;
	[tilespmem:$0x19C40] =	vst v63  }
0x7b: {  	_ =	swait.ge [sflag:s23], $0x2000  }
0x7c: {  	[sflag:s23] =	ssyncset.done $0x0  }
0x7d: {  	[sflag:s23] =	ssyncadd.s32 $0xFFFFE000  }
0x7e: {  	[spmem:s2] =	stream.indirect.scatter.add.f32 [tilespmem:s15], [sflag:$0x2], $0x40, s26, s14, $0xb8;
	[tilespmem:$0x19C40] =	vst v63  }
0x7f: {  	_ =	swait.ge [sflag:s23], $0x2000  }
0x80: {  	[sflag:s23] =	ssyncset.done $0x0  }
0x81: {  	[sflag:s23] =	ssyncadd.s32 $0xFFFFE000  }
0x82: {  	[spmem:s2] =	stream.indirect.scatter.add.f32 [tilespmem:s16], [sflag:$0x2], $0x40, s28, s14, $0xb8;
	[tilespmem:$0x19C40] =	vst v63  }
0x83: {  	_ =	swait.ge [sflag:s23], $0x2000  }
0x84: {  	[sflag:s23] =	ssyncset.done $0x0  }
0x85: {  	[sflag:s23] =	ssyncadd.s32 $0xFFFFE000  }
0x86: {  	[spmem:s2] =	stream.indirect.scatter.add.f32 [tilespmem:s18], [sflag:$0x2], $0x40, s29, s14, $0xb8;
	[tilespmem:$0x19C40] =	vst v63  }
0x87: {  	_ =	swait.ge [sflag:s23], $0x2000  }
0x88: {  	[sflag:s23] =	ssyncset.done $0x0  }
0x89: {  	[sflag:s23] =	ssyncadd.s32 $0xFFFFE000  }
0x8a: {  	[spmem:s2] =	stream.indirect.scatter.add.f32 [tilespmem:s20], [sflag:$0x2], $0x40, s30, s14, $0xb8;
	[tilespmem:$0x19C40] =	vst v63  }
0x8b: {  	_ =	swait.ge [sflag:s23], $0x2000  }
0x8c: {  	[sflag:s23] =	ssyncset.done $0x0  }
0x8d: {  	[sflag:s23] =	ssyncadd.s32 $0xFFFFE000  }
0x8e: {  	[spmem:s2] =	stream.indirect.scatter.add.f32 [tilespmem:s22], [sflag:$0x2], $0x40, s31, s14, $0xb8;
	[tilespmem:$0x19C40] =	vst v63  }
0x8f: {  	_ =	swait.ge [sflag:s24], $0x2000  }
0x90: {  	[sflag:s24] =	ssyncset.done $0x0  }
0x91: {  	[sflag:s24] =	ssyncadd.s32 $0xFFFFE000  }
0x92: {  	_ =	swait.ge [sflag:s24], $0x2000  }
0x93: {  	[sflag:s24] =	ssyncset.done $0x0  }
0x94: {  	[sflag:s24] =	ssyncadd.s32 $0xFFFFE000  }
0x95: {  	_ =	swait.ge [sflag:s24], $0x2000  }
0x96: {  	[sflag:s24] =	ssyncset.done $0x0  }
0x97: {  	[sflag:s24] =	ssyncadd.s32 $0xFFFFE000  }
0x98: {  	_ =	swait.ge [sflag:s24], $0x2000  }
0x99: {  	[sflag:s24] =	ssyncset.done $0x0  }
0x9a: {  	[sflag:s24] =	ssyncadd.s32 $0xFFFFE000  }
0x9b: {  	_ =	swait.ge [sflag:s24], $0x2000  }
0x9c: {  	s11 =	sadd.s32 $0x1, s11;
	[sflag:s24] =	ssyncset.done $0x0  }
0x9d: {  	p0 =	sne.s32 s11, s9;
	[sflag:s24] =	ssyncadd.s32 $0xFFFFE000  }
.Ltmp1:
0x9e: {  	[bflag:$0x0] =	sbarrier.arrive $0xFFFF;
	(pc) =	sbr.rel @p0 .LBB2_1-.Ltmp1, $4  }
0x9f: {  	[hbm:s8@s0], [sflag:s12] =	dma.strided [spmem:s25@s1], $0x1388, s23, $0x8   }
0xa0: {  	_ =	swait.ge [sflag:s10], $0x1388  }
0xa1: {  	[sflag:s10] =	ssyncset.done $0x0  }
0xa2: {  	[sflag:s10] =	ssyncadd.s32 $0xFFFFEC78  }
0xa3: {  	_ =	sfence.sel $0x180000  }
0xa4: {  	[bflag:$0x0] =	sbarrier.arrive $0xFFFF  }
0xa5: {  	_ =	strace $0x90000050  }
0xa6: {  	s0 =	stileid.u32;
	[bflag:$0x2] =	sbarrier.arrive $0xFFFF  }
0xa7: {  	p0 =	sne.s32 s0, $0x0;
	s0 =	rddreg [dreg:$0x2]  }
0xa8: {  	s0 =	sadd.s32 @!p0 $0x100000, s0  }
0xa9: {  	[sflag:s0] =	ssyncadd.tile.s32 @!p0 $0x1;
	_ =	shalt  }
.Lfunc_end2:
_tile_overlayer_lowered:
.L_overlay_start_2:
0xaa: {  	(tag) =	ssettag $0x2  }
0xab: {  	s0 =	rddreg [dreg:$0x0];
	s2 =	stileid.u32  }
0xac: {  	s1 =	rddreg [dreg:$0x1];
	p0 =	sne.s32 s2, $0x0  }
0xad: {  	s3 =	rddreg [dreg:$0x2];
	[bflag:$0x3] =	sbarrier.arrive $0xFFFF;
	s2 =	simm.s32 @!p0 $0x1C03  }
0xae: {  	[timem:s3], [sflag:s2] =	dma.local @!p0 [hbm:s0], s1  }
0xaf: {  	s0 =	simm.s32 @!p0 $0x3  }
0xb0: {  	_ =	swait.ge @!p0 [sflag:s0], s1  }
0xb1: {  	s1 =	ssub.s32 @!p0 $0x0, s1;
	[sflag:s0] =	ssyncset.done @!p0 $0x0  }
0xb2: {  	[sflag:s0] =	ssyncadd.s32 @!p0 s1  }
0xb3: {  	[bflag:$0x3] =	sbarrier.arrive $0xFFFF  }
0xb4: {  	_ =	shalt  }

</sc_bundles>
